<compile_context>
chip_gen: v7x
topology: tpu7x:2x2x1
jax: 0.10.2.dev20260603
libtpu: 0.0.44.dev20260713+nightly
codegen_flags: <defaults>
</compile_context>

<pallas_src>
import functools

import jax
import jax.numpy as jnp
from jax import lax
from jax.experimental import pallas as pl
from jax.experimental.pallas import tpu as pltpu
from jax.experimental.pallas import tpu_sc as plsc

_VOCAB = 50000
_D = 768
_B = 1024
_S = 200
_LANES = 16
_NC = 2
_NS = 16
_NW = _NC * _NS
_BPW = _B // _NW
_NCHUNK = _D // _LANES


def _pool_body(ids_hbm, emb_hbm, out_hbm, idx_v, rows0, rows1, acc_v, sem0, sem1):
    wid = lax.axis_index("s") * _NC + lax.axis_index("c")
    base = wid * _BPW

    pltpu.sync_copy(ids_hbm.at[pl.ds(wid * _S, _S)], idx_v)

    def _zero_row(i, _):
        for d in range(_NCHUNK):
            acc_v[i, pl.ds(d * _LANES, _LANES)] = jnp.zeros(
                (_LANES,), jnp.float32
            )
        return 0

    lax.fori_loop(0, _BPW, _zero_row, 0)

    def _start(s, buf, sem):
        pltpu.async_copy(emb_hbm.at[idx_v.at[s, pl.ds(0, _BPW)]], buf, sem)

    def _drain(buf, sem):
        pltpu.make_async_copy(
            emb_hbm.at[idx_v.at[0, pl.ds(0, _BPW)]], buf, sem
        ).wait()

    def _accum(buf):
        def _acc_row(i, _):
            for d in range(_NCHUNK):
                sl = pl.ds(d * _LANES, _LANES)
                plsc.addupdate(acc_v.at[i, sl], buf[i, sl])
            return 0

        lax.fori_loop(0, _BPW, _acc_row, 0)

    _start(0, rows0, sem0)

    def _step(s, _):
        nxt = s + 1

        @pl.when(nxt < _S)
        def _():
            @pl.when(nxt % 2 == 0)
            def _():
                _start(nxt, rows0, sem0)

            @pl.when(nxt % 2 == 1)
            def _():
                _start(nxt, rows1, sem1)

        @pl.when(s % 2 == 0)
        def _():
            _drain(rows0, sem0)
            _accum(rows0)

        @pl.when(s % 2 == 1)
        def _():
            _drain(rows1, sem1)
            _accum(rows1)

        return 0

    lax.fori_loop(0, _S, _step, 0)

    pltpu.sync_copy(acc_v, out_hbm.at[pl.ds(base, _BPW)])


@jax.jit
def _pool(ids_pad, emb_table):
    return pl.kernel(
        _pool_body,
        out_type=jax.ShapeDtypeStruct((_B, _D), jnp.float32),
        mesh=plsc.VectorSubcoreMesh(core_axis_name="c", subcore_axis_name="s"),
        scratch_types=[
            pltpu.VMEM((_S, 128), jnp.int32),
            pltpu.VMEM((_BPW, _D), jnp.float32),
            pltpu.VMEM((_BPW, _D), jnp.float32),
            pltpu.VMEM((_BPW, _D), jnp.float32),
            pltpu.SemaphoreType.DMA,
            pltpu.SemaphoreType.DMA,
        ],
    )(ids_pad, emb_table)


_BN = 3584
_NT = (_VOCAB + _BN - 1) // _BN


def _mm_body(x_ref, w_ref, b_ref, o_ref):
    acc = lax.dot_general(
        x_ref[...].astype(jnp.bfloat16),
        w_ref[...].astype(jnp.bfloat16),
        (((1,), (1,)), ((), ())),
        preferred_element_type=jnp.float32,
    )
    o_ref[...] = acc * (1.0 / _S) + b_ref[...]


@jax.jit
def _project(pooled, w, bias):
    return pl.pallas_call(
        _mm_body,
        grid=(_NT,),
        in_specs=[
            pl.BlockSpec((_B, _D), lambda j: (0, 0)),
            pl.BlockSpec((_BN, _D), lambda j: (j, 0)),
            pl.BlockSpec((1, _BN), lambda j: (0, j)),
        ],
        out_specs=pl.BlockSpec((_B, _BN), lambda j: (0, j)),
        out_shape=jax.ShapeDtypeStruct((_B, _VOCAB), jnp.float32),
    )(pooled, w, bias)


def kernel(input_ids, emb_table, W, b):
    ids_w = input_ids.T.reshape(_S, _NW, _BPW).transpose(1, 0, 2)
    ids_pad = jnp.pad(ids_w, ((0, 0), (0, 0), (0, 128 - _BPW)))
    ids_pad = ids_pad.reshape(_NW * _S, 128)
    sums = _pool(ids_pad, emb_table)
    return _project(sums, W, b.reshape(1, _VOCAB))

# --- scband reference (transcript-rebuilt; emitter-appended) ---
"""Pipeline reference for scband-crypto-aware-model-10161892622987 (READ-ONLY COPY).

The authoritative reference and input builder live on the scoring server;
editing this copy changes nothing except your own understanding.
"""

import jax, jax.numpy as jnp
import numpy as np

VOCAB = 50000
D = 768
B = 1024
S = 200

def setup_inputs(seed: int = 0) -> dict:
    key = jax.random.key(seed)
    k1, k2, k3, k4 = jax.random.split(key, 4)
    input_ids = jax.random.randint(k1, (B, S), 0, VOCAB, dtype=jnp.int64 if jax.config.jax_enable_x64 else jnp.int32).astype(jnp.int32)
    emb_table = jax.random.normal(k2, (VOCAB, D), dtype=jnp.float32) * 0.02
    W = jax.random.normal(k3, (VOCAB, D), dtype=jnp.float32) * (1.0 / np.sqrt(D))
    b = jax.random.normal(k4, (VOCAB,), dtype=jnp.float32) * 0.01
    return {"input_ids": input_ids, "emb_table": emb_table, "W": W, "b": b}

def reference(input_ids, emb_table, W, b):
    # x = self.embedding(input_ids)  -> gather rows
    x = jnp.take(emb_table, input_ids, axis=0)          # [B, S, D]
    # logits = self.linear(x.mean(dim=1))  torch Linear: y = x @ W^T + b
    pooled = jnp.mean(x, axis=1)                        # [B, D]
    logits = pooled @ W.T + b                           # [B, VOCAB]
    return logits

if __name__ == "__main__":
    import jax
    _d = setup_inputs()
    print(jax.jit(kernel)(*tuple(_d.values())))

</pallas_src>

<mosaic_0001>
#map = affine_map<(d0, d1) -> (0, 0)>
module attributes {stable_mosaic.version = 14 : i64} {
  func.func @_pool_body(%arg0: i32, %arg1: i32, %arg2: memref<6400x128xi32, #tpu.memory_space<hbm>>, %arg3: memref<50000x768xf32, #tpu.memory_space<hbm>>, %arg4: memref<1024x768xf32, #tpu.memory_space<hbm>>, %arg5: memref<200x128xi32, #tpu.memory_space<vmem>>, %arg6: memref<32x768xf32, #tpu.memory_space<vmem>>, %arg7: memref<32x768xf32, #tpu.memory_space<vmem>>, %arg8: memref<32x768xf32, #tpu.memory_space<vmem>>, %arg9: memref<!tpu.dma_semaphore, #tpu.memory_space<semaphore_mem>>, %arg10: memref<!tpu.dma_semaphore, #tpu.memory_space<semaphore_mem>>) attributes {dimension_semantics = [#tpu.dimension_semantics<core_parallel>, #tpu.dimension_semantics<subcore_parallel>], iteration_bounds = array<i64: 2, 16>, scalar_prefetch = 0 : i64, scratch_operands = 6 : i64, tpu.core_type = #tpu.core_type<sc_vector_subcore>, window_params = [{transform_indices = #map}, {transform_indices = #map}, {transform_indices = #map}]} {
    %mul3A = arith.constant 2 : i32
    %mul3A_0 = arith.muli %arg1, %mul3A : i32
    %add3A = arith.addi %mul3A_0, %arg0 : i32
    %mul3A_1 = arith.constant 32 : i32
    %mul3A_2 = arith.muli %add3A, %mul3A_1 : i32
    %mul3A_3 = arith.constant 200 : i32
    %mul3A_4 = arith.muli %add3A, %mul3A_3 : i32
    "tpu.region"() ({
      %run_scoped3A = tpu.sem_alloc : memref<!tpu.dma_semaphore, #tpu.memory_space<semaphore_mem>>
      %dma_start3A_24 = arith.constant 0 : i32
      %dma_start3A_25 = tpu.memref_slice %arg2[%mul3A_4, %dma_start3A_24] : memref<6400x128xi32, #tpu.memory_space<hbm>> -> memref<200x128xi32, #tpu.memory_space<hbm>>
      %dma_start3A_26 = arith.constant 0 : i32
      %dma_start3A_27 = tpu.memref_slice %arg2[%mul3A_4, %dma_start3A_26] : memref<6400x128xi32, #tpu.memory_space<hbm>> -> memref<200x128xi32, #tpu.memory_space<hbm>>
      tpu.enqueue_dma source(%dma_start3A_27 : memref<200x128xi32, #tpu.memory_space<hbm>>) target(%arg5 : memref<200x128xi32, #tpu.memory_space<vmem>>) target_semaphore(%run_scoped3A : memref<!tpu.dma_semaphore, #tpu.memory_space<semaphore_mem>>)
      %dma_wait3A = arith.constant 0 : i32
      %dma_wait3A_28 = tpu.memref_slice %arg2[%mul3A_4, %dma_wait3A] : memref<6400x128xi32, #tpu.memory_space<hbm>> -> memref<200x128xi32, #tpu.memory_space<hbm>>
      %dma_wait3A_29 = arith.constant 0 : i32
      %dma_wait3A_30 = tpu.memref_slice %arg2[%mul3A_4, %dma_wait3A_29] : memref<6400x128xi32, #tpu.memory_space<hbm>> -> memref<200x128xi32, #tpu.memory_space<hbm>>
      tpu.wait_dma2 semaphore(%run_scoped3A : memref<!tpu.dma_semaphore, #tpu.memory_space<semaphore_mem>>) src(%dma_wait3A_30 : memref<200x128xi32, #tpu.memory_space<hbm>>) dst(%arg5 : memref<200x128xi32, #tpu.memory_space<vmem>>)
      tpu.yield
    }) : () -> ()
    %scan3A = arith.constant 0 : i32
    %scan3A_5 = arith.constant 0 : i32
    %scan3A_6 = arith.constant 32 : i32
    %scan3A_7 = arith.addi %scan3A_5, %scan3A_6 : i32
    %scan3A_8 = arith.constant 1 : i32
    %scan3A_9 = scf.for %scan3A_24 = %scan3A_5 to %scan3A_7 step %scan3A_8 iter_args(%scan3A_25 = %scan3A) -> (i32)  : i32 {
      %broadcast_in_dim3A = arith.constant 0.000000e+00 : f32
      %broadcast_in_dim3A_26 = vector.broadcast %broadcast_in_dim3A : f32 to vector<16xf32>
      %swap3A = arith.index_cast %scan3A_24 : i32 to index
      %swap3A_27 = arith.constant 0 : index
      %swap3A_28 = tpu.vector_load %arg8[%swap3A, %swap3A_27] {strides = array<i32>} : memref<32x768xf32, #tpu.memory_space<vmem>>, vector<1x16xf32>,
      %swap3A_29 = vector.shape_cast %swap3A_28 : vector<1x16xf32> to vector<16xf32>
      %swap3A_30 = vector.shape_cast %broadcast_in_dim3A_26 : vector<16xf32> to vector<1x16xf32>
      tpu.vector_store %arg8[%swap3A, %swap3A_27], %swap3A_30 {strides = array<i32>} : memref<32x768xf32, #tpu.memory_space<vmem>>, vector<1x16xf32>,
      %broadcast_in_dim3A_31 = arith.constant 0.000000e+00 : f32
      %broadcast_in_dim3A_32 = vector.broadcast %broadcast_in_dim3A_31 : f32 to vector<16xf32>
      %swap3A_33 = arith.index_cast %scan3A_24 : i32 to index
      %swap3A_34 = arith.constant 16 : index
      %swap3A_35 = tpu.vector_load %arg8[%swap3A_33, %swap3A_34] {strides = array<i32>} : memref<32x768xf32, #tpu.memory_space<vmem>>, vector<1x16xf32>,
      %swap3A_36 = vector.shape_cast %swap3A_35 : vector<1x16xf32> to vector<16xf32>
      %swap3A_37 = vector.shape_cast %broadcast_in_dim3A_32 : vector<16xf32> to vector<1x16xf32>
      tpu.vector_store %arg8[%swap3A_33, %swap3A_34], %swap3A_37 {strides = array<i32>} : memref<32x768xf32, #tpu.memory_space<vmem>>, vector<1x16xf32>,
      %broadcast_in_dim3A_38 = arith.constant 0.000000e+00 : f32
      %broadcast_in_dim3A_39 = vector.broadcast %broadcast_in_dim3A_38 : f32 to vector<16xf32>
      %swap3A_40 = arith.index_cast %scan3A_24 : i32 to index
      %swap3A_41 = arith.constant 32 : index
      %swap3A_42 = tpu.vector_load %arg8[%swap3A_40, %swap3A_41] {strides = array<i32>} : memref<32x768xf32, #tpu.memory_space<vmem>>, vector<1x16xf32>,
      %swap3A_43 = vector.shape_cast %swap3A_42 : vector<1x16xf32> to vector<16xf32>
      %swap3A_44 = vector.shape_cast %broadcast_in_dim3A_39 : vector<16xf32> to vector<1x16xf32>
      tpu.vector_store %arg8[%swap3A_40, %swap3A_41], %swap3A_44 {strides = array<i32>} : memref<32x768xf32, #tpu.memory_space<vmem>>, vector<1x16xf32>,
      %broadcast_in_dim3A_45 = arith.constant 0.000000e+00 : f32
      %broadcast_in_dim3A_46 = vector.broadcast %broadcast_in_dim3A_45 : f32 to vector<16xf32>
      %swap3A_47 = arith.index_cast %scan3A_24 : i32 to index
      %swap3A_48 = arith.constant 48 : index
      %swap3A_49 = tpu.vector_load %arg8[%swap3A_47, %swap3A_48] {strides = array<i32>} : memref<32x768xf32, #tpu.memory_space<vmem>>, vector<1x16xf32>,
      %swap3A_50 = vector.shape_cast %swap3A_49 : vector<1x16xf32> to vector<16xf32>
      %swap3A_51 = vector.shape_cast %broadcast_in_dim3A_46 : vector<16xf32> to vector<1x16xf32>
      tpu.vector_store %arg8[%swap3A_47, %swap3A_48], %swap3A_51 {strides = array<i32>} : memref<32x768xf32, #tpu.memory_space<vmem>>, vector<1x16xf32>,
      %broadcast_in_dim3A_52 = arith.constant 0.000000e+00 : f32
      %broadcast_in_dim3A_53 = vector.broadcast %broadcast_in_dim3A_52 : f32 to vector<16xf32>
      %swap3A_54 = arith.index_cast %scan3A_24 : i32 to index
      %swap3A_55 = arith.constant 64 : index
      %swap3A_56 = tpu.vector_load %arg8[%swap3A_54, %swap3A_55] {strides = array<i32>} : memref<32x768xf32, #tpu.memory_space<vmem>>, vector<1x16xf32>,
      %swap3A_57 = vector.shape_cast %swap3A_56 : vector<1x16xf32> to vector<16xf32>
      %swap3A_58 = vector.shape_cast %broadcast_in_dim3A_53 : vector<16xf32> to vector<1x16xf32>
      tpu.vector_store %arg8[%swap3A_54, %swap3A_55], %swap3A_58 {strides = array<i32>} : memref<32x768xf32, #tpu.memory_space<vmem>>, vector<1x16xf32>,
      %broadcast_in_dim3A_59 = arith.constant 0.000000e+00 : f32
      %broadcast_in_dim3A_60 = vector.broadcast %broadcast_in_dim3A_59 : f32 to vector<16xf32>
      %swap3A_61 = arith.index_cast %scan3A_24 : i32 to index
      %swap3A_62 = arith.constant 80 : index
      %swap3A_63 = tpu.vector_load %arg8[%swap3A_61, %swap3A_62] {strides = array<i32>} : memref<32x768xf32, #tpu.memory_space<vmem>>, vector<1x16xf32>,
      %swap3A_64 = vector.shape_cast %swap3A_63 : vector<1x16xf32> to vector<16xf32>
      %swap3A_65 = vector.shape_cast %broadcast_in_dim3A_60 : vector<16xf32> to vector<1x16xf32>
      tpu.vector_store %arg8[%swap3A_61, %swap3A_62], %swap3A_65 {strides = array<i32>} : memref<32x768xf32, #tpu.memory_space<vmem>>, vector<1x16xf32>,
      %broadcast_in_dim3A_66 = arith.constant 0.000000e+00 : f32
      %broadcast_in_dim3A_67 = vector.broadcast %broadcast_in_dim3A_66 : f32 to vector<16xf32>
      %swap3A_68 = arith.index_cast %scan3A_24 : i32 to index
      %swap3A_69 = arith.constant 96 : index
      %swap3A_70 = tpu.vector_load %arg8[%swap3A_68, %swap3A_69] {strides = array<i32>} : memref<32x768xf32, #tpu.memory_space<vmem>>, vector<1x16xf32>,
      %swap3A_71 = vector.shape_cast %swap3A_70 : vector<1x16xf32> to vector<16xf32>
      %swap3A_72 = vector.shape_cast %broadcast_in_dim3A_67 : vector<16xf32> to vector<1x16xf32>
      tpu.vector_store %arg8[%swap3A_68, %swap3A_69], %swap3A_72 {strides = array<i32>} : memref<32x768xf32, #tpu.memory_space<vmem>>, vector<1x16xf32>,
      %broadcast_in_dim3A_73 = arith.constant 0.000000e+00 : f32
      %broadcast_in_dim3A_74 = vector.broadcast %broadcast_in_dim3A_73 : f32 to vector<16xf32>
      %swap3A_75 = arith.index_cast %scan3A_24 : i32 to index
      %swap3A_76 = arith.constant 112 : index
      %swap3A_77 = tpu.vector_load %arg8[%swap3A_75, %swap3A_76] {strides = array<i32>} : memref<32x768xf32, #tpu.memory_space<vmem>>, vector<1x16xf32>,
      %swap3A_78 = vector.shape_cast %swap3A_77 : vector<1x16xf32> to vector<16xf32>
      %swap3A_79 = vector.shape_cast %broadcast_in_dim3A_74 : vector<16xf32> to vector<1x16xf32>
      tpu.vector_store %arg8[%swap3A_75, %swap3A_76], %swap3A_79 {strides = array<i32>} : memref<32x768xf32, #tpu.memory_space<vmem>>, vector<1x16xf32>,
      %broadcast_in_dim3A_80 = arith.constant 0.000000e+00 : f32
      %broadcast_in_dim3A_81 = vector.broadcast %broadcast_in_dim3A_80 : f32 to vector<16xf32>
      %swap3A_82 = arith.index_cast %scan3A_24 : i32 to index
      %swap3A_83 = arith.constant 128 : index
      %swap3A_84 = tpu.vector_load %arg8[%swap3A_82, %swap3A_83] {strides = array<i32>} : memref<32x768xf32, #tpu.memory_space<vmem>>, vector<1x16xf32>,
      %swap3A_85 = vector.shape_cast %swap3A_84 : vector<1x16xf32> to vector<16xf32>
      %swap3A_86 = vector.shape_cast %broadcast_in_dim3A_81 : vector<16xf32> to vector<1x16xf32>
      tpu.vector_store %arg8[%swap3A_82, %swap3A_83], %swap3A_86 {strides = array<i32>} : memref<32x768xf32, #tpu.memory_space<vmem>>, vector<1x16xf32>,
      %broadcast_in_dim3A_87 = arith.constant 0.000000e+00 : f32
      %broadcast_in_dim3A_88 = vector.broadcast %broadcast_in_dim3A_87 : f32 to vector<16xf32>
      %swap3A_89 = arith.index_cast %scan3A_24 : i32 to index
      %swap3A_90 = arith.constant 144 : index
      %swap3A_91 = tpu.vector_load %arg8[%swap3A_89, %swap3A_90] {strides = array<i32>} : memref<32x768xf32, #tpu.memory_space<vmem>>, vector<1x16xf32>,
      %swap3A_92 = vector.shape_cast %swap3A_91 : vector<1x16xf32> to vector<16xf32>
      %swap3A_93 = vector.shape_cast %broadcast_in_dim3A_88 : vector<16xf32> to vector<1x16xf32>
      tpu.vector_store %arg8[%swap3A_89, %swap3A_90], %swap3A_93 {strides = array<i32>} : memref<32x768xf32, #tpu.memory_space<vmem>>, vector<1x16xf32>,
      %broadcast_in_dim3A_94 = arith.constant 0.000000e+00 : f32
      %broadcast_in_dim3A_95 = vector.broadcast %broadcast_in_dim3A_94 : f32 to vector<16xf32>
      %swap3A_96 = arith.index_cast %scan3A_24 : i32 to index
      %swap3A_97 = arith.constant 160 : index
      %swap3A_98 = tpu.vector_load %arg8[%swap3A_96, %swap3A_97] {strides = array<i32>} : memref<32x768xf32, #tpu.memory_space<vmem>>, vector<1x16xf32>,
      %swap3A_99 = vector.shape_cast %swap3A_98 : vector<1x16xf32> to vector<16xf32>
      %swap3A_100 = vector.shape_cast %broadcast_in_dim3A_95 : vector<16xf32> to vector<1x16xf32>
      tpu.vector_store %arg8[%swap3A_96, %swap3A_97], %swap3A_100 {strides = array<i32>} : memref<32x768xf32, #tpu.memory_space<vmem>>, vector<1x16xf32>,
      %broadcast_in_dim3A_101 = arith.constant 0.000000e+00 : f32
      %broadcast_in_dim3A_102 = vector.broadcast %broadcast_in_dim3A_101 : f32 to vector<16xf32>
      %swap3A_103 = arith.index_cast %scan3A_24 : i32 to index
      %swap3A_104 = arith.constant 176 : index
      %swap3A_105 = tpu.vector_load %arg8[%swap3A_103, %swap3A_104] {strides = array<i32>} : memref<32x768xf32, #tpu.memory_space<vmem>>, vector<1x16xf32>,
      %swap3A_106 = vector.shape_cast %swap3A_105 : vector<1x16xf32> to vector<16xf32>
      %swap3A_107 = vector.shape_cast %broadcast_in_dim3A_102 : vector<16xf32> to vector<1x16xf32>
      tpu.vector_store %arg8[%swap3A_103, %swap3A_104], %swap3A_107 {strides = array<i32>} : memref<32x768xf32, #tpu.memory_space<vmem>>, vector<1x16xf32>,
      %broadcast_in_dim3A_108 = arith.constant 0.000000e+00 : f32
      %broadcast_in_dim3A_109 = vector.broadcast %broadcast_in_dim3A_108 : f32 to vector<16xf32>
      %swap3A_110 = arith.index_cast %scan3A_24 : i32 to index
      %swap3A_111 = arith.constant 192 : index
      %swap3A_112 = tpu.vector_load %arg8[%swap3A_110, %swap3A_111] {strides = array<i32>} : memref<32x768xf32, #tpu.memory_space<vmem>>, vector<1x16xf32>,
      %swap3A_113 = vector.shape_cast %swap3A_112 : vector<1x16xf32> to vector<16xf32>
      %swap3A_114 = vector.shape_cast %broadcast_in_dim3A_109 : vector<16xf32> to vector<1x16xf32>
      tpu.vector_store %arg8[%swap3A_110, %swap3A_111], %swap3A_114 {strides = array<i32>} : memref<32x768xf32, #tpu.memory_space<vmem>>, vector<1x16xf32>,
      %broadcast_in_dim3A_115 = arith.constant 0.000000e+00 : f32
      %broadcast_in_dim3A_116 = vector.broadcast %broadcast_in_dim3A_115 : f32 to vector<16xf32>
      %swap3A_117 = arith.index_cast %scan3A_24 : i32 to index
      %swap3A_118 = arith.constant 208 : index
      %swap3A_119 = tpu.vector_load %arg8[%swap3A_117, %swap3A_118] {strides = array<i32>} : memref<32x768xf32, #tpu.memory_space<vmem>>, vector<1x16xf32>,
      %swap3A_120 = vector.shape_cast %swap3A_119 : vector<1x16xf32> to vector<16xf32>
      %swap3A_121 = vector.shape_cast %broadcast_in_dim3A_116 : vector<16xf32> to vector<1x16xf32>
      tpu.vector_store %arg8[%swap3A_117, %swap3A_118], %swap3A_121 {strides = array<i32>} : memref<32x768xf32, #tpu.memory_space<vmem>>, vector<1x16xf32>,
      %broadcast_in_dim3A_122 = arith.constant 0.000000e+00 : f32
      %broadcast_in_dim3A_123 = vector.broadcast %broadcast_in_dim3A_122 : f32 to vector<16xf32>
      %swap3A_124 = arith.index_cast %scan3A_24 : i32 to index
      %swap3A_125 = arith.constant 224 : index
      %swap3A_126 = tpu.vector_load %arg8[%swap3A_124, %swap3A_125] {strides = array<i32>} : memref<32x768xf32, #tpu.memory_space<vmem>>, vector<1x16xf32>,
      %swap3A_127 = vector.shape_cast %swap3A_126 : vector<1x16xf32> to vector<16xf32>
      %swap3A_128 = vector.shape_cast %broadcast_in_dim3A_123 : vector<16xf32> to vector<1x16xf32>
      tpu.vector_store %arg8[%swap3A_124, %swap3A_125], %swap3A_128 {strides = array<i32>} : memref<32x768xf32, #tpu.memory_space<vmem>>, vector<1x16xf32>,
      %broadcast_in_dim3A_129 = arith.constant 0.000000e+00 : f32
      %broadcast_in_dim3A_130 = vector.broadcast %broadcast_in_dim3A_129 : f32 to vector<16xf32>
      %swap3A_131 = arith.index_cast %scan3A_24 : i32 to index
      %swap3A_132 = arith.constant 240 : index
      %swap3A_133 = tpu.vector_load %arg8[%swap3A_131, %swap3A_132] {strides = array<i32>} : memref<32x768xf32, #tpu.memory_space<vmem>>, vector<1x16xf32>,
      %swap3A_134 = vector.shape_cast %swap3A_133 : vector<1x16xf32> to vector<16xf32>
      %swap3A_135 = vector.shape_cast %broadcast_in_dim3A_130 : vector<16xf32> to vector<1x16xf32>
      tpu.vector_store %arg8[%swap3A_131, %swap3A_132], %swap3A_135 {strides = array<i32>} : memref<32x768xf32, #tpu.memory_space<vmem>>, vector<1x16xf32>,
      %broadcast_in_dim3A_136 = arith.constant 0.000000e+00 : f32
      %broadcast_in_dim3A_137 = vector.broadcast %broadcast_in_dim3A_136 : f32 to vector<16xf32>
      %swap3A_138 = arith.index_cast %scan3A_24 : i32 to index
      %swap3A_139 = arith.constant 256 : index
      %swap3A_140 = tpu.vector_load %arg8[%swap3A_138, %swap3A_139] {strides = array<i32>} : memref<32x768xf32, #tpu.memory_space<vmem>>, vector<1x16xf32>,
      %swap3A_141 = vector.shape_cast %swap3A_140 : vector<1x16xf32> to vector<16xf32>
      %swap3A_142 = vector.shape_cast %broadcast_in_dim3A_137 : vector<16xf32> to vector<1x16xf32>
      tpu.vector_store %arg8[%swap3A_138, %swap3A_139], %swap3A_142 {strides = array<i32>} : memref<32x768xf32, #tpu.memory_space<vmem>>, vector<1x16xf32>,
      %broadcast_in_dim3A_143 = arith.constant 0.000000e+00 : f32
      %broadcast_in_dim3A_144 = vector.broadcast %broadcast_in_dim3A_143 : f32 to vector<16xf32>
      %swap3A_145 = arith.index_cast %scan3A_24 : i32 to index
      %swap3A_146 = arith.constant 272 : index
      %swap3A_147 = tpu.vector_load %arg8[%swap3A_145, %swap3A_146] {strides = array<i32>} : memref<32x768xf32, #tpu.memory_space<vmem>>, vector<1x16xf32>,
      %swap3A_148 = vector.shape_cast %swap3A_147 : vector<1x16xf32> to vector<16xf32>
      %swap3A_149 = vector.shape_cast %broadcast_in_dim3A_144 : vector<16xf32> to vector<1x16xf32>
      tpu.vector_store %arg8[%swap3A_145, %swap3A_146], %swap3A_149 {strides = array<i32>} : memref<32x768xf32, #tpu.memory_space<vmem>>, vector<1x16xf32>,
      %broadcast_in_dim3A_150 = arith.constant 0.000000e+00 : f32
      %broadcast_in_dim3A_151 = vector.broadcast %broadcast_in_dim3A_150 : f32 to vector<16xf32>
      %swap3A_152 = arith.index_cast %scan3A_24 : i32 to index
      %swap3A_153 = arith.constant 288 : index
      %swap3A_154 = tpu.vector_load %arg8[%swap3A_152, %swap3A_153] {strides = array<i32>} : memref<32x768xf32, #tpu.memory_space<vmem>>, vector<1x16xf32>,
      %swap3A_155 = vector.shape_cast %swap3A_154 : vector<1x16xf32> to vector<16xf32>
      %swap3A_156 = vector.shape_cast %broadcast_in_dim3A_151 : vector<16xf32> to vector<1x16xf32>
      tpu.vector_store %arg8[%swap3A_152, %swap3A_153], %swap3A_156 {strides = array<i32>} : memref<32x768xf32, #tpu.memory_space<vmem>>, vector<1x16xf32>,
      %broadcast_in_dim3A_157 = arith.constant 0.000000e+00 : f32
      %broadcast_in_dim3A_158 = vector.broadcast %broadcast_in_dim3A_157 : f32 to vector<16xf32>
      %swap3A_159 = arith.index_cast %scan3A_24 : i32 to index
      %swap3A_160 = arith.constant 304 : index
      %swap3A_161 = tpu.vector_load %arg8[%swap3A_159, %swap3A_160] {strides = array<i32>} : memref<32x768xf32, #tpu.memory_space<vmem>>, vector<1x16xf32>,
      %swap3A_162 = vector.shape_cast %swap3A_161 : vector<1x16xf32> to vector<16xf32>
      %swap3A_163 = vector.shape_cast %broadcast_in_dim3A_158 : vector<16xf32> to vector<1x16xf32>
      tpu.vector_store %arg8[%swap3A_159, %swap3A_160], %swap3A_163 {strides = array<i32>} : memref<32x768xf32, #tpu.memory_space<vmem>>, vector<1x16xf32>,
      %broadcast_in_dim3A_164 = arith.constant 0.000000e+00 : f32
      %broadcast_in_dim3A_165 = vector.broadcast %broadcast_in_dim3A_164 : f32 to vector<16xf32>
      %swap3A_166 = arith.index_cast %scan3A_24 : i32 to index
      %swap3A_167 = arith.constant 320 : index
      %swap3A_168 = tpu.vector_load %arg8[%swap3A_166, %swap3A_167] {strides = array<i32>} : memref<32x768xf32, #tpu.memory_space<vmem>>, vector<1x16xf32>,
      %swap3A_169 = vector.shape_cast %swap3A_168 : vector<1x16xf32> to vector<16xf32>
      %swap3A_170 = vector.shape_cast %broadcast_in_dim3A_165 : vector<16xf32> to vector<1x16xf32>
      tpu.vector_store %arg8[%swap3A_166, %swap3A_167], %swap3A_170 {strides = array<i32>} : memref<32x768xf32, #tpu.memory_space<vmem>>, vector<1x16xf32>,
      %broadcast_in_dim3A_171 = arith.constant 0.000000e+00 : f32
      %broadcast_in_dim3A_172 = vector.broadcast %broadcast_in_dim3A_171 : f32 to vector<16xf32>
      %swap3A_173 = arith.index_cast %scan3A_24 : i32 to index
      %swap3A_174 = arith.constant 336 : index
      %swap3A_175 = tpu.vector_load %arg8[%swap3A_173, %swap3A_174] {strides = array<i32>} : memref<32x768xf32, #tpu.memory_space<vmem>>, vector<1x16xf32>,
      %swap3A_176 = vector.shape_cast %swap3A_175 : vector<1x16xf32> to vector<16xf32>
      %swap3A_177 = vector.shape_cast %broadcast_in_dim3A_172 : vector<16xf32> to vector<1x16xf32>
      tpu.vector_store %arg8[%swap3A_173, %swap3A_174], %swap3A_177 {strides = array<i32>} : memref<32x768xf32, #tpu.memory_space<vmem>>, vector<1x16xf32>,
      %broadcast_in_dim3A_178 = arith.constant 0.000000e+00 : f32
      %broadcast_in_dim3A_179 = vector.broadcast %broadcast_in_dim3A_178 : f32 to vector<16xf32>
      %swap3A_180 = arith.index_cast %scan3A_24 : i32 to index
      %swap3A_181 = arith.constant 352 : index
      %swap3A_182 = tpu.vector_load %arg8[%swap3A_180, %swap3A_181] {strides = array<i32>} : memref<32x768xf32, #tpu.memory_space<vmem>>, vector<1x16xf32>,
      %swap3A_183 = vector.shape_cast %swap3A_182 : vector<1x16xf32> to vector<16xf32>
      %swap3A_184 = vector.shape_cast %broadcast_in_dim3A_179 : vector<16xf32> to vector<1x16xf32>
      tpu.vector_store %arg8[%swap3A_180, %swap3A_181], %swap3A_184 {strides = array<i32>} : memref<32x768xf32, #tpu.memory_space<vmem>>, vector<1x16xf32>,
      %broadcast_in_dim3A_185 = arith.constant 0.000000e+00 : f32
      %broadcast_in_dim3A_186 = vector.broadcast %broadcast_in_dim3A_185 : f32 to vector<16xf32>
      %swap3A_187 = arith.index_cast %scan3A_24 : i32 to index
      %swap3A_188 = arith.constant 368 : index
      %swap3A_189 = tpu.vector_load %arg8[%swap3A_187, %swap3A_188] {strides = array<i32>} : memref<32x768xf32, #tpu.memory_space<vmem>>, vector<1x16xf32>,
      %swap3A_190 = vector.shape_cast %swap3A_189 : vector<1x16xf32> to vector<16xf32>
      %swap3A_191 = vector.shape_cast %broadcast_in_dim3A_186 : vector<16xf32> to vector<1x16xf32>
      tpu.vector_store %arg8[%swap3A_187, %swap3A_188], %swap3A_191 {strides = array<i32>} : memref<32x768xf32, #tpu.memory_space<vmem>>, vector<1x16xf32>,
      %broadcast_in_dim3A_192 = arith.constant 0.000000e+00 : f32
      %broadcast_in_dim3A_193 = vector.broadcast %broadcast_in_dim3A_192 : f32 to vector<16xf32>
      %swap3A_194 = arith.index_cast %scan3A_24 : i32 to index
      %swap3A_195 = arith.constant 384 : index
      %swap3A_196 = tpu.vector_load %arg8[%swap3A_194, %swap3A_195] {strides = array<i32>} : memref<32x768xf32, #tpu.memory_space<vmem>>, vector<1x16xf32>,
      %swap3A_197 = vector.shape_cast %swap3A_196 : vector<1x16xf32> to vector<16xf32>
      %swap3A_198 = vector.shape_cast %broadcast_in_dim3A_193 : vector<16xf32> to vector<1x16xf32>
      tpu.vector_store %arg8[%swap3A_194, %swap3A_195], %swap3A_198 {strides = array<i32>} : memref<32x768xf32, #tpu.memory_space<vmem>>, vector<1x16xf32>,
      %broadcast_in_dim3A_199 = arith.constant 0.000000e+00 : f32
      %broadcast_in_dim3A_200 = vector.broadcast %broadcast_in_dim3A_199 : f32 to vector<16xf32>
      %swap3A_201 = arith.index_cast %scan3A_24 : i32 to index
      %swap3A_202 = arith.constant 400 : index
      %swap3A_203 = tpu.vector_load %arg8[%swap3A_201, %swap3A_202] {strides = array<i32>} : memref<32x768xf32, #tpu.memory_space<vmem>>, vector<1x16xf32>,
      %swap3A_204 = vector.shape_cast %swap3A_203 : vector<1x16xf32> to vector<16xf32>
      %swap3A_205 = vector.shape_cast %broadcast_in_dim3A_200 : vector<16xf32> to vector<1x16xf32>
      tpu.vector_store %arg8[%swap3A_201, %swap3A_202], %swap3A_205 {strides = array<i32>} : memref<32x768xf32, #tpu.memory_space<vmem>>, vector<1x16xf32>,
      %broadcast_in_dim3A_206 = arith.constant 0.000000e+00 : f32
      %broadcast_in_dim3A_207 = vector.broadcast %broadcast_in_dim3A_206 : f32 to vector<16xf32>
      %swap3A_208 = arith.index_cast %scan3A_24 : i32 to index
      %swap3A_209 = arith.constant 416 : index
      %swap3A_210 = tpu.vector_load %arg8[%swap3A_208, %swap3A_209] {strides = array<i32>} : memref<32x768xf32, #tpu.memory_space<vmem>>, vector<1x16xf32>,
      %swap3A_211 = vector.shape_cast %swap3A_210 : vector<1x16xf32> to vector<16xf32>
      %swap3A_212 = vector.shape_cast %broadcast_in_dim3A_207 : vector<16xf32> to vector<1x16xf32>
      tpu.vector_store %arg8[%swap3A_208, %swap3A_209], %swap3A_212 {strides = array<i32>} : memref<32x768xf32, #tpu.memory_space<vmem>>, vector<1x16xf32>,
      %broadcast_in_dim3A_213 = arith.constant 0.000000e+00 : f32
      %broadcast_in_dim3A_214 = vector.broadcast %broadcast_in_dim3A_213 : f32 to vector<16xf32>
      %swap3A_215 = arith.index_cast %scan3A_24 : i32 to index
      %swap3A_216 = arith.constant 432 : index
      %swap3A_217 = tpu.vector_load %arg8[%swap3A_215, %swap3A_216] {strides = array<i32>} : memref<32x768xf32, #tpu.memory_space<vmem>>, vector<1x16xf32>,
      %swap3A_218 = vector.shape_cast %swap3A_217 : vector<1x16xf32> to vector<16xf32>
      %swap3A_219 = vector.shape_cast %broadcast_in_dim3A_214 : vector<16xf32> to vector<1x16xf32>
      tpu.vector_store %arg8[%swap3A_215, %swap3A_216], %swap3A_219 {strides = array<i32>} : memref<32x768xf32, #tpu.memory_space<vmem>>, vector<1x16xf32>,
      %broadcast_in_dim3A_220 = arith.constant 0.000000e+00 : f32
      %broadcast_in_dim3A_221 = vector.broadcast %broadcast_in_dim3A_220 : f32 to vector<16xf32>
      %swap3A_222 = arith.index_cast %scan3A_24 : i32 to index
      %swap3A_223 = arith.constant 448 : index
      %swap3A_224 = tpu.vector_load %arg8[%swap3A_222, %swap3A_223] {strides = array<i32>} : memref<32x768xf32, #tpu.memory_space<vmem>>, vector<1x16xf32>,
      %swap3A_225 = vector.shape_cast %swap3A_224 : vector<1x16xf32> to vector<16xf32>
      %swap3A_226 = vector.shape_cast %broadcast_in_dim3A_221 : vector<16xf32> to vector<1x16xf32>
      tpu.vector_store %arg8[%swap3A_222, %swap3A_223], %swap3A_226 {strides = array<i32>} : memref<32x768xf32, #tpu.memory_space<vmem>>, vector<1x16xf32>,
      %broadcast_in_dim3A_227 = arith.constant 0.000000e+00 : f32
      %broadcast_in_dim3A_228 = vector.broadcast %broadcast_in_dim3A_227 : f32 to vector<16xf32>
      %swap3A_229 = arith.index_cast %scan3A_24 : i32 to index
      %swap3A_230 = arith.constant 464 : index
      %swap3A_231 = tpu.vector_load %arg8[%swap3A_229, %swap3A_230] {strides = array<i32>} : memref<32x768xf32, #tpu.memory_space<vmem>>, vector<1x16xf32>,
      %swap3A_232 = vector.shape_cast %swap3A_231 : vector<1x16xf32> to vector<16xf32>
      %swap3A_233 = vector.shape_cast %broadcast_in_dim3A_228 : vector<16xf32> to vector<1x16xf32>
      tpu.vector_store %arg8[%swap3A_229, %swap3A_230], %swap3A_233 {strides = array<i32>} : memref<32x768xf32, #tpu.memory_space<vmem>>, vector<1x16xf32>,
      %broadcast_in_dim3A_234 = arith.constant 0.000000e+00 : f32
      %broadcast_in_dim3A_235 = vector.broadcast %broadcast_in_dim3A_234 : f32 to vector<16xf32>
      %swap3A_236 = arith.index_cast %scan3A_24 : i32 to index
      %swap3A_237 = arith.constant 480 : index
      %swap3A_238 = tpu.vector_load %arg8[%swap3A_236, %swap3A_237] {strides = array<i32>} : memref<32x768xf32, #tpu.memory_space<vmem>>, vector<1x16xf32>,
      %swap3A_239 = vector.shape_cast %swap3A_238 : vector<1x16xf32> to vector<16xf32>
      %swap3A_240 = vector.shape_cast %broadcast_in_dim3A_235 : vector<16xf32> to vector<1x16xf32>
      tpu.vector_store %arg8[%swap3A_236, %swap3A_237], %swap3A_240 {strides = array<i32>} : memref<32x768xf32, #tpu.memory_space<vmem>>, vector<1x16xf32>,
      %broadcast_in_dim3A_241 = arith.constant 0.000000e+00 : f32
      %broadcast_in_dim3A_242 = vector.broadcast %broadcast_in_dim3A_241 : f32 to vector<16xf32>
      %swap3A_243 = arith.index_cast %scan3A_24 : i32 to index
      %swap3A_244 = arith.constant 496 : index
      %swap3A_245 = tpu.vector_load %arg8[%swap3A_243, %swap3A_244] {strides = array<i32>} : memref<32x768xf32, #tpu.memory_space<vmem>>, vector<1x16xf32>,
      %swap3A_246 = vector.shape_cast %swap3A_245 : vector<1x16xf32> to vector<16xf32>
      %swap3A_247 = vector.shape_cast %broadcast_in_dim3A_242 : vector<16xf32> to vector<1x16xf32>
      tpu.vector_store %arg8[%swap3A_243, %swap3A_244], %swap3A_247 {strides = array<i32>} : memref<32x768xf32, #tpu.memory_space<vmem>>, vector<1x16xf32>,
      %broadcast_in_dim3A_248 = arith.constant 0.000000e+00 : f32
      %broadcast_in_dim3A_249 = vector.broadcast %broadcast_in_dim3A_248 : f32 to vector<16xf32>
      %swap3A_250 = arith.index_cast %scan3A_24 : i32 to index
      %swap3A_251 = arith.constant 512 : index
      %swap3A_252 = tpu.vector_load %arg8[%swap3A_250, %swap3A_251] {strides = array<i32>} : memref<32x768xf32, #tpu.memory_space<vmem>>, vector<1x16xf32>,
      %swap3A_253 = vector.shape_cast %swap3A_252 : vector<1x16xf32> to vector<16xf32>
      %swap3A_254 = vector.shape_cast %broadcast_in_dim3A_249 : vector<16xf32> to vector<1x16xf32>
      tpu.vector_store %arg8[%swap3A_250, %swap3A_251], %swap3A_254 {strides = array<i32>} : memref<32x768xf32, #tpu.memory_space<vmem>>, vector<1x16xf32>,
      %broadcast_in_dim3A_255 = arith.constant 0.000000e+00 : f32
      %broadcast_in_dim3A_256 = vector.broadcast %broadcast_in_dim3A_255 : f32 to vector<16xf32>
      %swap3A_257 = arith.index_cast %scan3A_24 : i32 to index
      %swap3A_258 = arith.constant 528 : index
      %swap3A_259 = tpu.vector_load %arg8[%swap3A_257, %swap3A_258] {strides = array<i32>} : memref<32x768xf32, #tpu.memory_space<vmem>>, vector<1x16xf32>,
      %swap3A_260 = vector.shape_cast %swap3A_259 : vector<1x16xf32> to vector<16xf32>
      %swap3A_261 = vector.shape_cast %broadcast_in_dim3A_256 : vector<16xf32> to vector<1x16xf32>
      tpu.vector_store %arg8[%swap3A_257, %swap3A_258], %swap3A_261 {strides = array<i32>} : memref<32x768xf32, #tpu.memory_space<vmem>>, vector<1x16xf32>,
      %broadcast_in_dim3A_262 = arith.constant 0.000000e+00 : f32
      %broadcast_in_dim3A_263 = vector.broadcast %broadcast_in_dim3A_262 : f32 to vector<16xf32>
      %swap3A_264 = arith.index_cast %scan3A_24 : i32 to index
      %swap3A_265 = arith.constant 544 : index
      %swap3A_266 = tpu.vector_load %arg8[%swap3A_264, %swap3A_265] {strides = array<i32>} : memref<32x768xf32, #tpu.memory_space<vmem>>, vector<1x16xf32>,
      %swap3A_267 = vector.shape_cast %swap3A_266 : vector<1x16xf32> to vector<16xf32>
      %swap3A_268 = vector.shape_cast %broadcast_in_dim3A_263 : vector<16xf32> to vector<1x16xf32>
      tpu.vector_store %arg8[%swap3A_264, %swap3A_265], %swap3A_268 {strides = array<i32>} : memref<32x768xf32, #tpu.memory_space<vmem>>, vector<1x16xf32>,
      %broadcast_in_dim3A_269 = arith.constant 0.000000e+00 : f32
      %broadcast_in_dim3A_270 = vector.broadcast %broadcast_in_dim3A_269 : f32 to vector<16xf32>
      %swap3A_271 = arith.index_cast %scan3A_24 : i32 to index
      %swap3A_272 = arith.constant 560 : index
      %swap3A_273 = tpu.vector_load %arg8[%swap3A_271, %swap3A_272] {strides = array<i32>} : memref<32x768xf32, #tpu.memory_space<vmem>>, vector<1x16xf32>,
      %swap3A_274 = vector.shape_cast %swap3A_273 : vector<1x16xf32> to vector<16xf32>
      %swap3A_275 = vector.shape_cast %broadcast_in_dim3A_270 : vector<16xf32> to vector<1x16xf32>
      tpu.vector_store %arg8[%swap3A_271, %swap3A_272], %swap3A_275 {strides = array<i32>} : memref<32x768xf32, #tpu.memory_space<vmem>>, vector<1x16xf32>,
      %broadcast_in_dim3A_276 = arith.constant 0.000000e+00 : f32
      %broadcast_in_dim3A_277 = vector.broadcast %broadcast_in_dim3A_276 : f32 to vector<16xf32>
      %swap3A_278 = arith.index_cast %scan3A_24 : i32 to index
      %swap3A_279 = arith.constant 576 : index
      %swap3A_280 = tpu.vector_load %arg8[%swap3A_278, %swap3A_279] {strides = array<i32>} : memref<32x768xf32, #tpu.memory_space<vmem>>, vector<1x16xf32>,
      %swap3A_281 = vector.shape_cast %swap3A_280 : vector<1x16xf32> to vector<16xf32>
      %swap3A_282 = vector.shape_cast %broadcast_in_dim3A_277 : vector<16xf32> to vector<1x16xf32>
      tpu.vector_store %arg8[%swap3A_278, %swap3A_279], %swap3A_282 {strides = array<i32>} : memref<32x768xf32, #tpu.memory_space<vmem>>, vector<1x16xf32>,
      %broadcast_in_dim3A_283 = arith.constant 0.000000e+00 : f32
      %broadcast_in_dim3A_284 = vector.broadcast %broadcast_in_dim3A_283 : f32 to vector<16xf32>
      %swap3A_285 = arith.index_cast %scan3A_24 : i32 to index
      %swap3A_286 = arith.constant 592 : index
      %swap3A_287 = tpu.vector_load %arg8[%swap3A_285, %swap3A_286] {strides = array<i32>} : memref<32x768xf32, #tpu.memory_space<vmem>>, vector<1x16xf32>,
      %swap3A_288 = vector.shape_cast %swap3A_287 : vector<1x16xf32> to vector<16xf32>
      %swap3A_289 = vector.shape_cast %broadcast_in_dim3A_284 : vector<16xf32> to vector<1x16xf32>
      tpu.vector_store %arg8[%swap3A_285, %swap3A_286], %swap3A_289 {strides = array<i32>} : memref<32x768xf32, #tpu.memory_space<vmem>>, vector<1x16xf32>,
      %broadcast_in_dim3A_290 = arith.constant 0.000000e+00 : f32
      %broadcast_in_dim3A_291 = vector.broadcast %broadcast_in_dim3A_290 : f32 to vector<16xf32>
      %swap3A_292 = arith.index_cast %scan3A_24 : i32 to index
      %swap3A_293 = arith.constant 608 : index
      %swap3A_294 = tpu.vector_load %arg8[%swap3A_292, %swap3A_293] {strides = array<i32>} : memref<32x768xf32, #tpu.memory_space<vmem>>, vector<1x16xf32>,
      %swap3A_295 = vector.shape_cast %swap3A_294 : vector<1x16xf32> to vector<16xf32>
      %swap3A_296 = vector.shape_cast %broadcast_in_dim3A_291 : vector<16xf32> to vector<1x16xf32>
      tpu.vector_store %arg8[%swap3A_292, %swap3A_293], %swap3A_296 {strides = array<i32>} : memref<32x768xf32, #tpu.memory_space<vmem>>, vector<1x16xf32>,
      %broadcast_in_dim3A_297 = arith.constant 0.000000e+00 : f32
      %broadcast_in_dim3A_298 = vector.broadcast %broadcast_in_dim3A_297 : f32 to vector<16xf32>
      %swap3A_299 = arith.index_cast %scan3A_24 : i32 to index
      %swap3A_300 = arith.constant 624 : index
      %swap3A_301 = tpu.vector_load %arg8[%swap3A_299, %swap3A_300] {strides = array<i32>} : memref<32x768xf32, #tpu.memory_space<vmem>>, vector<1x16xf32>,
      %swap3A_302 = vector.shape_cast %swap3A_301 : vector<1x16xf32> to vector<16xf32>
      %swap3A_303 = vector.shape_cast %broadcast_in_dim3A_298 : vector<16xf32> to vector<1x16xf32>
      tpu.vector_store %arg8[%swap3A_299, %swap3A_300], %swap3A_303 {strides = array<i32>} : memref<32x768xf32, #tpu.memory_space<vmem>>, vector<1x16xf32>,
      %broadcast_in_dim3A_304 = arith.constant 0.000000e+00 : f32
      %broadcast_in_dim3A_305 = vector.broadcast %broadcast_in_dim3A_304 : f32 to vector<16xf32>
      %swap3A_306 = arith.index_cast %scan3A_24 : i32 to index
      %swap3A_307 = arith.constant 640 : index
      %swap3A_308 = tpu.vector_load %arg8[%swap3A_306, %swap3A_307] {strides = array<i32>} : memref<32x768xf32, #tpu.memory_space<vmem>>, vector<1x16xf32>,
      %swap3A_309 = vector.shape_cast %swap3A_308 : vector<1x16xf32> to vector<16xf32>
      %swap3A_310 = vector.shape_cast %broadcast_in_dim3A_305 : vector<16xf32> to vector<1x16xf32>
      tpu.vector_store %arg8[%swap3A_306, %swap3A_307], %swap3A_310 {strides = array<i32>} : memref<32x768xf32, #tpu.memory_space<vmem>>, vector<1x16xf32>,
      %broadcast_in_dim3A_311 = arith.constant 0.000000e+00 : f32
      %broadcast_in_dim3A_312 = vector.broadcast %broadcast_in_dim3A_311 : f32 to vector<16xf32>
      %swap3A_313 = arith.index_cast %scan3A_24 : i32 to index
      %swap3A_314 = arith.constant 656 : index
      %swap3A_315 = tpu.vector_load %arg8[%swap3A_313, %swap3A_314] {strides = array<i32>} : memref<32x768xf32, #tpu.memory_space<vmem>>, vector<1x16xf32>,
      %swap3A_316 = vector.shape_cast %swap3A_315 : vector<1x16xf32> to vector<16xf32>
      %swap3A_317 = vector.shape_cast %broadcast_in_dim3A_312 : vector<16xf32> to vector<1x16xf32>
      tpu.vector_store %arg8[%swap3A_313, %swap3A_314], %swap3A_317 {strides = array<i32>} : memref<32x768xf32, #tpu.memory_space<vmem>>, vector<1x16xf32>,
      %broadcast_in_dim3A_318 = arith.constant 0.000000e+00 : f32
      %broadcast_in_dim3A_319 = vector.broadcast %broadcast_in_dim3A_318 : f32 to vector<16xf32>
      %swap3A_320 = arith.index_cast %scan3A_24 : i32 to index
      %swap3A_321 = arith.constant 672 : index
      %swap3A_322 = tpu.vector_load %arg8[%swap3A_320, %swap3A_321] {strides = array<i32>} : memref<32x768xf32, #tpu.memory_space<vmem>>, vector<1x16xf32>,
      %swap3A_323 = vector.shape_cast %swap3A_322 : vector<1x16xf32> to vector<16xf32>
      %swap3A_324 = vector.shape_cast %broadcast_in_dim3A_319 : vector<16xf32> to vector<1x16xf32>
      tpu.vector_store %arg8[%swap3A_320, %swap3A_321], %swap3A_324 {strides = array<i32>} : memref<32x768xf32, #tpu.memory_space<vmem>>, vector<1x16xf32>,
      %broadcast_in_dim3A_325 = arith.constant 0.000000e+00 : f32
      %broadcast_in_dim3A_326 = vector.broadcast %broadcast_in_dim3A_325 : f32 to vector<16xf32>
      %swap3A_327 = arith.index_cast %scan3A_24 : i32 to index
      %swap3A_328 = arith.constant 688 : index
      %swap3A_329 = tpu.vector_load %arg8[%swap3A_327, %swap3A_328] {strides = array<i32>} : memref<32x768xf32, #tpu.memory_space<vmem>>, vector<1x16xf32>,
      %swap3A_330 = vector.shape_cast %swap3A_329 : vector<1x16xf32> to vector<16xf32>
      %swap3A_331 = vector.shape_cast %broadcast_in_dim3A_326 : vector<16xf32> to vector<1x16xf32>
      tpu.vector_store %arg8[%swap3A_327, %swap3A_328], %swap3A_331 {strides = array<i32>} : memref<32x768xf32, #tpu.memory_space<vmem>>, vector<1x16xf32>,
      %broadcast_in_dim3A_332 = arith.constant 0.000000e+00 : f32
      %broadcast_in_dim3A_333 = vector.broadcast %broadcast_in_dim3A_332 : f32 to vector<16xf32>
      %swap3A_334 = arith.index_cast %scan3A_24 : i32 to index
      %swap3A_335 = arith.constant 704 : index
      %swap3A_336 = tpu.vector_load %arg8[%swap3A_334, %swap3A_335] {strides = array<i32>} : memref<32x768xf32, #tpu.memory_space<vmem>>, vector<1x16xf32>,
      %swap3A_337 = vector.shape_cast %swap3A_336 : vector<1x16xf32> to vector<16xf32>
      %swap3A_338 = vector.shape_cast %broadcast_in_dim3A_333 : vector<16xf32> to vector<1x16xf32>
      tpu.vector_store %arg8[%swap3A_334, %swap3A_335], %swap3A_338 {strides = array<i32>} : memref<32x768xf32, #tpu.memory_space<vmem>>, vector<1x16xf32>,
      %broadcast_in_dim3A_339 = arith.constant 0.000000e+00 : f32
      %broadcast_in_dim3A_340 = vector.broadcast %broadcast_in_dim3A_339 : f32 to vector<16xf32>
      %swap3A_341 = arith.index_cast %scan3A_24 : i32 to index
      %swap3A_342 = arith.constant 720 : index
      %swap3A_343 = tpu.vector_load %arg8[%swap3A_341, %swap3A_342] {strides = array<i32>} : memref<32x768xf32, #tpu.memory_space<vmem>>, vector<1x16xf32>,
      %swap3A_344 = vector.shape_cast %swap3A_343 : vector<1x16xf32> to vector<16xf32>
      %swap3A_345 = vector.shape_cast %broadcast_in_dim3A_340 : vector<16xf32> to vector<1x16xf32>
      tpu.vector_store %arg8[%swap3A_341, %swap3A_342], %swap3A_345 {strides = array<i32>} : memref<32x768xf32, #tpu.memory_space<vmem>>, vector<1x16xf32>,
      %broadcast_in_dim3A_346 = arith.constant 0.000000e+00 : f32
      %broadcast_in_dim3A_347 = vector.broadcast %broadcast_in_dim3A_346 : f32 to vector<16xf32>
      %swap3A_348 = arith.index_cast %scan3A_24 : i32 to index
      %swap3A_349 = arith.constant 736 : index
      %swap3A_350 = tpu.vector_load %arg8[%swap3A_348, %swap3A_349] {strides = array<i32>} : memref<32x768xf32, #tpu.memory_space<vmem>>, vector<1x16xf32>,
      %swap3A_351 = vector.shape_cast %swap3A_350 : vector<1x16xf32> to vector<16xf32>
      %swap3A_352 = vector.shape_cast %broadcast_in_dim3A_347 : vector<16xf32> to vector<1x16xf32>
      tpu.vector_store %arg8[%swap3A_348, %swap3A_349], %swap3A_352 {strides = array<i32>} : memref<32x768xf32, #tpu.memory_space<vmem>>, vector<1x16xf32>,
      %broadcast_in_dim3A_353 = arith.constant 0.000000e+00 : f32
      %broadcast_in_dim3A_354 = vector.broadcast %broadcast_in_dim3A_353 : f32 to vector<16xf32>
      %swap3A_355 = arith.index_cast %scan3A_24 : i32 to index
      %swap3A_356 = arith.constant 752 : index
      %swap3A_357 = tpu.vector_load %arg8[%swap3A_355, %swap3A_356] {strides = array<i32>} : memref<32x768xf32, #tpu.memory_space<vmem>>, vector<1x16xf32>,
      %swap3A_358 = vector.shape_cast %swap3A_357 : vector<1x16xf32> to vector<16xf32>
      %swap3A_359 = vector.shape_cast %broadcast_in_dim3A_354 : vector<16xf32> to vector<1x16xf32>
      tpu.vector_store %arg8[%swap3A_355, %swap3A_356], %swap3A_359 {strides = array<i32>} : memref<32x768xf32, #tpu.memory_space<vmem>>, vector<1x16xf32>,
      %scan3A_360 = arith.constant 0 : i32
      scf.yield %scan3A_360 : i32
    }
    %scan3A_10 = arith.constant 32 : i32
    %dma_start3A = arith.constant 0 : i32
    %dma_start3A_11 = arith.constant 0 : i32
    %dma_start3A_12 = tpu.memref_slice %arg5[%dma_start3A, %dma_start3A_11] : memref<200x128xi32, #tpu.memory_space<vmem>> -> memref<1x32xi32, #tpu.memory_space<vmem>>
    %dma_start3A_13 = tpu.memref_squeeze %dma_start3A_12 : memref<1x32xi32, #tpu.memory_space<vmem>> -> memref<32xi32, #tpu.memory_space<vmem>>
    %dma_start3A_14 = arith.constant 0 : i32
    %dma_start3A_15 = arith.constant 0 : i32
    %dma_start3A_16 = tpu.memref_slice %arg3[%dma_start3A_14, %dma_start3A_15] : memref<50000x768xf32, #tpu.memory_space<hbm>> -> memref<50000x768xf32, #tpu.memory_space<hbm>>
    tpu.enqueue_indirect_dma source(%dma_start3A_16 : memref<50000x768xf32, #tpu.memory_space<hbm>>) target(%arg6 : memref<32x768xf32, #tpu.memory_space<vmem>>) offsets(%dma_start3A_13 : memref<32xi32, #tpu.memory_space<vmem>>) semaphore(%arg9 : memref<!tpu.dma_semaphore, #tpu.memory_space<semaphore_mem>>)
    %scan3A_17 = arith.constant 0 : i32
    %scan3A_18 = arith.constant 0 : i32
    %scan3A_19 = arith.constant 200 : i32
    %scan3A_20 = arith.addi %scan3A_18, %scan3A_19 : i32
    %scan3A_21 = arith.constant 1 : i32
    %scan3A_22 = scf.for %scan3A_24 = %scan3A_18 to %scan3A_20 step %scan3A_21 iter_args(%scan3A_25 = %scan3A_17) -> (i32)  : i32 {
      %add3A_26 = arith.constant 1 : i32
      %add3A_27 = arith.addi %scan3A_24, %add3A_26 : i32
      %lt3A = arith.constant 200 : i32
      %lt3A_28 = arith.cmpi slt, %add3A_27, %lt3A : i32
      %convert_element_type3A = arith.extui %lt3A_28 : i1 to i32
      %cond3A = arith.constant 0 : i32
      %cond3A_29 = arith.cmpi ne, %convert_element_type3A, %cond3A : i32
      scf.if %cond3A_29 {
        %jit3A_67 = arith.constant 2 : i32
        %eq3A_68 = arith.constant 0 : i32
        %eq3A_69 = arith.cmpi eq, %jit3A_67, %eq3A_68 : i32
        %jit3A_70 = arith.constant 1 : i32
        %select_n3A_71 = arith.select %eq3A_69, %jit3A_70, %jit3A_67 : i32
        %rem3A_72 = arith.remsi %add3A_27, %select_n3A_71 : i32
        %ne3A_73 = arith.constant 0 : i32
        %ne3A_74 = arith.cmpi ne, %rem3A_72, %ne3A_73 : i32
        %lt3A_75 = arith.constant 0 : i32
        %lt3A_76 = arith.cmpi slt, %rem3A_72, %lt3A_75 : i32
        %lt3A_77 = arith.constant 0 : i32
        %lt3A_78 = arith.cmpi slt, %select_n3A_71, %lt3A_77 : i32
        %ne3A_79 = arith.xori %lt3A_76, %lt3A_78 : i1
        %and3A_80 = arith.andi %ne3A_79, %ne3A_74 : i1
        %add3A_81 = arith.addi %rem3A_72, %select_n3A_71 : i32
        %select_n3A_82 = arith.select %and3A_80, %add3A_81, %rem3A_72 : i32
        %eq3A_83 = arith.constant 0 : i32
        %eq3A_84 = arith.cmpi eq, %select_n3A_82, %eq3A_83 : i32
        %convert_element_type3A_85 = arith.extui %eq3A_84 : i1 to i32
        %cond3A_86 = arith.constant 0 : i32
        %cond3A_87 = arith.cmpi ne, %convert_element_type3A_85, %cond3A_86 : i32
        scf.if %cond3A_87 {
          %dma_start3A_109 = arith.constant 0 : i32
          %dma_start3A_110 = tpu.memref_slice %arg5[%add3A_27, %dma_start3A_109] : memref<200x128xi32, #tpu.memory_space<vmem>> -> memref<1x32xi32, #tpu.memory_space<vmem>>
          %dma_start3A_111 = tpu.memref_squeeze %dma_start3A_110 : memref<1x32xi32, #tpu.memory_space<vmem>> -> memref<32xi32, #tpu.memory_space<vmem>>
          %dma_start3A_112 = arith.constant 0 : i32
          %dma_start3A_113 = arith.constant 0 : i32
          %dma_start3A_114 = tpu.memref_slice %arg3[%dma_start3A_112, %dma_start3A_113] : memref<50000x768xf32, #tpu.memory_space<hbm>> -> memref<50000x768xf32, #tpu.memory_space<hbm>>
          tpu.enqueue_indirect_dma source(%dma_start3A_114 : memref<50000x768xf32, #tpu.memory_space<hbm>>) target(%arg6 : memref<32x768xf32, #tpu.memory_space<vmem>>) offsets(%dma_start3A_111 : memref<32xi32, #tpu.memory_space<vmem>>) semaphore(%arg9 : memref<!tpu.dma_semaphore, #tpu.memory_space<semaphore_mem>>)
        } else {
        }
        %jit3A_88 = arith.constant 2 : i32
        %eq3A_89 = arith.constant 0 : i32
        %eq3A_90 = arith.cmpi eq, %jit3A_88, %eq3A_89 : i32
        %jit3A_91 = arith.constant 1 : i32
        %select_n3A_92 = arith.select %eq3A_90, %jit3A_91, %jit3A_88 : i32
        %rem3A_93 = arith.remsi %add3A_27, %select_n3A_92 : i32
        %ne3A_94 = arith.constant 0 : i32
        %ne3A_95 = arith.cmpi ne, %rem3A_93, %ne3A_94 : i32
        %lt3A_96 = arith.constant 0 : i32
        %lt3A_97 = arith.cmpi slt, %rem3A_93, %lt3A_96 : i32
        %lt3A_98 = arith.constant 0 : i32
        %lt3A_99 = arith.cmpi slt, %select_n3A_92, %lt3A_98 : i32
        %ne3A_100 = arith.xori %lt3A_97, %lt3A_99 : i1
        %and3A_101 = arith.andi %ne3A_100, %ne3A_95 : i1
        %add3A_102 = arith.addi %rem3A_93, %select_n3A_92 : i32
        %select_n3A_103 = arith.select %and3A_101, %add3A_102, %rem3A_93 : i32
        %eq3A_104 = arith.constant 1 : i32
        %eq3A_105 = arith.cmpi eq, %select_n3A_103, %eq3A_104 : i32
        %convert_element_type3A_106 = arith.extui %eq3A_105 : i1 to i32
        %cond3A_107 = arith.constant 0 : i32
        %cond3A_108 = arith.cmpi ne, %convert_element_type3A_106, %cond3A_107 : i32
        scf.if %cond3A_108 {
          %dma_start3A_109 = arith.constant 0 : i32
          %dma_start3A_110 = tpu.memref_slice %arg5[%add3A_27, %dma_start3A_109] : memref<200x128xi32, #tpu.memory_space<vmem>> -> memref<1x32xi32, #tpu.memory_space<vmem>>
          %dma_start3A_111 = tpu.memref_squeeze %dma_start3A_110 : memref<1x32xi32, #tpu.memory_space<vmem>> -> memref<32xi32, #tpu.memory_space<vmem>>
          %dma_start3A_112 = arith.constant 0 : i32
          %dma_start3A_113 = arith.constant 0 : i32
          %dma_start3A_114 = tpu.memref_slice %arg3[%dma_start3A_112, %dma_start3A_113] : memref<50000x768xf32, #tpu.memory_space<hbm>> -> memref<50000x768xf32, #tpu.memory_space<hbm>>
          tpu.enqueue_indirect_dma source(%dma_start3A_114 : memref<50000x768xf32, #tpu.memory_space<hbm>>) target(%arg7 : memref<32x768xf32, #tpu.memory_space<vmem>>) offsets(%dma_start3A_111 : memref<32xi32, #tpu.memory_space<vmem>>) semaphore(%arg10 : memref<!tpu.dma_semaphore, #tpu.memory_space<semaphore_mem>>)
        } else {
        }
      } else {
      }
      %jit3A = arith.constant 2 : i32
      %eq3A = arith.constant 0 : i32
      %eq3A_30 = arith.cmpi eq, %jit3A, %eq3A : i32
      %jit3A_31 = arith.constant 1 : i32
      %select_n3A = arith.select %eq3A_30, %jit3A_31, %jit3A : i32
      %rem3A = arith.remsi %scan3A_24, %select_n3A : i32
      %ne3A = arith.constant 0 : i32
      %ne3A_32 = arith.cmpi ne, %rem3A, %ne3A : i32
      %lt3A_33 = arith.constant 0 : i32
      %lt3A_34 = arith.cmpi slt, %rem3A, %lt3A_33 : i32
      %lt3A_35 = arith.constant 0 : i32
      %lt3A_36 = arith.cmpi slt, %select_n3A, %lt3A_35 : i32
      %ne3A_37 = arith.xori %lt3A_34, %lt3A_36 : i1
      %and3A = arith.andi %ne3A_37, %ne3A_32 : i1
      %add3A_38 = arith.addi %rem3A, %select_n3A : i32
      %select_n3A_39 = arith.select %and3A, %add3A_38, %rem3A : i32
      %eq3A_40 = arith.constant 0 : i32
      %eq3A_41 = arith.cmpi eq, %select_n3A_39, %eq3A_40 : i32
      %convert_element_type3A_42 = arith.extui %eq3A_41 : i1 to i32
      %cond3A_43 = arith.constant 0 : i32
      %cond3A_44 = arith.cmpi ne, %convert_element_type3A_42, %cond3A_43 : i32
      scf.if %cond3A_44 {
        %dma_wait3A = arith.constant 0 : i32
        %dma_wait3A_67 = arith.constant 0 : i32
        %dma_wait3A_68 = tpu.memref_slice %arg5[%dma_wait3A, %dma_wait3A_67] : memref<200x128xi32, #tpu.memory_space<vmem>> -> memref<1x32xi32, #tpu.memory_space<vmem>>
        %dma_wait3A_69 = tpu.memref_squeeze %dma_wait3A_68 : memref<1x32xi32, #tpu.memory_space<vmem>> -> memref<32xi32, #tpu.memory_space<vmem>>
        %dma_wait3A_70 = arith.constant 0 : i32
        %dma_wait3A_71 = arith.constant 0 : i32
        %dma_wait3A_72 = tpu.memref_slice %arg3[%dma_wait3A_70, %dma_wait3A_71] : memref<50000x768xf32, #tpu.memory_space<hbm>> -> memref<50000x768xf32, #tpu.memory_space<hbm>>
        tpu.wait_indirect_dma semaphore(%arg9 : memref<!tpu.dma_semaphore, #tpu.memory_space<semaphore_mem>>) src(%dma_wait3A_72 : memref<50000x768xf32, #tpu.memory_space<hbm>>) dst(%arg6 : memref<32x768xf32, #tpu.memory_space<vmem>>)
        %scan3A_73 = arith.constant 0 : i32
        %scan3A_74 = arith.constant 0 : i32
        %scan3A_75 = arith.constant 32 : i32
        %scan3A_76 = arith.addi %scan3A_74, %scan3A_75 : i32
        %scan3A_77 = arith.constant 1 : i32
        %scan3A_78 = scf.for %scan3A_80 = %scan3A_74 to %scan3A_76 step %scan3A_77 iter_args(%scan3A_81 = %scan3A_73) -> (i32)  : i32 {
          %get3A = arith.index_cast %scan3A_80 : i32 to index
          %get3A_82 = arith.constant 0 : index
          %get3A_83 = tpu.vector_load %arg6[%get3A, %get3A_82] {strides = array<i32>} : memref<32x768xf32, #tpu.memory_space<vmem>>, vector<1x16xf32>,
          %get3A_84 = vector.shape_cast %get3A_83 : vector<1x16xf32> to vector<16xf32>
          %swap3A = arith.index_cast %scan3A_80 : i32 to index
          %swap3A_85 = arith.constant 0 : index
          %swap3A_86 = tpu.vector_load %arg8[%swap3A, %swap3A_85] {strides = array<i32>} : memref<32x768xf32, #tpu.memory_space<vmem>>, vector<1x16xf32>,
          %swap3A_87 = vector.shape_cast %swap3A_86 : vector<1x16xf32> to vector<16xf32>
          %swap3A_88 = vector.shape_cast %get3A_84 : vector<16xf32> to vector<1x16xf32>
          tpu.vector_store %arg8[%swap3A, %swap3A_85], %swap3A_88 {add = true, strides = array<i32>} : memref<32x768xf32, #tpu.memory_space<vmem>>, vector<1x16xf32>,
          %get3A_89 = arith.index_cast %scan3A_80 : i32 to index
          %get3A_90 = arith.constant 16 : index
          %get3A_91 = tpu.vector_load %arg6[%get3A_89, %get3A_90] {strides = array<i32>} : memref<32x768xf32, #tpu.memory_space<vmem>>, vector<1x16xf32>,
          %get3A_92 = vector.shape_cast %get3A_91 : vector<1x16xf32> to vector<16xf32>
          %swap3A_93 = arith.index_cast %scan3A_80 : i32 to index
          %swap3A_94 = arith.constant 16 : index
          %swap3A_95 = tpu.vector_load %arg8[%swap3A_93, %swap3A_94] {strides = array<i32>} : memref<32x768xf32, #tpu.memory_space<vmem>>, vector<1x16xf32>,
          %swap3A_96 = vector.shape_cast %swap3A_95 : vector<1x16xf32> to vector<16xf32>
          %swap3A_97 = vector.shape_cast %get3A_92 : vector<16xf32> to vector<1x16xf32>
          tpu.vector_store %arg8[%swap3A_93, %swap3A_94], %swap3A_97 {add = true, strides = array<i32>} : memref<32x768xf32, #tpu.memory_space<vmem>>, vector<1x16xf32>,
          %get3A_98 = arith.index_cast %scan3A_80 : i32 to index
          %get3A_99 = arith.constant 32 : index
          %get3A_100 = tpu.vector_load %arg6[%get3A_98, %get3A_99] {strides = array<i32>} : memref<32x768xf32, #tpu.memory_space<vmem>>, vector<1x16xf32>,
          %get3A_101 = vector.shape_cast %get3A_100 : vector<1x16xf32> to vector<16xf32>
          %swap3A_102 = arith.index_cast %scan3A_80 : i32 to index
          %swap3A_103 = arith.constant 32 : index
          %swap3A_104 = tpu.vector_load %arg8[%swap3A_102, %swap3A_103] {strides = array<i32>} : memref<32x768xf32, #tpu.memory_space<vmem>>, vector<1x16xf32>,
          %swap3A_105 = vector.shape_cast %swap3A_104 : vector<1x16xf32> to vector<16xf32>
          %swap3A_106 = vector.shape_cast %get3A_101 : vector<16xf32> to vector<1x16xf32>
          tpu.vector_store %arg8[%swap3A_102, %swap3A_103], %swap3A_106 {add = true, strides = array<i32>} : memref<32x768xf32, #tpu.memory_space<vmem>>, vector<1x16xf32>,
          %get3A_107 = arith.index_cast %scan3A_80 : i32 to index
          %get3A_108 = arith.constant 48 : index
          %get3A_109 = tpu.vector_load %arg6[%get3A_107, %get3A_108] {strides = array<i32>} : memref<32x768xf32, #tpu.memory_space<vmem>>, vector<1x16xf32>,
          %get3A_110 = vector.shape_cast %get3A_109 : vector<1x16xf32> to vector<16xf32>
          %swap3A_111 = arith.index_cast %scan3A_80 : i32 to index
          %swap3A_112 = arith.constant 48 : index
          %swap3A_113 = tpu.vector_load %arg8[%swap3A_111, %swap3A_112] {strides = array<i32>} : memref<32x768xf32, #tpu.memory_space<vmem>>, vector<1x16xf32>,
          %swap3A_114 = vector.shape_cast %swap3A_113 : vector<1x16xf32> to vector<16xf32>
          %swap3A_115 = vector.shape_cast %get3A_110 : vector<16xf32> to vector<1x16xf32>
          tpu.vector_store %arg8[%swap3A_111, %swap3A_112], %swap3A_115 {add = true, strides = array<i32>} : memref<32x768xf32, #tpu.memory_space<vmem>>, vector<1x16xf32>,
          %get3A_116 = arith.index_cast %scan3A_80 : i32 to index
          %get3A_117 = arith.constant 64 : index
          %get3A_118 = tpu.vector_load %arg6[%get3A_116, %get3A_117] {strides = array<i32>} : memref<32x768xf32, #tpu.memory_space<vmem>>, vector<1x16xf32>,
          %get3A_119 = vector.shape_cast %get3A_118 : vector<1x16xf32> to vector<16xf32>
          %swap3A_120 = arith.index_cast %scan3A_80 : i32 to index
          %swap3A_121 = arith.constant 64 : index
          %swap3A_122 = tpu.vector_load %arg8[%swap3A_120, %swap3A_121] {strides = array<i32>} : memref<32x768xf32, #tpu.memory_space<vmem>>, vector<1x16xf32>,
          %swap3A_123 = vector.shape_cast %swap3A_122 : vector<1x16xf32> to vector<16xf32>
          %swap3A_124 = vector.shape_cast %get3A_119 : vector<16xf32> to vector<1x16xf32>
          tpu.vector_store %arg8[%swap3A_120, %swap3A_121], %swap3A_124 {add = true, strides = array<i32>} : memref<32x768xf32, #tpu.memory_space<vmem>>, vector<1x16xf32>,
          %get3A_125 = arith.index_cast %scan3A_80 : i32 to index
          %get3A_126 = arith.constant 80 : index
          %get3A_127 = tpu.vector_load %arg6[%get3A_125, %get3A_126] {strides = array<i32>} : memref<32x768xf32, #tpu.memory_space<vmem>>, vector<1x16xf32>,
          %get3A_128 = vector.shape_cast %get3A_127 : vector<1x16xf32> to vector<16xf32>
          %swap3A_129 = arith.index_cast %scan3A_80 : i32 to index
          %swap3A_130 = arith.constant 80 : index
          %swap3A_131 = tpu.vector_load %arg8[%swap3A_129, %swap3A_130] {strides = array<i32>} : memref<32x768xf32, #tpu.memory_space<vmem>>, vector<1x16xf32>,
          %swap3A_132 = vector.shape_cast %swap3A_131 : vector<1x16xf32> to vector<16xf32>
          %swap3A_133 = vector.shape_cast %get3A_128 : vector<16xf32> to vector<1x16xf32>
          tpu.vector_store %arg8[%swap3A_129, %swap3A_130], %swap3A_133 {add = true, strides = array<i32>} : memref<32x768xf32, #tpu.memory_space<vmem>>, vector<1x16xf32>,
          %get3A_134 = arith.index_cast %scan3A_80 : i32 to index
          %get3A_135 = arith.constant 96 : index
          %get3A_136 = tpu.vector_load %arg6[%get3A_134, %get3A_135] {strides = array<i32>} : memref<32x768xf32, #tpu.memory_space<vmem>>, vector<1x16xf32>,
          %get3A_137 = vector.shape_cast %get3A_136 : vector<1x16xf32> to vector<16xf32>
          %swap3A_138 = arith.index_cast %scan3A_80 : i32 to index
          %swap3A_139 = arith.constant 96 : index
          %swap3A_140 = tpu.vector_load %arg8[%swap3A_138, %swap3A_139] {strides = array<i32>} : memref<32x768xf32, #tpu.memory_space<vmem>>, vector<1x16xf32>,
          %swap3A_141 = vector.shape_cast %swap3A_140 : vector<1x16xf32> to vector<16xf32>
          %swap3A_142 = vector.shape_cast %get3A_137 : vector<16xf32> to vector<1x16xf32>
          tpu.vector_store %arg8[%swap3A_138, %swap3A_139], %swap3A_142 {add = true, strides = array<i32>} : memref<32x768xf32, #tpu.memory_space<vmem>>, vector<1x16xf32>,
          %get3A_143 = arith.index_cast %scan3A_80 : i32 to index
          %get3A_144 = arith.constant 112 : index
          %get3A_145 = tpu.vector_load %arg6[%get3A_143, %get3A_144] {strides = array<i32>} : memref<32x768xf32, #tpu.memory_space<vmem>>, vector<1x16xf32>,
          %get3A_146 = vector.shape_cast %get3A_145 : vector<1x16xf32> to vector<16xf32>
          %swap3A_147 = arith.index_cast %scan3A_80 : i32 to index
          %swap3A_148 = arith.constant 112 : index
          %swap3A_149 = tpu.vector_load %arg8[%swap3A_147, %swap3A_148] {strides = array<i32>} : memref<32x768xf32, #tpu.memory_space<vmem>>, vector<1x16xf32>,
          %swap3A_150 = vector.shape_cast %swap3A_149 : vector<1x16xf32> to vector<16xf32>
          %swap3A_151 = vector.shape_cast %get3A_146 : vector<16xf32> to vector<1x16xf32>
          tpu.vector_store %arg8[%swap3A_147, %swap3A_148], %swap3A_151 {add = true, strides = array<i32>} : memref<32x768xf32, #tpu.memory_space<vmem>>, vector<1x16xf32>,
          %get3A_152 = arith.index_cast %scan3A_80 : i32 to index
          %get3A_153 = arith.constant 128 : index
          %get3A_154 = tpu.vector_load %arg6[%get3A_152, %get3A_153] {strides = array<i32>} : memref<32x768xf32, #tpu.memory_space<vmem>>, vector<1x16xf32>,
          %get3A_155 = vector.shape_cast %get3A_154 : vector<1x16xf32> to vector<16xf32>
          %swap3A_156 = arith.index_cast %scan3A_80 : i32 to index
          %swap3A_157 = arith.constant 128 : index
          %swap3A_158 = tpu.vector_load %arg8[%swap3A_156, %swap3A_157] {strides = array<i32>} : memref<32x768xf32, #tpu.memory_space<vmem>>, vector<1x16xf32>,
          %swap3A_159 = vector.shape_cast %swap3A_158 : vector<1x16xf32> to vector<16xf32>
          %swap3A_160 = vector.shape_cast %get3A_155 : vector<16xf32> to vector<1x16xf32>
          tpu.vector_store %arg8[%swap3A_156, %swap3A_157], %swap3A_160 {add = true, strides = array<i32>} : memref<32x768xf32, #tpu.memory_space<vmem>>, vector<1x16xf32>,
          %get3A_161 = arith.index_cast %scan3A_80 : i32 to index
          %get3A_162 = arith.constant 144 : index
          %get3A_163 = tpu.vector_load %arg6[%get3A_161, %get3A_162] {strides = array<i32>} : memref<32x768xf32, #tpu.memory_space<vmem>>, vector<1x16xf32>,
          %get3A_164 = vector.shape_cast %get3A_163 : vector<1x16xf32> to vector<16xf32>
          %swap3A_165 = arith.index_cast %scan3A_80 : i32 to index
          %swap3A_166 = arith.constant 144 : index
          %swap3A_167 = tpu.vector_load %arg8[%swap3A_165, %swap3A_166] {strides = array<i32>} : memref<32x768xf32, #tpu.memory_space<vmem>>, vector<1x16xf32>,
          %swap3A_168 = vector.shape_cast %swap3A_167 : vector<1x16xf32> to vector<16xf32>
          %swap3A_169 = vector.shape_cast %get3A_164 : vector<16xf32> to vector<1x16xf32>
          tpu.vector_store %arg8[%swap3A_165, %swap3A_166], %swap3A_169 {add = true, strides = array<i32>} : memref<32x768xf32, #tpu.memory_space<vmem>>, vector<1x16xf32>,
          %get3A_170 = arith.index_cast %scan3A_80 : i32 to index
          %get3A_171 = arith.constant 160 : index
          %get3A_172 = tpu.vector_load %arg6[%get3A_170, %get3A_171] {strides = array<i32>} : memref<32x768xf32, #tpu.memory_space<vmem>>, vector<1x16xf32>,
          %get3A_173 = vector.shape_cast %get3A_172 : vector<1x16xf32> to vector<16xf32>
          %swap3A_174 = arith.index_cast %scan3A_80 : i32 to index
          %swap3A_175 = arith.constant 160 : index
          %swap3A_176 = tpu.vector_load %arg8[%swap3A_174, %swap3A_175] {strides = array<i32>} : memref<32x768xf32, #tpu.memory_space<vmem>>, vector<1x16xf32>,
          %swap3A_177 = vector.shape_cast %swap3A_176 : vector<1x16xf32> to vector<16xf32>
          %swap3A_178 = vector.shape_cast %get3A_173 : vector<16xf32> to vector<1x16xf32>
          tpu.vector_store %arg8[%swap3A_174, %swap3A_175], %swap3A_178 {add = true, strides = array<i32>} : memref<32x768xf32, #tpu.memory_space<vmem>>, vector<1x16xf32>,
          %get3A_179 = arith.index_cast %scan3A_80 : i32 to index
          %get3A_180 = arith.constant 176 : index
          %get3A_181 = tpu.vector_load %arg6[%get3A_179, %get3A_180] {strides = array<i32>} : memref<32x768xf32, #tpu.memory_space<vmem>>, vector<1x16xf32>,
          %get3A_182 = vector.shape_cast %get3A_181 : vector<1x16xf32> to vector<16xf32>
          %swap3A_183 = arith.index_cast %scan3A_80 : i32 to index
          %swap3A_184 = arith.constant 176 : index
          %swap3A_185 = tpu.vector_load %arg8[%swap3A_183, %swap3A_184] {strides = array<i32>} : memref<32x768xf32, #tpu.memory_space<vmem>>, vector<1x16xf32>,
          %swap3A_186 = vector.shape_cast %swap3A_185 : vector<1x16xf32> to vector<16xf32>
          %swap3A_187 = vector.shape_cast %get3A_182 : vector<16xf32> to vector<1x16xf32>
          tpu.vector_store %arg8[%swap3A_183, %swap3A_184], %swap3A_187 {add = true, strides = array<i32>} : memref<32x768xf32, #tpu.memory_space<vmem>>, vector<1x16xf32>,
          %get3A_188 = arith.index_cast %scan3A_80 : i32 to index
          %get3A_189 = arith.constant 192 : index
          %get3A_190 = tpu.vector_load %arg6[%get3A_188, %get3A_189] {strides = array<i32>} : memref<32x768xf32, #tpu.memory_space<vmem>>, vector<1x16xf32>,
          %get3A_191 = vector.shape_cast %get3A_190 : vector<1x16xf32> to vector<16xf32>
          %swap3A_192 = arith.index_cast %scan3A_80 : i32 to index
          %swap3A_193 = arith.constant 192 : index
          %swap3A_194 = tpu.vector_load %arg8[%swap3A_192, %swap3A_193] {strides = array<i32>} : memref<32x768xf32, #tpu.memory_space<vmem>>, vector<1x16xf32>,
          %swap3A_195 = vector.shape_cast %swap3A_194 : vector<1x16xf32> to vector<16xf32>
          %swap3A_196 = vector.shape_cast %get3A_191 : vector<16xf32> to vector<1x16xf32>
          tpu.vector_store %arg8[%swap3A_192, %swap3A_193], %swap3A_196 {add = true, strides = array<i32>} : memref<32x768xf32, #tpu.memory_space<vmem>>, vector<1x16xf32>,
          %get3A_197 = arith.index_cast %scan3A_80 : i32 to index
          %get3A_198 = arith.constant 208 : index
          %get3A_199 = tpu.vector_load %arg6[%get3A_197, %get3A_198] {strides = array<i32>} : memref<32x768xf32, #tpu.memory_space<vmem>>, vector<1x16xf32>,
          %get3A_200 = vector.shape_cast %get3A_199 : vector<1x16xf32> to vector<16xf32>
          %swap3A_201 = arith.index_cast %scan3A_80 : i32 to index
          %swap3A_202 = arith.constant 208 : index
          %swap3A_203 = tpu.vector_load %arg8[%swap3A_201, %swap3A_202] {strides = array<i32>} : memref<32x768xf32, #tpu.memory_space<vmem>>, vector<1x16xf32>,
          %swap3A_204 = vector.shape_cast %swap3A_203 : vector<1x16xf32> to vector<16xf32>
          %swap3A_205 = vector.shape_cast %get3A_200 : vector<16xf32> to vector<1x16xf32>
          tpu.vector_store %arg8[%swap3A_201, %swap3A_202], %swap3A_205 {add = true, strides = array<i32>} : memref<32x768xf32, #tpu.memory_space<vmem>>, vector<1x16xf32>,
          %get3A_206 = arith.index_cast %scan3A_80 : i32 to index
          %get3A_207 = arith.constant 224 : index
          %get3A_208 = tpu.vector_load %arg6[%get3A_206, %get3A_207] {strides = array<i32>} : memref<32x768xf32, #tpu.memory_space<vmem>>, vector<1x16xf32>,
          %get3A_209 = vector.shape_cast %get3A_208 : vector<1x16xf32> to vector<16xf32>
          %swap3A_210 = arith.index_cast %scan3A_80 : i32 to index
          %swap3A_211 = arith.constant 224 : index
          %swap3A_212 = tpu.vector_load %arg8[%swap3A_210, %swap3A_211] {strides = array<i32>} : memref<32x768xf32, #tpu.memory_space<vmem>>, vector<1x16xf32>,
          %swap3A_213 = vector.shape_cast %swap3A_212 : vector<1x16xf32> to vector<16xf32>
          %swap3A_214 = vector.shape_cast %get3A_209 : vector<16xf32> to vector<1x16xf32>
          tpu.vector_store %arg8[%swap3A_210, %swap3A_211], %swap3A_214 {add = true, strides = array<i32>} : memref<32x768xf32, #tpu.memory_space<vmem>>, vector<1x16xf32>,
          %get3A_215 = arith.index_cast %scan3A_80 : i32 to index
          %get3A_216 = arith.constant 240 : index
          %get3A_217 = tpu.vector_load %arg6[%get3A_215, %get3A_216] {strides = array<i32>} : memref<32x768xf32, #tpu.memory_space<vmem>>, vector<1x16xf32>,
          %get3A_218 = vector.shape_cast %get3A_217 : vector<1x16xf32> to vector<16xf32>
          %swap3A_219 = arith.index_cast %scan3A_80 : i32 to index
          %swap3A_220 = arith.constant 240 : index
          %swap3A_221 = tpu.vector_load %arg8[%swap3A_219, %swap3A_220] {strides = array<i32>} : memref<32x768xf32, #tpu.memory_space<vmem>>, vector<1x16xf32>,
          %swap3A_222 = vector.shape_cast %swap3A_221 : vector<1x16xf32> to vector<16xf32>
          %swap3A_223 = vector.shape_cast %get3A_218 : vector<16xf32> to vector<1x16xf32>
          tpu.vector_store %arg8[%swap3A_219, %swap3A_220], %swap3A_223 {add = true, strides = array<i32>} : memref<32x768xf32, #tpu.memory_space<vmem>>, vector<1x16xf32>,
          %get3A_224 = arith.index_cast %scan3A_80 : i32 to index
          %get3A_225 = arith.constant 256 : index
          %get3A_226 = tpu.vector_load %arg6[%get3A_224, %get3A_225] {strides = array<i32>} : memref<32x768xf32, #tpu.memory_space<vmem>>, vector<1x16xf32>,
          %get3A_227 = vector.shape_cast %get3A_226 : vector<1x16xf32> to vector<16xf32>
          %swap3A_228 = arith.index_cast %scan3A_80 : i32 to index
          %swap3A_229 = arith.constant 256 : index
          %swap3A_230 = tpu.vector_load %arg8[%swap3A_228, %swap3A_229] {strides = array<i32>} : memref<32x768xf32, #tpu.memory_space<vmem>>, vector<1x16xf32>,
          %swap3A_231 = vector.shape_cast %swap3A_230 : vector<1x16xf32> to vector<16xf32>
          %swap3A_232 = vector.shape_cast %get3A_227 : vector<16xf32> to vector<1x16xf32>
          tpu.vector_store %arg8[%swap3A_228, %swap3A_229], %swap3A_232 {add = true, strides = array<i32>} : memref<32x768xf32, #tpu.memory_space<vmem>>, vector<1x16xf32>,
          %get3A_233 = arith.index_cast %scan3A_80 : i32 to index
          %get3A_234 = arith.constant 272 : index
          %get3A_235 = tpu.vector_load %arg6[%get3A_233, %get3A_234] {strides = array<i32>} : memref<32x768xf32, #tpu.memory_space<vmem>>, vector<1x16xf32>,
          %get3A_236 = vector.shape_cast %get3A_235 : vector<1x16xf32> to vector<16xf32>
          %swap3A_237 = arith.index_cast %scan3A_80 : i32 to index
          %swap3A_238 = arith.constant 272 : index
          %swap3A_239 = tpu.vector_load %arg8[%swap3A_237, %swap3A_238] {strides = array<i32>} : memref<32x768xf32, #tpu.memory_space<vmem>>, vector<1x16xf32>,
          %swap3A_240 = vector.shape_cast %swap3A_239 : vector<1x16xf32> to vector<16xf32>
          %swap3A_241 = vector.shape_cast %get3A_236 : vector<16xf32> to vector<1x16xf32>
          tpu.vector_store %arg8[%swap3A_237, %swap3A_238], %swap3A_241 {add = true, strides = array<i32>} : memref<32x768xf32, #tpu.memory_space<vmem>>, vector<1x16xf32>,
          %get3A_242 = arith.index_cast %scan3A_80 : i32 to index
          %get3A_243 = arith.constant 288 : index
          %get3A_244 = tpu.vector_load %arg6[%get3A_242, %get3A_243] {strides = array<i32>} : memref<32x768xf32, #tpu.memory_space<vmem>>, vector<1x16xf32>,
          %get3A_245 = vector.shape_cast %get3A_244 : vector<1x16xf32> to vector<16xf32>
          %swap3A_246 = arith.index_cast %scan3A_80 : i32 to index
          %swap3A_247 = arith.constant 288 : index
          %swap3A_248 = tpu.vector_load %arg8[%swap3A_246, %swap3A_247] {strides = array<i32>} : memref<32x768xf32, #tpu.memory_space<vmem>>, vector<1x16xf32>,
          %swap3A_249 = vector.shape_cast %swap3A_248 : vector<1x16xf32> to vector<16xf32>
          %swap3A_250 = vector.shape_cast %get3A_245 : vector<16xf32> to vector<1x16xf32>
          tpu.vector_store %arg8[%swap3A_246, %swap3A_247], %swap3A_250 {add = true, strides = array<i32>} : memref<32x768xf32, #tpu.memory_space<vmem>>, vector<1x16xf32>,
          %get3A_251 = arith.index_cast %scan3A_80 : i32 to index
          %get3A_252 = arith.constant 304 : index
          %get3A_253 = tpu.vector_load %arg6[%get3A_251, %get3A_252] {strides = array<i32>} : memref<32x768xf32, #tpu.memory_space<vmem>>, vector<1x16xf32>,
          %get3A_254 = vector.shape_cast %get3A_253 : vector<1x16xf32> to vector<16xf32>
          %swap3A_255 = arith.index_cast %scan3A_80 : i32 to index
          %swap3A_256 = arith.constant 304 : index
          %swap3A_257 = tpu.vector_load %arg8[%swap3A_255, %swap3A_256] {strides = array<i32>} : memref<32x768xf32, #tpu.memory_space<vmem>>, vector<1x16xf32>,
          %swap3A_258 = vector.shape_cast %swap3A_257 : vector<1x16xf32> to vector<16xf32>
          %swap3A_259 = vector.shape_cast %get3A_254 : vector<16xf32> to vector<1x16xf32>
          tpu.vector_store %arg8[%swap3A_255, %swap3A_256], %swap3A_259 {add = true, strides = array<i32>} : memref<32x768xf32, #tpu.memory_space<vmem>>, vector<1x16xf32>,
          %get3A_260 = arith.index_cast %scan3A_80 : i32 to index
          %get3A_261 = arith.constant 320 : index
          %get3A_262 = tpu.vector_load %arg6[%get3A_260, %get3A_261] {strides = array<i32>} : memref<32x768xf32, #tpu.memory_space<vmem>>, vector<1x16xf32>,
          %get3A_263 = vector.shape_cast %get3A_262 : vector<1x16xf32> to vector<16xf32>
          %swap3A_264 = arith.index_cast %scan3A_80 : i32 to index
          %swap3A_265 = arith.constant 320 : index
          %swap3A_266 = tpu.vector_load %arg8[%swap3A_264, %swap3A_265] {strides = array<i32>} : memref<32x768xf32, #tpu.memory_space<vmem>>, vector<1x16xf32>,
          %swap3A_267 = vector.shape_cast %swap3A_266 : vector<1x16xf32> to vector<16xf32>
          %swap3A_268 = vector.shape_cast %get3A_263 : vector<16xf32> to vector<1x16xf32>
          tpu.vector_store %arg8[%swap3A_264, %swap3A_265], %swap3A_268 {add = true, strides = array<i32>} : memref<32x768xf32, #tpu.memory_space<vmem>>, vector<1x16xf32>,
          %get3A_269 = arith.index_cast %scan3A_80 : i32 to index
          %get3A_270 = arith.constant 336 : index
          %get3A_271 = tpu.vector_load %arg6[%get3A_269, %get3A_270] {strides = array<i32>} : memref<32x768xf32, #tpu.memory_space<vmem>>, vector<1x16xf32>,
          %get3A_272 = vector.shape_cast %get3A_271 : vector<1x16xf32> to vector<16xf32>
          %swap3A_273 = arith.index_cast %scan3A_80 : i32 to index
          %swap3A_274 = arith.constant 336 : index
          %swap3A_275 = tpu.vector_load %arg8[%swap3A_273, %swap3A_274] {strides = array<i32>} : memref<32x768xf32, #tpu.memory_space<vmem>>, vector<1x16xf32>,
          %swap3A_276 = vector.shape_cast %swap3A_275 : vector<1x16xf32> to vector<16xf32>
          %swap3A_277 = vector.shape_cast %get3A_272 : vector<16xf32> to vector<1x16xf32>
          tpu.vector_store %arg8[%swap3A_273, %swap3A_274], %swap3A_277 {add = true, strides = array<i32>} : memref<32x768xf32, #tpu.memory_space<vmem>>, vector<1x16xf32>,
          %get3A_278 = arith.index_cast %scan3A_80 : i32 to index
          %get3A_279 = arith.constant 352 : index
          %get3A_280 = tpu.vector_load %arg6[%get3A_278, %get3A_279] {strides = array<i32>} : memref<32x768xf32, #tpu.memory_space<vmem>>, vector<1x16xf32>,
          %get3A_281 = vector.shape_cast %get3A_280 : vector<1x16xf32> to vector<16xf32>
          %swap3A_282 = arith.index_cast %scan3A_80 : i32 to index
          %swap3A_283 = arith.constant 352 : index
          %swap3A_284 = tpu.vector_load %arg8[%swap3A_282, %swap3A_283] {strides = array<i32>} : memref<32x768xf32, #tpu.memory_space<vmem>>, vector<1x16xf32>,
          %swap3A_285 = vector.shape_cast %swap3A_284 : vector<1x16xf32> to vector<16xf32>
          %swap3A_286 = vector.shape_cast %get3A_281 : vector<16xf32> to vector<1x16xf32>
          tpu.vector_store %arg8[%swap3A_282, %swap3A_283], %swap3A_286 {add = true, strides = array<i32>} : memref<32x768xf32, #tpu.memory_space<vmem>>, vector<1x16xf32>,
          %get3A_287 = arith.index_cast %scan3A_80 : i32 to index
          %get3A_288 = arith.constant 368 : index
          %get3A_289 = tpu.vector_load %arg6[%get3A_287, %get3A_288] {strides = array<i32>} : memref<32x768xf32, #tpu.memory_space<vmem>>, vector<1x16xf32>,
          %get3A_290 = vector.shape_cast %get3A_289 : vector<1x16xf32> to vector<16xf32>
          %swap3A_291 = arith.index_cast %scan3A_80 : i32 to index
          %swap3A_292 = arith.constant 368 : index
          %swap3A_293 = tpu.vector_load %arg8[%swap3A_291, %swap3A_292] {strides = array<i32>} : memref<32x768xf32, #tpu.memory_space<vmem>>, vector<1x16xf32>,
          %swap3A_294 = vector.shape_cast %swap3A_293 : vector<1x16xf32> to vector<16xf32>
          %swap3A_295 = vector.shape_cast %get3A_290 : vector<16xf32> to vector<1x16xf32>
          tpu.vector_store %arg8[%swap3A_291, %swap3A_292], %swap3A_295 {add = true, strides = array<i32>} : memref<32x768xf32, #tpu.memory_space<vmem>>, vector<1x16xf32>,
          %get3A_296 = arith.index_cast %scan3A_80 : i32 to index
          %get3A_297 = arith.constant 384 : index
          %get3A_298 = tpu.vector_load %arg6[%get3A_296, %get3A_297] {strides = array<i32>} : memref<32x768xf32, #tpu.memory_space<vmem>>, vector<1x16xf32>,
          %get3A_299 = vector.shape_cast %get3A_298 : vector<1x16xf32> to vector<16xf32>
          %swap3A_300 = arith.index_cast %scan3A_80 : i32 to index
          %swap3A_301 = arith.constant 384 : index
          %swap3A_302 = tpu.vector_load %arg8[%swap3A_300, %swap3A_301] {strides = array<i32>} : memref<32x768xf32, #tpu.memory_space<vmem>>, vector<1x16xf32>,
          %swap3A_303 = vector.shape_cast %swap3A_302 : vector<1x16xf32> to vector<16xf32>
          %swap3A_304 = vector.shape_cast %get3A_299 : vector<16xf32> to vector<1x16xf32>
          tpu.vector_store %arg8[%swap3A_300, %swap3A_301], %swap3A_304 {add = true, strides = array<i32>} : memref<32x768xf32, #tpu.memory_space<vmem>>, vector<1x16xf32>,
          %get3A_305 = arith.index_cast %scan3A_80 : i32 to index
          %get3A_306 = arith.constant 400 : index
          %get3A_307 = tpu.vector_load %arg6[%get3A_305, %get3A_306] {strides = array<i32>} : memref<32x768xf32, #tpu.memory_space<vmem>>, vector<1x16xf32>,
          %get3A_308 = vector.shape_cast %get3A_307 : vector<1x16xf32> to vector<16xf32>
          %swap3A_309 = arith.index_cast %scan3A_80 : i32 to index
          %swap3A_310 = arith.constant 400 : index
          %swap3A_311 = tpu.vector_load %arg8[%swap3A_309, %swap3A_310] {strides = array<i32>} : memref<32x768xf32, #tpu.memory_space<vmem>>, vector<1x16xf32>,
          %swap3A_312 = vector.shape_cast %swap3A_311 : vector<1x16xf32> to vector<16xf32>
          %swap3A_313 = vector.shape_cast %get3A_308 : vector<16xf32> to vector<1x16xf32>
          tpu.vector_store %arg8[%swap3A_309, %swap3A_310], %swap3A_313 {add = true, strides = array<i32>} : memref<32x768xf32, #tpu.memory_space<vmem>>, vector<1x16xf32>,
          %get3A_314 = arith.index_cast %scan3A_80 : i32 to index
          %get3A_315 = arith.constant 416 : index
          %get3A_316 = tpu.vector_load %arg6[%get3A_314, %get3A_315] {strides = array<i32>} : memref<32x768xf32, #tpu.memory_space<vmem>>, vector<1x16xf32>,
          %get3A_317 = vector.shape_cast %get3A_316 : vector<1x16xf32> to vector<16xf32>
          %swap3A_318 = arith.index_cast %scan3A_80 : i32 to index
          %swap3A_319 = arith.constant 416 : index
          %swap3A_320 = tpu.vector_load %arg8[%swap3A_318, %swap3A_319] {strides = array<i32>} : memref<32x768xf32, #tpu.memory_space<vmem>>, vector<1x16xf32>,
          %swap3A_321 = vector.shape_cast %swap3A_320 : vector<1x16xf32> to vector<16xf32>
          %swap3A_322 = vector.shape_cast %get3A_317 : vector<16xf32> to vector<1x16xf32>
          tpu.vector_store %arg8[%swap3A_318, %swap3A_319], %swap3A_322 {add = true, strides = array<i32>} : memref<32x768xf32, #tpu.memory_space<vmem>>, vector<1x16xf32>,
          %get3A_323 = arith.index_cast %scan3A_80 : i32 to index
          %get3A_324 = arith.constant 432 : index
          %get3A_325 = tpu.vector_load %arg6[%get3A_323, %get3A_324] {strides = array<i32>} : memref<32x768xf32, #tpu.memory_space<vmem>>, vector<1x16xf32>,
          %get3A_326 = vector.shape_cast %get3A_325 : vector<1x16xf32> to vector<16xf32>
          %swap3A_327 = arith.index_cast %scan3A_80 : i32 to index
          %swap3A_328 = arith.constant 432 : index
          %swap3A_329 = tpu.vector_load %arg8[%swap3A_327, %swap3A_328] {strides = array<i32>} : memref<32x768xf32, #tpu.memory_space<vmem>>, vector<1x16xf32>,
          %swap3A_330 = vector.shape_cast %swap3A_329 : vector<1x16xf32> to vector<16xf32>
          %swap3A_331 = vector.shape_cast %get3A_326 : vector<16xf32> to vector<1x16xf32>
          tpu.vector_store %arg8[%swap3A_327, %swap3A_328], %swap3A_331 {add = true, strides = array<i32>} : memref<32x768xf32, #tpu.memory_space<vmem>>, vector<1x16xf32>,
          %get3A_332 = arith.index_cast %scan3A_80 : i32 to index
          %get3A_333 = arith.constant 448 : index
          %get3A_334 = tpu.vector_load %arg6[%get3A_332, %get3A_333] {strides = array<i32>} : memref<32x768xf32, #tpu.memory_space<vmem>>, vector<1x16xf32>,
          %get3A_335 = vector.shape_cast %get3A_334 : vector<1x16xf32> to vector<16xf32>
          %swap3A_336 = arith.index_cast %scan3A_80 : i32 to index
          %swap3A_337 = arith.constant 448 : index
          %swap3A_338 = tpu.vector_load %arg8[%swap3A_336, %swap3A_337] {strides = array<i32>} : memref<32x768xf32, #tpu.memory_space<vmem>>, vector<1x16xf32>,
          %swap3A_339 = vector.shape_cast %swap3A_338 : vector<1x16xf32> to vector<16xf32>
          %swap3A_340 = vector.shape_cast %get3A_335 : vector<16xf32> to vector<1x16xf32>
          tpu.vector_store %arg8[%swap3A_336, %swap3A_337], %swap3A_340 {add = true, strides = array<i32>} : memref<32x768xf32, #tpu.memory_space<vmem>>, vector<1x16xf32>,
          %get3A_341 = arith.index_cast %scan3A_80 : i32 to index
          %get3A_342 = arith.constant 464 : index
          %get3A_343 = tpu.vector_load %arg6[%get3A_341, %get3A_342] {strides = array<i32>} : memref<32x768xf32, #tpu.memory_space<vmem>>, vector<1x16xf32>,
          %get3A_344 = vector.shape_cast %get3A_343 : vector<1x16xf32> to vector<16xf32>
          %swap3A_345 = arith.index_cast %scan3A_80 : i32 to index
          %swap3A_346 = arith.constant 464 : index
          %swap3A_347 = tpu.vector_load %arg8[%swap3A_345, %swap3A_346] {strides = array<i32>} : memref<32x768xf32, #tpu.memory_space<vmem>>, vector<1x16xf32>,
          %swap3A_348 = vector.shape_cast %swap3A_347 : vector<1x16xf32> to vector<16xf32>
          %swap3A_349 = vector.shape_cast %get3A_344 : vector<16xf32> to vector<1x16xf32>
          tpu.vector_store %arg8[%swap3A_345, %swap3A_346], %swap3A_349 {add = true, strides = array<i32>} : memref<32x768xf32, #tpu.memory_space<vmem>>, vector<1x16xf32>,
          %get3A_350 = arith.index_cast %scan3A_80 : i32 to index
          %get3A_351 = arith.constant 480 : index
          %get3A_352 = tpu.vector_load %arg6[%get3A_350, %get3A_351] {strides = array<i32>} : memref<32x768xf32, #tpu.memory_space<vmem>>, vector<1x16xf32>,
          %get3A_353 = vector.shape_cast %get3A_352 : vector<1x16xf32> to vector<16xf32>
          %swap3A_354 = arith.index_cast %scan3A_80 : i32 to index
          %swap3A_355 = arith.constant 480 : index
          %swap3A_356 = tpu.vector_load %arg8[%swap3A_354, %swap3A_355] {strides = array<i32>} : memref<32x768xf32, #tpu.memory_space<vmem>>, vector<1x16xf32>,
          %swap3A_357 = vector.shape_cast %swap3A_356 : vector<1x16xf32> to vector<16xf32>
          %swap3A_358 = vector.shape_cast %get3A_353 : vector<16xf32> to vector<1x16xf32>
          tpu.vector_store %arg8[%swap3A_354, %swap3A_355], %swap3A_358 {add = true, strides = array<i32>} : memref<32x768xf32, #tpu.memory_space<vmem>>, vector<1x16xf32>,
          %get3A_359 = arith.index_cast %scan3A_80 : i32 to index
          %get3A_360 = arith.constant 496 : index
          %get3A_361 = tpu.vector_load %arg6[%get3A_359, %get3A_360] {strides = array<i32>} : memref<32x768xf32, #tpu.memory_space<vmem>>, vector<1x16xf32>,
          %get3A_362 = vector.shape_cast %get3A_361 : vector<1x16xf32> to vector<16xf32>
          %swap3A_363 = arith.index_cast %scan3A_80 : i32 to index
          %swap3A_364 = arith.constant 496 : index
          %swap3A_365 = tpu.vector_load %arg8[%swap3A_363, %swap3A_364] {strides = array<i32>} : memref<32x768xf32, #tpu.memory_space<vmem>>, vector<1x16xf32>,
          %swap3A_366 = vector.shape_cast %swap3A_365 : vector<1x16xf32> to vector<16xf32>
          %swap3A_367 = vector.shape_cast %get3A_362 : vector<16xf32> to vector<1x16xf32>
          tpu.vector_store %arg8[%swap3A_363, %swap3A_364], %swap3A_367 {add = true, strides = array<i32>} : memref<32x768xf32, #tpu.memory_space<vmem>>, vector<1x16xf32>,
          %get3A_368 = arith.index_cast %scan3A_80 : i32 to index
          %get3A_369 = arith.constant 512 : index
          %get3A_370 = tpu.vector_load %arg6[%get3A_368, %get3A_369] {strides = array<i32>} : memref<32x768xf32, #tpu.memory_space<vmem>>, vector<1x16xf32>,
          %get3A_371 = vector.shape_cast %get3A_370 : vector<1x16xf32> to vector<16xf32>
          %swap3A_372 = arith.index_cast %scan3A_80 : i32 to index
          %swap3A_373 = arith.constant 512 : index
          %swap3A_374 = tpu.vector_load %arg8[%swap3A_372, %swap3A_373] {strides = array<i32>} : memref<32x768xf32, #tpu.memory_space<vmem>>, vector<1x16xf32>,
          %swap3A_375 = vector.shape_cast %swap3A_374 : vector<1x16xf32> to vector<16xf32>
          %swap3A_376 = vector.shape_cast %get3A_371 : vector<16xf32> to vector<1x16xf32>
          tpu.vector_store %arg8[%swap3A_372, %swap3A_373], %swap3A_376 {add = true, strides = array<i32>} : memref<32x768xf32, #tpu.memory_space<vmem>>, vector<1x16xf32>,
          %get3A_377 = arith.index_cast %scan3A_80 : i32 to index
          %get3A_378 = arith.constant 528 : index
          %get3A_379 = tpu.vector_load %arg6[%get3A_377, %get3A_378] {strides = array<i32>} : memref<32x768xf32, #tpu.memory_space<vmem>>, vector<1x16xf32>,
          %get3A_380 = vector.shape_cast %get3A_379 : vector<1x16xf32> to vector<16xf32>
          %swap3A_381 = arith.index_cast %scan3A_80 : i32 to index
          %swap3A_382 = arith.constant 528 : index
          %swap3A_383 = tpu.vector_load %arg8[%swap3A_381, %swap3A_382] {strides = array<i32>} : memref<32x768xf32, #tpu.memory_space<vmem>>, vector<1x16xf32>,
          %swap3A_384 = vector.shape_cast %swap3A_383 : vector<1x16xf32> to vector<16xf32>
          %swap3A_385 = vector.shape_cast %get3A_380 : vector<16xf32> to vector<1x16xf32>
          tpu.vector_store %arg8[%swap3A_381, %swap3A_382], %swap3A_385 {add = true, strides = array<i32>} : memref<32x768xf32, #tpu.memory_space<vmem>>, vector<1x16xf32>,
          %get3A_386 = arith.index_cast %scan3A_80 : i32 to index
          %get3A_387 = arith.constant 544 : index
          %get3A_388 = tpu.vector_load %arg6[%get3A_386, %get3A_387] {strides = array<i32>} : memref<32x768xf32, #tpu.memory_space<vmem>>, vector<1x16xf32>,
          %get3A_389 = vector.shape_cast %get3A_388 : vector<1x16xf32> to vector<16xf32>
          %swap3A_390 = arith.index_cast %scan3A_80 : i32 to index
          %swap3A_391 = arith.constant 544 : index
          %swap3A_392 = tpu.vector_load %arg8[%swap3A_390, %swap3A_391] {strides = array<i32>} : memref<32x768xf32, #tpu.memory_space<vmem>>, vector<1x16xf32>,
          %swap3A_393 = vector.shape_cast %swap3A_392 : vector<1x16xf32> to vector<16xf32>
          %swap3A_394 = vector.shape_cast %get3A_389 : vector<16xf32> to vector<1x16xf32>
          tpu.vector_store %arg8[%swap3A_390, %swap3A_391], %swap3A_394 {add = true, strides = array<i32>} : memref<32x768xf32, #tpu.memory_space<vmem>>, vector<1x16xf32>,
          %get3A_395 = arith.index_cast %scan3A_80 : i32 to index
          %get3A_396 = arith.constant 560 : index
          %get3A_397 = tpu.vector_load %arg6[%get3A_395, %get3A_396] {strides = array<i32>} : memref<32x768xf32, #tpu.memory_space<vmem>>, vector<1x16xf32>,
          %get3A_398 = vector.shape_cast %get3A_397 : vector<1x16xf32> to vector<16xf32>
          %swap3A_399 = arith.index_cast %scan3A_80 : i32 to index
          %swap3A_400 = arith.constant 560 : index
          %swap3A_401 = tpu.vector_load %arg8[%swap3A_399, %swap3A_400] {strides = array<i32>} : memref<32x768xf32, #tpu.memory_space<vmem>>, vector<1x16xf32>,
          %swap3A_402 = vector.shape_cast %swap3A_401 : vector<1x16xf32> to vector<16xf32>
          %swap3A_403 = vector.shape_cast %get3A_398 : vector<16xf32> to vector<1x16xf32>
          tpu.vector_store %arg8[%swap3A_399, %swap3A_400], %swap3A_403 {add = true, strides = array<i32>} : memref<32x768xf32, #tpu.memory_space<vmem>>, vector<1x16xf32>,
          %get3A_404 = arith.index_cast %scan3A_80 : i32 to index
          %get3A_405 = arith.constant 576 : index
          %get3A_406 = tpu.vector_load %arg6[%get3A_404, %get3A_405] {strides = array<i32>} : memref<32x768xf32, #tpu.memory_space<vmem>>, vector<1x16xf32>,
          %get3A_407 = vector.shape_cast %get3A_406 : vector<1x16xf32> to vector<16xf32>
          %swap3A_408 = arith.index_cast %scan3A_80 : i32 to index
          %swap3A_409 = arith.constant 576 : index
          %swap3A_410 = tpu.vector_load %arg8[%swap3A_408, %swap3A_409] {strides = array<i32>} : memref<32x768xf32, #tpu.memory_space<vmem>>, vector<1x16xf32>,
          %swap3A_411 = vector.shape_cast %swap3A_410 : vector<1x16xf32> to vector<16xf32>
          %swap3A_412 = vector.shape_cast %get3A_407 : vector<16xf32> to vector<1x16xf32>
          tpu.vector_store %arg8[%swap3A_408, %swap3A_409], %swap3A_412 {add = true, strides = array<i32>} : memref<32x768xf32, #tpu.memory_space<vmem>>, vector<1x16xf32>,
          %get3A_413 = arith.index_cast %scan3A_80 : i32 to index
          %get3A_414 = arith.constant 592 : index
          %get3A_415 = tpu.vector_load %arg6[%get3A_413, %get3A_414] {strides = array<i32>} : memref<32x768xf32, #tpu.memory_space<vmem>>, vector<1x16xf32>,
          %get3A_416 = vector.shape_cast %get3A_415 : vector<1x16xf32> to vector<16xf32>
          %swap3A_417 = arith.index_cast %scan3A_80 : i32 to index
          %swap3A_418 = arith.constant 592 : index
          %swap3A_419 = tpu.vector_load %arg8[%swap3A_417, %swap3A_418] {strides = array<i32>} : memref<32x768xf32, #tpu.memory_space<vmem>>, vector<1x16xf32>,
          %swap3A_420 = vector.shape_cast %swap3A_419 : vector<1x16xf32> to vector<16xf32>
          %swap3A_421 = vector.shape_cast %get3A_416 : vector<16xf32> to vector<1x16xf32>
          tpu.vector_store %arg8[%swap3A_417, %swap3A_418], %swap3A_421 {add = true, strides = array<i32>} : memref<32x768xf32, #tpu.memory_space<vmem>>, vector<1x16xf32>,
          %get3A_422 = arith.index_cast %scan3A_80 : i32 to index
          %get3A_423 = arith.constant 608 : index
          %get3A_424 = tpu.vector_load %arg6[%get3A_422, %get3A_423] {strides = array<i32>} : memref<32x768xf32, #tpu.memory_space<vmem>>, vector<1x16xf32>,
          %get3A_425 = vector.shape_cast %get3A_424 : vector<1x16xf32> to vector<16xf32>
          %swap3A_426 = arith.index_cast %scan3A_80 : i32 to index
          %swap3A_427 = arith.constant 608 : index
          %swap3A_428 = tpu.vector_load %arg8[%swap3A_426, %swap3A_427] {strides = array<i32>} : memref<32x768xf32, #tpu.memory_space<vmem>>, vector<1x16xf32>,
          %swap3A_429 = vector.shape_cast %swap3A_428 : vector<1x16xf32> to vector<16xf32>
          %swap3A_430 = vector.shape_cast %get3A_425 : vector<16xf32> to vector<1x16xf32>
          tpu.vector_store %arg8[%swap3A_426, %swap3A_427], %swap3A_430 {add = true, strides = array<i32>} : memref<32x768xf32, #tpu.memory_space<vmem>>, vector<1x16xf32>,
          %get3A_431 = arith.index_cast %scan3A_80 : i32 to index
          %get3A_432 = arith.constant 624 : index
          %get3A_433 = tpu.vector_load %arg6[%get3A_431, %get3A_432] {strides = array<i32>} : memref<32x768xf32, #tpu.memory_space<vmem>>, vector<1x16xf32>,
          %get3A_434 = vector.shape_cast %get3A_433 : vector<1x16xf32> to vector<16xf32>
          %swap3A_435 = arith.index_cast %scan3A_80 : i32 to index
          %swap3A_436 = arith.constant 624 : index
          %swap3A_437 = tpu.vector_load %arg8[%swap3A_435, %swap3A_436] {strides = array<i32>} : memref<32x768xf32, #tpu.memory_space<vmem>>, vector<1x16xf32>,
          %swap3A_438 = vector.shape_cast %swap3A_437 : vector<1x16xf32> to vector<16xf32>
          %swap3A_439 = vector.shape_cast %get3A_434 : vector<16xf32> to vector<1x16xf32>
          tpu.vector_store %arg8[%swap3A_435, %swap3A_436], %swap3A_439 {add = true, strides = array<i32>} : memref<32x768xf32, #tpu.memory_space<vmem>>, vector<1x16xf32>,
          %get3A_440 = arith.index_cast %scan3A_80 : i32 to index
          %get3A_441 = arith.constant 640 : index
          %get3A_442 = tpu.vector_load %arg6[%get3A_440, %get3A_441] {strides = array<i32>} : memref<32x768xf32, #tpu.memory_space<vmem>>, vector<1x16xf32>,
          %get3A_443 = vector.shape_cast %get3A_442 : vector<1x16xf32> to vector<16xf32>
          %swap3A_444 = arith.index_cast %scan3A_80 : i32 to index
          %swap3A_445 = arith.constant 640 : index
          %swap3A_446 = tpu.vector_load %arg8[%swap3A_444, %swap3A_445] {strides = array<i32>} : memref<32x768xf32, #tpu.memory_space<vmem>>, vector<1x16xf32>,
          %swap3A_447 = vector.shape_cast %swap3A_446 : vector<1x16xf32> to vector<16xf32>
          %swap3A_448 = vector.shape_cast %get3A_443 : vector<16xf32> to vector<1x16xf32>
          tpu.vector_store %arg8[%swap3A_444, %swap3A_445], %swap3A_448 {add = true, strides = array<i32>} : memref<32x768xf32, #tpu.memory_space<vmem>>, vector<1x16xf32>,
          %get3A_449 = arith.index_cast %scan3A_80 : i32 to index
          %get3A_450 = arith.constant 656 : index
          %get3A_451 = tpu.vector_load %arg6[%get3A_449, %get3A_450] {strides = array<i32>} : memref<32x768xf32, #tpu.memory_space<vmem>>, vector<1x16xf32>,
          %get3A_452 = vector.shape_cast %get3A_451 : vector<1x16xf32> to vector<16xf32>
          %swap3A_453 = arith.index_cast %scan3A_80 : i32 to index
          %swap3A_454 = arith.constant 656 : index
          %swap3A_455 = tpu.vector_load %arg8[%swap3A_453, %swap3A_454] {strides = array<i32>} : memref<32x768xf32, #tpu.memory_space<vmem>>, vector<1x16xf32>,
          %swap3A_456 = vector.shape_cast %swap3A_455 : vector<1x16xf32> to vector<16xf32>
          %swap3A_457 = vector.shape_cast %get3A_452 : vector<16xf32> to vector<1x16xf32>
          tpu.vector_store %arg8[%swap3A_453, %swap3A_454], %swap3A_457 {add = true, strides = array<i32>} : memref<32x768xf32, #tpu.memory_space<vmem>>, vector<1x16xf32>,
          %get3A_458 = arith.index_cast %scan3A_80 : i32 to index
          %get3A_459 = arith.constant 672 : index
          %get3A_460 = tpu.vector_load %arg6[%get3A_458, %get3A_459] {strides = array<i32>} : memref<32x768xf32, #tpu.memory_space<vmem>>, vector<1x16xf32>,
          %get3A_461 = vector.shape_cast %get3A_460 : vector<1x16xf32> to vector<16xf32>
          %swap3A_462 = arith.index_cast %scan3A_80 : i32 to index
          %swap3A_463 = arith.constant 672 : index
          %swap3A_464 = tpu.vector_load %arg8[%swap3A_462, %swap3A_463] {strides = array<i32>} : memref<32x768xf32, #tpu.memory_space<vmem>>, vector<1x16xf32>,
          %swap3A_465 = vector.shape_cast %swap3A_464 : vector<1x16xf32> to vector<16xf32>
          %swap3A_466 = vector.shape_cast %get3A_461 : vector<16xf32> to vector<1x16xf32>
          tpu.vector_store %arg8[%swap3A_462, %swap3A_463], %swap3A_466 {add = true, strides = array<i32>} : memref<32x768xf32, #tpu.memory_space<vmem>>, vector<1x16xf32>,
          %get3A_467 = arith.index_cast %scan3A_80 : i32 to index
          %get3A_468 = arith.constant 688 : index
          %get3A_469 = tpu.vector_load %arg6[%get3A_467, %get3A_468] {strides = array<i32>} : memref<32x768xf32, #tpu.memory_space<vmem>>, vector<1x16xf32>,
          %get3A_470 = vector.shape_cast %get3A_469 : vector<1x16xf32> to vector<16xf32>
          %swap3A_471 = arith.index_cast %scan3A_80 : i32 to index
          %swap3A_472 = arith.constant 688 : index
          %swap3A_473 = tpu.vector_load %arg8[%swap3A_471, %swap3A_472] {strides = array<i32>} : memref<32x768xf32, #tpu.memory_space<vmem>>, vector<1x16xf32>,
          %swap3A_474 = vector.shape_cast %swap3A_473 : vector<1x16xf32> to vector<16xf32>
          %swap3A_475 = vector.shape_cast %get3A_470 : vector<16xf32> to vector<1x16xf32>
          tpu.vector_store %arg8[%swap3A_471, %swap3A_472], %swap3A_475 {add = true, strides = array<i32>} : memref<32x768xf32, #tpu.memory_space<vmem>>, vector<1x16xf32>,
          %get3A_476 = arith.index_cast %scan3A_80 : i32 to index
          %get3A_477 = arith.constant 704 : index
          %get3A_478 = tpu.vector_load %arg6[%get3A_476, %get3A_477] {strides = array<i32>} : memref<32x768xf32, #tpu.memory_space<vmem>>, vector<1x16xf32>,
          %get3A_479 = vector.shape_cast %get3A_478 : vector<1x16xf32> to vector<16xf32>
          %swap3A_480 = arith.index_cast %scan3A_80 : i32 to index
          %swap3A_481 = arith.constant 704 : index
          %swap3A_482 = tpu.vector_load %arg8[%swap3A_480, %swap3A_481] {strides = array<i32>} : memref<32x768xf32, #tpu.memory_space<vmem>>, vector<1x16xf32>,
          %swap3A_483 = vector.shape_cast %swap3A_482 : vector<1x16xf32> to vector<16xf32>
          %swap3A_484 = vector.shape_cast %get3A_479 : vector<16xf32> to vector<1x16xf32>
          tpu.vector_store %arg8[%swap3A_480, %swap3A_481], %swap3A_484 {add = true, strides = array<i32>} : memref<32x768xf32, #tpu.memory_space<vmem>>, vector<1x16xf32>,
          %get3A_485 = arith.index_cast %scan3A_80 : i32 to index
          %get3A_486 = arith.constant 720 : index
          %get3A_487 = tpu.vector_load %arg6[%get3A_485, %get3A_486] {strides = array<i32>} : memref<32x768xf32, #tpu.memory_space<vmem>>, vector<1x16xf32>,
          %get3A_488 = vector.shape_cast %get3A_487 : vector<1x16xf32> to vector<16xf32>
          %swap3A_489 = arith.index_cast %scan3A_80 : i32 to index
          %swap3A_490 = arith.constant 720 : index
          %swap3A_491 = tpu.vector_load %arg8[%swap3A_489, %swap3A_490] {strides = array<i32>} : memref<32x768xf32, #tpu.memory_space<vmem>>, vector<1x16xf32>,
          %swap3A_492 = vector.shape_cast %swap3A_491 : vector<1x16xf32> to vector<16xf32>
          %swap3A_493 = vector.shape_cast %get3A_488 : vector<16xf32> to vector<1x16xf32>
          tpu.vector_store %arg8[%swap3A_489, %swap3A_490], %swap3A_493 {add = true, strides = array<i32>} : memref<32x768xf32, #tpu.memory_space<vmem>>, vector<1x16xf32>,
          %get3A_494 = arith.index_cast %scan3A_80 : i32 to index
          %get3A_495 = arith.constant 736 : index
          %get3A_496 = tpu.vector_load %arg6[%get3A_494, %get3A_495] {strides = array<i32>} : memref<32x768xf32, #tpu.memory_space<vmem>>, vector<1x16xf32>,
          %get3A_497 = vector.shape_cast %get3A_496 : vector<1x16xf32> to vector<16xf32>
          %swap3A_498 = arith.index_cast %scan3A_80 : i32 to index
          %swap3A_499 = arith.constant 736 : index
          %swap3A_500 = tpu.vector_load %arg8[%swap3A_498, %swap3A_499] {strides = array<i32>} : memref<32x768xf32, #tpu.memory_space<vmem>>, vector<1x16xf32>,
          %swap3A_501 = vector.shape_cast %swap3A_500 : vector<1x16xf32> to vector<16xf32>
          %swap3A_502 = vector.shape_cast %get3A_497 : vector<16xf32> to vector<1x16xf32>
          tpu.vector_store %arg8[%swap3A_498, %swap3A_499], %swap3A_502 {add = true, strides = array<i32>} : memref<32x768xf32, #tpu.memory_space<vmem>>, vector<1x16xf32>,
          %get3A_503 = arith.index_cast %scan3A_80 : i32 to index
          %get3A_504 = arith.constant 752 : index
          %get3A_505 = tpu.vector_load %arg6[%get3A_503, %get3A_504] {strides = array<i32>} : memref<32x768xf32, #tpu.memory_space<vmem>>, vector<1x16xf32>,
          %get3A_506 = vector.shape_cast %get3A_505 : vector<1x16xf32> to vector<16xf32>
          %swap3A_507 = arith.index_cast %scan3A_80 : i32 to index
          %swap3A_508 = arith.constant 752 : index
          %swap3A_509 = tpu.vector_load %arg8[%swap3A_507, %swap3A_508] {strides = array<i32>} : memref<32x768xf32, #tpu.memory_space<vmem>>, vector<1x16xf32>,
          %swap3A_510 = vector.shape_cast %swap3A_509 : vector<1x16xf32> to vector<16xf32>
          %swap3A_511 = vector.shape_cast %get3A_506 : vector<16xf32> to vector<1x16xf32>
          tpu.vector_store %arg8[%swap3A_507, %swap3A_508], %swap3A_511 {add = true, strides = array<i32>} : memref<32x768xf32, #tpu.memory_space<vmem>>, vector<1x16xf32>,
          %scan3A_512 = arith.constant 0 : i32
          scf.yield %scan3A_512 : i32
        }
        %scan3A_79 = arith.constant 32 : i32
      } else {
      }
      %jit3A_45 = arith.constant 2 : i32
      %eq3A_46 = arith.constant 0 : i32
      %eq3A_47 = arith.cmpi eq, %jit3A_45, %eq3A_46 : i32
      %jit3A_48 = arith.constant 1 : i32
      %select_n3A_49 = arith.select %eq3A_47, %jit3A_48, %jit3A_45 : i32
      %rem3A_50 = arith.remsi %scan3A_24, %select_n3A_49 : i32
      %ne3A_51 = arith.constant 0 : i32
      %ne3A_52 = arith.cmpi ne, %rem3A_50, %ne3A_51 : i32
      %lt3A_53 = arith.constant 0 : i32
      %lt3A_54 = arith.cmpi slt, %rem3A_50, %lt3A_53 : i32
      %lt3A_55 = arith.constant 0 : i32
      %lt3A_56 = arith.cmpi slt, %select_n3A_49, %lt3A_55 : i32
      %ne3A_57 = arith.xori %lt3A_54, %lt3A_56 : i1
      %and3A_58 = arith.andi %ne3A_57, %ne3A_52 : i1
      %add3A_59 = arith.addi %rem3A_50, %select_n3A_49 : i32
      %select_n3A_60 = arith.select %and3A_58, %add3A_59, %rem3A_50 : i32
      %eq3A_61 = arith.constant 1 : i32
      %eq3A_62 = arith.cmpi eq, %select_n3A_60, %eq3A_61 : i32
      %convert_element_type3A_63 = arith.extui %eq3A_62 : i1 to i32
      %cond3A_64 = arith.constant 0 : i32
      %cond3A_65 = arith.cmpi ne, %convert_element_type3A_63, %cond3A_64 : i32
      scf.if %cond3A_65 {
        %dma_wait3A = arith.constant 0 : i32
        %dma_wait3A_67 = arith.constant 0 : i32
        %dma_wait3A_68 = tpu.memref_slice %arg5[%dma_wait3A, %dma_wait3A_67] : memref<200x128xi32, #tpu.memory_space<vmem>> -> memref<1x32xi32, #tpu.memory_space<vmem>>
        %dma_wait3A_69 = tpu.memref_squeeze %dma_wait3A_68 : memref<1x32xi32, #tpu.memory_space<vmem>> -> memref<32xi32, #tpu.memory_space<vmem>>
        %dma_wait3A_70 = arith.constant 0 : i32
        %dma_wait3A_71 = arith.constant 0 : i32
        %dma_wait3A_72 = tpu.memref_slice %arg3[%dma_wait3A_70, %dma_wait3A_71] : memref<50000x768xf32, #tpu.memory_space<hbm>> -> memref<50000x768xf32, #tpu.memory_space<hbm>>
        tpu.wait_indirect_dma semaphore(%arg10 : memref<!tpu.dma_semaphore, #tpu.memory_space<semaphore_mem>>) src(%dma_wait3A_72 : memref<50000x768xf32, #tpu.memory_space<hbm>>) dst(%arg7 : memref<32x768xf32, #tpu.memory_space<vmem>>)
        %scan3A_73 = arith.constant 0 : i32
        %scan3A_74 = arith.constant 0 : i32
        %scan3A_75 = arith.constant 32 : i32
        %scan3A_76 = arith.addi %scan3A_74, %scan3A_75 : i32
        %scan3A_77 = arith.constant 1 : i32
        %scan3A_78 = scf.for %scan3A_80 = %scan3A_74 to %scan3A_76 step %scan3A_77 iter_args(%scan3A_81 = %scan3A_73) -> (i32)  : i32 {
          %get3A = arith.index_cast %scan3A_80 : i32 to index
          %get3A_82 = arith.constant 0 : index
          %get3A_83 = tpu.vector_load %arg7[%get3A, %get3A_82] {strides = array<i32>} : memref<32x768xf32, #tpu.memory_space<vmem>>, vector<1x16xf32>,
          %get3A_84 = vector.shape_cast %get3A_83 : vector<1x16xf32> to vector<16xf32>
          %swap3A = arith.index_cast %scan3A_80 : i32 to index
          %swap3A_85 = arith.constant 0 : index
          %swap3A_86 = tpu.vector_load %arg8[%swap3A, %swap3A_85] {strides = array<i32>} : memref<32x768xf32, #tpu.memory_space<vmem>>, vector<1x16xf32>,
          %swap3A_87 = vector.shape_cast %swap3A_86 : vector<1x16xf32> to vector<16xf32>
          %swap3A_88 = vector.shape_cast %get3A_84 : vector<16xf32> to vector<1x16xf32>
          tpu.vector_store %arg8[%swap3A, %swap3A_85], %swap3A_88 {add = true, strides = array<i32>} : memref<32x768xf32, #tpu.memory_space<vmem>>, vector<1x16xf32>,
          %get3A_89 = arith.index_cast %scan3A_80 : i32 to index
          %get3A_90 = arith.constant 16 : index
          %get3A_91 = tpu.vector_load %arg7[%get3A_89, %get3A_90] {strides = array<i32>} : memref<32x768xf32, #tpu.memory_space<vmem>>, vector<1x16xf32>,
          %get3A_92 = vector.shape_cast %get3A_91 : vector<1x16xf32> to vector<16xf32>
          %swap3A_93 = arith.index_cast %scan3A_80 : i32 to index
          %swap3A_94 = arith.constant 16 : index
          %swap3A_95 = tpu.vector_load %arg8[%swap3A_93, %swap3A_94] {strides = array<i32>} : memref<32x768xf32, #tpu.memory_space<vmem>>, vector<1x16xf32>,
          %swap3A_96 = vector.shape_cast %swap3A_95 : vector<1x16xf32> to vector<16xf32>
          %swap3A_97 = vector.shape_cast %get3A_92 : vector<16xf32> to vector<1x16xf32>
          tpu.vector_store %arg8[%swap3A_93, %swap3A_94], %swap3A_97 {add = true, strides = array<i32>} : memref<32x768xf32, #tpu.memory_space<vmem>>, vector<1x16xf32>,
          %get3A_98 = arith.index_cast %scan3A_80 : i32 to index
          %get3A_99 = arith.constant 32 : index
          %get3A_100 = tpu.vector_load %arg7[%get3A_98, %get3A_99] {strides = array<i32>} : memref<32x768xf32, #tpu.memory_space<vmem>>, vector<1x16xf32>,
          %get3A_101 = vector.shape_cast %get3A_100 : vector<1x16xf32> to vector<16xf32>
          %swap3A_102 = arith.index_cast %scan3A_80 : i32 to index
          %swap3A_103 = arith.constant 32 : index
          %swap3A_104 = tpu.vector_load %arg8[%swap3A_102, %swap3A_103] {strides = array<i32>} : memref<32x768xf32, #tpu.memory_space<vmem>>, vector<1x16xf32>,
          %swap3A_105 = vector.shape_cast %swap3A_104 : vector<1x16xf32> to vector<16xf32>
          %swap3A_106 = vector.shape_cast %get3A_101 : vector<16xf32> to vector<1x16xf32>
          tpu.vector_store %arg8[%swap3A_102, %swap3A_103], %swap3A_106 {add = true, strides = array<i32>} : memref<32x768xf32, #tpu.memory_space<vmem>>, vector<1x16xf32>,
          %get3A_107 = arith.index_cast %scan3A_80 : i32 to index
          %get3A_108 = arith.constant 48 : index
          %get3A_109 = tpu.vector_load %arg7[%get3A_107, %get3A_108] {strides = array<i32>} : memref<32x768xf32, #tpu.memory_space<vmem>>, vector<1x16xf32>,
          %get3A_110 = vector.shape_cast %get3A_109 : vector<1x16xf32> to vector<16xf32>
          %swap3A_111 = arith.index_cast %scan3A_80 : i32 to index
          %swap3A_112 = arith.constant 48 : index
          %swap3A_113 = tpu.vector_load %arg8[%swap3A_111, %swap3A_112] {strides = array<i32>} : memref<32x768xf32, #tpu.memory_space<vmem>>, vector<1x16xf32>,
          %swap3A_114 = vector.shape_cast %swap3A_113 : vector<1x16xf32> to vector<16xf32>
          %swap3A_115 = vector.shape_cast %get3A_110 : vector<16xf32> to vector<1x16xf32>
          tpu.vector_store %arg8[%swap3A_111, %swap3A_112], %swap3A_115 {add = true, strides = array<i32>} : memref<32x768xf32, #tpu.memory_space<vmem>>, vector<1x16xf32>,
          %get3A_116 = arith.index_cast %scan3A_80 : i32 to index
          %get3A_117 = arith.constant 64 : index
          %get3A_118 = tpu.vector_load %arg7[%get3A_116, %get3A_117] {strides = array<i32>} : memref<32x768xf32, #tpu.memory_space<vmem>>, vector<1x16xf32>,
          %get3A_119 = vector.shape_cast %get3A_118 : vector<1x16xf32> to vector<16xf32>
          %swap3A_120 = arith.index_cast %scan3A_80 : i32 to index
          %swap3A_121 = arith.constant 64 : index
          %swap3A_122 = tpu.vector_load %arg8[%swap3A_120, %swap3A_121] {strides = array<i32>} : memref<32x768xf32, #tpu.memory_space<vmem>>, vector<1x16xf32>,
          %swap3A_123 = vector.shape_cast %swap3A_122 : vector<1x16xf32> to vector<16xf32>
          %swap3A_124 = vector.shape_cast %get3A_119 : vector<16xf32> to vector<1x16xf32>
          tpu.vector_store %arg8[%swap3A_120, %swap3A_121], %swap3A_124 {add = true, strides = array<i32>} : memref<32x768xf32, #tpu.memory_space<vmem>>, vector<1x16xf32>,
          %get3A_125 = arith.index_cast %scan3A_80 : i32 to index
          %get3A_126 = arith.constant 80 : index
          %get3A_127 = tpu.vector_load %arg7[%get3A_125, %get3A_126] {strides = array<i32>} : memref<32x768xf32, #tpu.memory_space<vmem>>, vector<1x16xf32>,
          %get3A_128 = vector.shape_cast %get3A_127 : vector<1x16xf32> to vector<16xf32>
          %swap3A_129 = arith.index_cast %scan3A_80 : i32 to index
          %swap3A_130 = arith.constant 80 : index
          %swap3A_131 = tpu.vector_load %arg8[%swap3A_129, %swap3A_130] {strides = array<i32>} : memref<32x768xf32, #tpu.memory_space<vmem>>, vector<1x16xf32>,
          %swap3A_132 = vector.shape_cast %swap3A_131 : vector<1x16xf32> to vector<16xf32>
          %swap3A_133 = vector.shape_cast %get3A_128 : vector<16xf32> to vector<1x16xf32>
          tpu.vector_store %arg8[%swap3A_129, %swap3A_130], %swap3A_133 {add = true, strides = array<i32>} : memref<32x768xf32, #tpu.memory_space<vmem>>, vector<1x16xf32>,
          %get3A_134 = arith.index_cast %scan3A_80 : i32 to index
          %get3A_135 = arith.constant 96 : index
          %get3A_136 = tpu.vector_load %arg7[%get3A_134, %get3A_135] {strides = array<i32>} : memref<32x768xf32, #tpu.memory_space<vmem>>, vector<1x16xf32>,
          %get3A_137 = vector.shape_cast %get3A_136 : vector<1x16xf32> to vector<16xf32>
          %swap3A_138 = arith.index_cast %scan3A_80 : i32 to index
          %swap3A_139 = arith.constant 96 : index
          %swap3A_140 = tpu.vector_load %arg8[%swap3A_138, %swap3A_139] {strides = array<i32>} : memref<32x768xf32, #tpu.memory_space<vmem>>, vector<1x16xf32>,
          %swap3A_141 = vector.shape_cast %swap3A_140 : vector<1x16xf32> to vector<16xf32>
          %swap3A_142 = vector.shape_cast %get3A_137 : vector<16xf32> to vector<1x16xf32>
          tpu.vector_store %arg8[%swap3A_138, %swap3A_139], %swap3A_142 {add = true, strides = array<i32>} : memref<32x768xf32, #tpu.memory_space<vmem>>, vector<1x16xf32>,
          %get3A_143 = arith.index_cast %scan3A_80 : i32 to index
          %get3A_144 = arith.constant 112 : index
          %get3A_145 = tpu.vector_load %arg7[%get3A_143, %get3A_144] {strides = array<i32>} : memref<32x768xf32, #tpu.memory_space<vmem>>, vector<1x16xf32>,
          %get3A_146 = vector.shape_cast %get3A_145 : vector<1x16xf32> to vector<16xf32>
          %swap3A_147 = arith.index_cast %scan3A_80 : i32 to index
          %swap3A_148 = arith.constant 112 : index
          %swap3A_149 = tpu.vector_load %arg8[%swap3A_147, %swap3A_148] {strides = array<i32>} : memref<32x768xf32, #tpu.memory_space<vmem>>, vector<1x16xf32>,
          %swap3A_150 = vector.shape_cast %swap3A_149 : vector<1x16xf32> to vector<16xf32>
          %swap3A_151 = vector.shape_cast %get3A_146 : vector<16xf32> to vector<1x16xf32>
          tpu.vector_store %arg8[%swap3A_147, %swap3A_148], %swap3A_151 {add = true, strides = array<i32>} : memref<32x768xf32, #tpu.memory_space<vmem>>, vector<1x16xf32>,
          %get3A_152 = arith.index_cast %scan3A_80 : i32 to index
          %get3A_153 = arith.constant 128 : index
          %get3A_154 = tpu.vector_load %arg7[%get3A_152, %get3A_153] {strides = array<i32>} : memref<32x768xf32, #tpu.memory_space<vmem>>, vector<1x16xf32>,
          %get3A_155 = vector.shape_cast %get3A_154 : vector<1x16xf32> to vector<16xf32>
          %swap3A_156 = arith.index_cast %scan3A_80 : i32 to index
          %swap3A_157 = arith.constant 128 : index
          %swap3A_158 = tpu.vector_load %arg8[%swap3A_156, %swap3A_157] {strides = array<i32>} : memref<32x768xf32, #tpu.memory_space<vmem>>, vector<1x16xf32>,
          %swap3A_159 = vector.shape_cast %swap3A_158 : vector<1x16xf32> to vector<16xf32>
          %swap3A_160 = vector.shape_cast %get3A_155 : vector<16xf32> to vector<1x16xf32>
          tpu.vector_store %arg8[%swap3A_156, %swap3A_157], %swap3A_160 {add = true, strides = array<i32>} : memref<32x768xf32, #tpu.memory_space<vmem>>, vector<1x16xf32>,
          %get3A_161 = arith.index_cast %scan3A_80 : i32 to index
          %get3A_162 = arith.constant 144 : index
          %get3A_163 = tpu.vector_load %arg7[%get3A_161, %get3A_162] {strides = array<i32>} : memref<32x768xf32, #tpu.memory_space<vmem>>, vector<1x16xf32>,
          %get3A_164 = vector.shape_cast %get3A_163 : vector<1x16xf32> to vector<16xf32>
          %swap3A_165 = arith.index_cast %scan3A_80 : i32 to index
          %swap3A_166 = arith.constant 144 : index
          %swap3A_167 = tpu.vector_load %arg8[%swap3A_165, %swap3A_166] {strides = array<i32>} : memref<32x768xf32, #tpu.memory_space<vmem>>, vector<1x16xf32>,
          %swap3A_168 = vector.shape_cast %swap3A_167 : vector<1x16xf32> to vector<16xf32>
          %swap3A_169 = vector.shape_cast %get3A_164 : vector<16xf32> to vector<1x16xf32>
          tpu.vector_store %arg8[%swap3A_165, %swap3A_166], %swap3A_169 {add = true, strides = array<i32>} : memref<32x768xf32, #tpu.memory_space<vmem>>, vector<1x16xf32>,
          %get3A_170 = arith.index_cast %scan3A_80 : i32 to index
          %get3A_171 = arith.constant 160 : index
          %get3A_172 = tpu.vector_load %arg7[%get3A_170, %get3A_171] {strides = array<i32>} : memref<32x768xf32, #tpu.memory_space<vmem>>, vector<1x16xf32>,
          %get3A_173 = vector.shape_cast %get3A_172 : vector<1x16xf32> to vector<16xf32>
          %swap3A_174 = arith.index_cast %scan3A_80 : i32 to index
          %swap3A_175 = arith.constant 160 : index
          %swap3A_176 = tpu.vector_load %arg8[%swap3A_174, %swap3A_175] {strides = array<i32>} : memref<32x768xf32, #tpu.memory_space<vmem>>, vector<1x16xf32>,
          %swap3A_177 = vector.shape_cast %swap3A_176 : vector<1x16xf32> to vector<16xf32>
          %swap3A_178 = vector.shape_cast %get3A_173 : vector<16xf32> to vector<1x16xf32>
          tpu.vector_store %arg8[%swap3A_174, %swap3A_175], %swap3A_178 {add = true, strides = array<i32>} : memref<32x768xf32, #tpu.memory_space<vmem>>, vector<1x16xf32>,
          %get3A_179 = arith.index_cast %scan3A_80 : i32 to index
          %get3A_180 = arith.constant 176 : index
          %get3A_181 = tpu.vector_load %arg7[%get3A_179, %get3A_180] {strides = array<i32>} : memref<32x768xf32, #tpu.memory_space<vmem>>, vector<1x16xf32>,
          %get3A_182 = vector.shape_cast %get3A_181 : vector<1x16xf32> to vector<16xf32>
          %swap3A_183 = arith.index_cast %scan3A_80 : i32 to index
          %swap3A_184 = arith.constant 176 : index
          %swap3A_185 = tpu.vector_load %arg8[%swap3A_183, %swap3A_184] {strides = array<i32>} : memref<32x768xf32, #tpu.memory_space<vmem>>, vector<1x16xf32>,
          %swap3A_186 = vector.shape_cast %swap3A_185 : vector<1x16xf32> to vector<16xf32>
          %swap3A_187 = vector.shape_cast %get3A_182 : vector<16xf32> to vector<1x16xf32>
          tpu.vector_store %arg8[%swap3A_183, %swap3A_184], %swap3A_187 {add = true, strides = array<i32>} : memref<32x768xf32, #tpu.memory_space<vmem>>, vector<1x16xf32>,
          %get3A_188 = arith.index_cast %scan3A_80 : i32 to index
          %get3A_189 = arith.constant 192 : index
          %get3A_190 = tpu.vector_load %arg7[%get3A_188, %get3A_189] {strides = array<i32>} : memref<32x768xf32, #tpu.memory_space<vmem>>, vector<1x16xf32>,
          %get3A_191 = vector.shape_cast %get3A_190 : vector<1x16xf32> to vector<16xf32>
          %swap3A_192 = arith.index_cast %scan3A_80 : i32 to index
          %swap3A_193 = arith.constant 192 : index
          %swap3A_194 = tpu.vector_load %arg8[%swap3A_192, %swap3A_193] {strides = array<i32>} : memref<32x768xf32, #tpu.memory_space<vmem>>, vector<1x16xf32>,
          %swap3A_195 = vector.shape_cast %swap3A_194 : vector<1x16xf32> to vector<16xf32>
          %swap3A_196 = vector.shape_cast %get3A_191 : vector<16xf32> to vector<1x16xf32>
          tpu.vector_store %arg8[%swap3A_192, %swap3A_193], %swap3A_196 {add = true, strides = array<i32>} : memref<32x768xf32, #tpu.memory_space<vmem>>, vector<1x16xf32>,
          %get3A_197 = arith.index_cast %scan3A_80 : i32 to index
          %get3A_198 = arith.constant 208 : index
          %get3A_199 = tpu.vector_load %arg7[%get3A_197, %get3A_198] {strides = array<i32>} : memref<32x768xf32, #tpu.memory_space<vmem>>, vector<1x16xf32>,
          %get3A_200 = vector.shape_cast %get3A_199 : vector<1x16xf32> to vector<16xf32>
          %swap3A_201 = arith.index_cast %scan3A_80 : i32 to index
          %swap3A_202 = arith.constant 208 : index
          %swap3A_203 = tpu.vector_load %arg8[%swap3A_201, %swap3A_202] {strides = array<i32>} : memref<32x768xf32, #tpu.memory_space<vmem>>, vector<1x16xf32>,
          %swap3A_204 = vector.shape_cast %swap3A_203 : vector<1x16xf32> to vector<16xf32>
          %swap3A_205 = vector.shape_cast %get3A_200 : vector<16xf32> to vector<1x16xf32>
          tpu.vector_store %arg8[%swap3A_201, %swap3A_202], %swap3A_205 {add = true, strides = array<i32>} : memref<32x768xf32, #tpu.memory_space<vmem>>, vector<1x16xf32>,
          %get3A_206 = arith.index_cast %scan3A_80 : i32 to index
          %get3A_207 = arith.constant 224 : index
          %get3A_208 = tpu.vector_load %arg7[%get3A_206, %get3A_207] {strides = array<i32>} : memref<32x768xf32, #tpu.memory_space<vmem>>, vector<1x16xf32>,
          %get3A_209 = vector.shape_cast %get3A_208 : vector<1x16xf32> to vector<16xf32>
          %swap3A_210 = arith.index_cast %scan3A_80 : i32 to index
          %swap3A_211 = arith.constant 224 : index
          %swap3A_212 = tpu.vector_load %arg8[%swap3A_210, %swap3A_211] {strides = array<i32>} : memref<32x768xf32, #tpu.memory_space<vmem>>, vector<1x16xf32>,
          %swap3A_213 = vector.shape_cast %swap3A_212 : vector<1x16xf32> to vector<16xf32>
          %swap3A_214 = vector.shape_cast %get3A_209 : vector<16xf32> to vector<1x16xf32>
          tpu.vector_store %arg8[%swap3A_210, %swap3A_211], %swap3A_214 {add = true, strides = array<i32>} : memref<32x768xf32, #tpu.memory_space<vmem>>, vector<1x16xf32>,
          %get3A_215 = arith.index_cast %scan3A_80 : i32 to index
          %get3A_216 = arith.constant 240 : index
          %get3A_217 = tpu.vector_load %arg7[%get3A_215, %get3A_216] {strides = array<i32>} : memref<32x768xf32, #tpu.memory_space<vmem>>, vector<1x16xf32>,
          %get3A_218 = vector.shape_cast %get3A_217 : vector<1x16xf32> to vector<16xf32>
          %swap3A_219 = arith.index_cast %scan3A_80 : i32 to index
          %swap3A_220 = arith.constant 240 : index
          %swap3A_221 = tpu.vector_load %arg8[%swap3A_219, %swap3A_220] {strides = array<i32>} : memref<32x768xf32, #tpu.memory_space<vmem>>, vector<1x16xf32>,
          %swap3A_222 = vector.shape_cast %swap3A_221 : vector<1x16xf32> to vector<16xf32>
          %swap3A_223 = vector.shape_cast %get3A_218 : vector<16xf32> to vector<1x16xf32>
          tpu.vector_store %arg8[%swap3A_219, %swap3A_220], %swap3A_223 {add = true, strides = array<i32>} : memref<32x768xf32, #tpu.memory_space<vmem>>, vector<1x16xf32>,
          %get3A_224 = arith.index_cast %scan3A_80 : i32 to index
          %get3A_225 = arith.constant 256 : index
          %get3A_226 = tpu.vector_load %arg7[%get3A_224, %get3A_225] {strides = array<i32>} : memref<32x768xf32, #tpu.memory_space<vmem>>, vector<1x16xf32>,
          %get3A_227 = vector.shape_cast %get3A_226 : vector<1x16xf32> to vector<16xf32>
          %swap3A_228 = arith.index_cast %scan3A_80 : i32 to index
          %swap3A_229 = arith.constant 256 : index
          %swap3A_230 = tpu.vector_load %arg8[%swap3A_228, %swap3A_229] {strides = array<i32>} : memref<32x768xf32, #tpu.memory_space<vmem>>, vector<1x16xf32>,
          %swap3A_231 = vector.shape_cast %swap3A_230 : vector<1x16xf32> to vector<16xf32>
          %swap3A_232 = vector.shape_cast %get3A_227 : vector<16xf32> to vector<1x16xf32>
          tpu.vector_store %arg8[%swap3A_228, %swap3A_229], %swap3A_232 {add = true, strides = array<i32>} : memref<32x768xf32, #tpu.memory_space<vmem>>, vector<1x16xf32>,
          %get3A_233 = arith.index_cast %scan3A_80 : i32 to index
          %get3A_234 = arith.constant 272 : index
          %get3A_235 = tpu.vector_load %arg7[%get3A_233, %get3A_234] {strides = array<i32>} : memref<32x768xf32, #tpu.memory_space<vmem>>, vector<1x16xf32>,
          %get3A_236 = vector.shape_cast %get3A_235 : vector<1x16xf32> to vector<16xf32>
          %swap3A_237 = arith.index_cast %scan3A_80 : i32 to index
          %swap3A_238 = arith.constant 272 : index
          %swap3A_239 = tpu.vector_load %arg8[%swap3A_237, %swap3A_238] {strides = array<i32>} : memref<32x768xf32, #tpu.memory_space<vmem>>, vector<1x16xf32>,
          %swap3A_240 = vector.shape_cast %swap3A_239 : vector<1x16xf32> to vector<16xf32>
          %swap3A_241 = vector.shape_cast %get3A_236 : vector<16xf32> to vector<1x16xf32>
          tpu.vector_store %arg8[%swap3A_237, %swap3A_238], %swap3A_241 {add = true, strides = array<i32>} : memref<32x768xf32, #tpu.memory_space<vmem>>, vector<1x16xf32>,
          %get3A_242 = arith.index_cast %scan3A_80 : i32 to index
          %get3A_243 = arith.constant 288 : index
          %get3A_244 = tpu.vector_load %arg7[%get3A_242, %get3A_243] {strides = array<i32>} : memref<32x768xf32, #tpu.memory_space<vmem>>, vector<1x16xf32>,
          %get3A_245 = vector.shape_cast %get3A_244 : vector<1x16xf32> to vector<16xf32>
          %swap3A_246 = arith.index_cast %scan3A_80 : i32 to index
          %swap3A_247 = arith.constant 288 : index
          %swap3A_248 = tpu.vector_load %arg8[%swap3A_246, %swap3A_247] {strides = array<i32>} : memref<32x768xf32, #tpu.memory_space<vmem>>, vector<1x16xf32>,
          %swap3A_249 = vector.shape_cast %swap3A_248 : vector<1x16xf32> to vector<16xf32>
          %swap3A_250 = vector.shape_cast %get3A_245 : vector<16xf32> to vector<1x16xf32>
          tpu.vector_store %arg8[%swap3A_246, %swap3A_247], %swap3A_250 {add = true, strides = array<i32>} : memref<32x768xf32, #tpu.memory_space<vmem>>, vector<1x16xf32>,
          %get3A_251 = arith.index_cast %scan3A_80 : i32 to index
          %get3A_252 = arith.constant 304 : index
          %get3A_253 = tpu.vector_load %arg7[%get3A_251, %get3A_252] {strides = array<i32>} : memref<32x768xf32, #tpu.memory_space<vmem>>, vector<1x16xf32>,
          %get3A_254 = vector.shape_cast %get3A_253 : vector<1x16xf32> to vector<16xf32>
          %swap3A_255 = arith.index_cast %scan3A_80 : i32 to index
          %swap3A_256 = arith.constant 304 : index
          %swap3A_257 = tpu.vector_load %arg8[%swap3A_255, %swap3A_256] {strides = array<i32>} : memref<32x768xf32, #tpu.memory_space<vmem>>, vector<1x16xf32>,
          %swap3A_258 = vector.shape_cast %swap3A_257 : vector<1x16xf32> to vector<16xf32>
          %swap3A_259 = vector.shape_cast %get3A_254 : vector<16xf32> to vector<1x16xf32>
          tpu.vector_store %arg8[%swap3A_255, %swap3A_256], %swap3A_259 {add = true, strides = array<i32>} : memref<32x768xf32, #tpu.memory_space<vmem>>, vector<1x16xf32>,
          %get3A_260 = arith.index_cast %scan3A_80 : i32 to index
          %get3A_261 = arith.constant 320 : index
          %get3A_262 = tpu.vector_load %arg7[%get3A_260, %get3A_261] {strides = array<i32>} : memref<32x768xf32, #tpu.memory_space<vmem>>, vector<1x16xf32>,
          %get3A_263 = vector.shape_cast %get3A_262 : vector<1x16xf32> to vector<16xf32>
          %swap3A_264 = arith.index_cast %scan3A_80 : i32 to index
          %swap3A_265 = arith.constant 320 : index
          %swap3A_266 = tpu.vector_load %arg8[%swap3A_264, %swap3A_265] {strides = array<i32>} : memref<32x768xf32, #tpu.memory_space<vmem>>, vector<1x16xf32>,
          %swap3A_267 = vector.shape_cast %swap3A_266 : vector<1x16xf32> to vector<16xf32>
          %swap3A_268 = vector.shape_cast %get3A_263 : vector<16xf32> to vector<1x16xf32>
          tpu.vector_store %arg8[%swap3A_264, %swap3A_265], %swap3A_268 {add = true, strides = array<i32>} : memref<32x768xf32, #tpu.memory_space<vmem>>, vector<1x16xf32>,
          %get3A_269 = arith.index_cast %scan3A_80 : i32 to index
          %get3A_270 = arith.constant 336 : index
          %get3A_271 = tpu.vector_load %arg7[%get3A_269, %get3A_270] {strides = array<i32>} : memref<32x768xf32, #tpu.memory_space<vmem>>, vector<1x16xf32>,
          %get3A_272 = vector.shape_cast %get3A_271 : vector<1x16xf32> to vector<16xf32>
          %swap3A_273 = arith.index_cast %scan3A_80 : i32 to index
          %swap3A_274 = arith.constant 336 : index
          %swap3A_275 = tpu.vector_load %arg8[%swap3A_273, %swap3A_274] {strides = array<i32>} : memref<32x768xf32, #tpu.memory_space<vmem>>, vector<1x16xf32>,
          %swap3A_276 = vector.shape_cast %swap3A_275 : vector<1x16xf32> to vector<16xf32>
          %swap3A_277 = vector.shape_cast %get3A_272 : vector<16xf32> to vector<1x16xf32>
          tpu.vector_store %arg8[%swap3A_273, %swap3A_274], %swap3A_277 {add = true, strides = array<i32>} : memref<32x768xf32, #tpu.memory_space<vmem>>, vector<1x16xf32>,
          %get3A_278 = arith.index_cast %scan3A_80 : i32 to index
          %get3A_279 = arith.constant 352 : index
          %get3A_280 = tpu.vector_load %arg7[%get3A_278, %get3A_279] {strides = array<i32>} : memref<32x768xf32, #tpu.memory_space<vmem>>, vector<1x16xf32>,
          %get3A_281 = vector.shape_cast %get3A_280 : vector<1x16xf32> to vector<16xf32>
          %swap3A_282 = arith.index_cast %scan3A_80 : i32 to index
          %swap3A_283 = arith.constant 352 : index
          %swap3A_284 = tpu.vector_load %arg8[%swap3A_282, %swap3A_283] {strides = array<i32>} : memref<32x768xf32, #tpu.memory_space<vmem>>, vector<1x16xf32>,
          %swap3A_285 = vector.shape_cast %swap3A_284 : vector<1x16xf32> to vector<16xf32>
          %swap3A_286 = vector.shape_cast %get3A_281 : vector<16xf32> to vector<1x16xf32>
          tpu.vector_store %arg8[%swap3A_282, %swap3A_283], %swap3A_286 {add = true, strides = array<i32>} : memref<32x768xf32, #tpu.memory_space<vmem>>, vector<1x16xf32>,
          %get3A_287 = arith.index_cast %scan3A_80 : i32 to index
          %get3A_288 = arith.constant 368 : index
          %get3A_289 = tpu.vector_load %arg7[%get3A_287, %get3A_288] {strides = array<i32>} : memref<32x768xf32, #tpu.memory_space<vmem>>, vector<1x16xf32>,
          %get3A_290 = vector.shape_cast %get3A_289 : vector<1x16xf32> to vector<16xf32>
          %swap3A_291 = arith.index_cast %scan3A_80 : i32 to index
          %swap3A_292 = arith.constant 368 : index
          %swap3A_293 = tpu.vector_load %arg8[%swap3A_291, %swap3A_292] {strides = array<i32>} : memref<32x768xf32, #tpu.memory_space<vmem>>, vector<1x16xf32>,
          %swap3A_294 = vector.shape_cast %swap3A_293 : vector<1x16xf32> to vector<16xf32>
          %swap3A_295 = vector.shape_cast %get3A_290 : vector<16xf32> to vector<1x16xf32>
          tpu.vector_store %arg8[%swap3A_291, %swap3A_292], %swap3A_295 {add = true, strides = array<i32>} : memref<32x768xf32, #tpu.memory_space<vmem>>, vector<1x16xf32>,
          %get3A_296 = arith.index_cast %scan3A_80 : i32 to index
          %get3A_297 = arith.constant 384 : index
          %get3A_298 = tpu.vector_load %arg7[%get3A_296, %get3A_297] {strides = array<i32>} : memref<32x768xf32, #tpu.memory_space<vmem>>, vector<1x16xf32>,
          %get3A_299 = vector.shape_cast %get3A_298 : vector<1x16xf32> to vector<16xf32>
          %swap3A_300 = arith.index_cast %scan3A_80 : i32 to index
          %swap3A_301 = arith.constant 384 : index
          %swap3A_302 = tpu.vector_load %arg8[%swap3A_300, %swap3A_301] {strides = array<i32>} : memref<32x768xf32, #tpu.memory_space<vmem>>, vector<1x16xf32>,
          %swap3A_303 = vector.shape_cast %swap3A_302 : vector<1x16xf32> to vector<16xf32>
          %swap3A_304 = vector.shape_cast %get3A_299 : vector<16xf32> to vector<1x16xf32>
          tpu.vector_store %arg8[%swap3A_300, %swap3A_301], %swap3A_304 {add = true, strides = array<i32>} : memref<32x768xf32, #tpu.memory_space<vmem>>, vector<1x16xf32>,
          %get3A_305 = arith.index_cast %scan3A_80 : i32 to index
          %get3A_306 = arith.constant 400 : index
          %get3A_307 = tpu.vector_load %arg7[%get3A_305, %get3A_306] {strides = array<i32>} : memref<32x768xf32, #tpu.memory_space<vmem>>, vector<1x16xf32>,
          %get3A_308 = vector.shape_cast %get3A_307 : vector<1x16xf32> to vector<16xf32>
          %swap3A_309 = arith.index_cast %scan3A_80 : i32 to index
          %swap3A_310 = arith.constant 400 : index
          %swap3A_311 = tpu.vector_load %arg8[%swap3A_309, %swap3A_310] {strides = array<i32>} : memref<32x768xf32, #tpu.memory_space<vmem>>, vector<1x16xf32>,
          %swap3A_312 = vector.shape_cast %swap3A_311 : vector<1x16xf32> to vector<16xf32>
          %swap3A_313 = vector.shape_cast %get3A_308 : vector<16xf32> to vector<1x16xf32>
          tpu.vector_store %arg8[%swap3A_309, %swap3A_310], %swap3A_313 {add = true, strides = array<i32>} : memref<32x768xf32, #tpu.memory_space<vmem>>, vector<1x16xf32>,
          %get3A_314 = arith.index_cast %scan3A_80 : i32 to index
          %get3A_315 = arith.constant 416 : index
          %get3A_316 = tpu.vector_load %arg7[%get3A_314, %get3A_315] {strides = array<i32>} : memref<32x768xf32, #tpu.memory_space<vmem>>, vector<1x16xf32>,
          %get3A_317 = vector.shape_cast %get3A_316 : vector<1x16xf32> to vector<16xf32>
          %swap3A_318 = arith.index_cast %scan3A_80 : i32 to index
          %swap3A_319 = arith.constant 416 : index
          %swap3A_320 = tpu.vector_load %arg8[%swap3A_318, %swap3A_319] {strides = array<i32>} : memref<32x768xf32, #tpu.memory_space<vmem>>, vector<1x16xf32>,
          %swap3A_321 = vector.shape_cast %swap3A_320 : vector<1x16xf32> to vector<16xf32>
          %swap3A_322 = vector.shape_cast %get3A_317 : vector<16xf32> to vector<1x16xf32>
          tpu.vector_store %arg8[%swap3A_318, %swap3A_319], %swap3A_322 {add = true, strides = array<i32>} : memref<32x768xf32, #tpu.memory_space<vmem>>, vector<1x16xf32>,
          %get3A_323 = arith.index_cast %scan3A_80 : i32 to index
          %get3A_324 = arith.constant 432 : index
          %get3A_325 = tpu.vector_load %arg7[%get3A_323, %get3A_324] {strides = array<i32>} : memref<32x768xf32, #tpu.memory_space<vmem>>, vector<1x16xf32>,
          %get3A_326 = vector.shape_cast %get3A_325 : vector<1x16xf32> to vector<16xf32>
          %swap3A_327 = arith.index_cast %scan3A_80 : i32 to index
          %swap3A_328 = arith.constant 432 : index
          %swap3A_329 = tpu.vector_load %arg8[%swap3A_327, %swap3A_328] {strides = array<i32>} : memref<32x768xf32, #tpu.memory_space<vmem>>, vector<1x16xf32>,
          %swap3A_330 = vector.shape_cast %swap3A_329 : vector<1x16xf32> to vector<16xf32>
          %swap3A_331 = vector.shape_cast %get3A_326 : vector<16xf32> to vector<1x16xf32>
          tpu.vector_store %arg8[%swap3A_327, %swap3A_328], %swap3A_331 {add = true, strides = array<i32>} : memref<32x768xf32, #tpu.memory_space<vmem>>, vector<1x16xf32>,
          %get3A_332 = arith.index_cast %scan3A_80 : i32 to index
          %get3A_333 = arith.constant 448 : index
          %get3A_334 = tpu.vector_load %arg7[%get3A_332, %get3A_333] {strides = array<i32>} : memref<32x768xf32, #tpu.memory_space<vmem>>, vector<1x16xf32>,
          %get3A_335 = vector.shape_cast %get3A_334 : vector<1x16xf32> to vector<16xf32>
          %swap3A_336 = arith.index_cast %scan3A_80 : i32 to index
          %swap3A_337 = arith.constant 448 : index
          %swap3A_338 = tpu.vector_load %arg8[%swap3A_336, %swap3A_337] {strides = array<i32>} : memref<32x768xf32, #tpu.memory_space<vmem>>, vector<1x16xf32>,
          %swap3A_339 = vector.shape_cast %swap3A_338 : vector<1x16xf32> to vector<16xf32>
          %swap3A_340 = vector.shape_cast %get3A_335 : vector<16xf32> to vector<1x16xf32>
          tpu.vector_store %arg8[%swap3A_336, %swap3A_337], %swap3A_340 {add = true, strides = array<i32>} : memref<32x768xf32, #tpu.memory_space<vmem>>, vector<1x16xf32>,
          %get3A_341 = arith.index_cast %scan3A_80 : i32 to index
          %get3A_342 = arith.constant 464 : index
          %get3A_343 = tpu.vector_load %arg7[%get3A_341, %get3A_342] {strides = array<i32>} : memref<32x768xf32, #tpu.memory_space<vmem>>, vector<1x16xf32>,
          %get3A_344 = vector.shape_cast %get3A_343 : vector<1x16xf32> to vector<16xf32>
          %swap3A_345 = arith.index_cast %scan3A_80 : i32 to index
          %swap3A_346 = arith.constant 464 : index
          %swap3A_347 = tpu.vector_load %arg8[%swap3A_345, %swap3A_346] {strides = array<i32>} : memref<32x768xf32, #tpu.memory_space<vmem>>, vector<1x16xf32>,
          %swap3A_348 = vector.shape_cast %swap3A_347 : vector<1x16xf32> to vector<16xf32>
          %swap3A_349 = vector.shape_cast %get3A_344 : vector<16xf32> to vector<1x16xf32>
          tpu.vector_store %arg8[%swap3A_345, %swap3A_346], %swap3A_349 {add = true, strides = array<i32>} : memref<32x768xf32, #tpu.memory_space<vmem>>, vector<1x16xf32>,
          %get3A_350 = arith.index_cast %scan3A_80 : i32 to index
          %get3A_351 = arith.constant 480 : index
          %get3A_352 = tpu.vector_load %arg7[%get3A_350, %get3A_351] {strides = array<i32>} : memref<32x768xf32, #tpu.memory_space<vmem>>, vector<1x16xf32>,
          %get3A_353 = vector.shape_cast %get3A_352 : vector<1x16xf32> to vector<16xf32>
          %swap3A_354 = arith.index_cast %scan3A_80 : i32 to index
          %swap3A_355 = arith.constant 480 : index
          %swap3A_356 = tpu.vector_load %arg8[%swap3A_354, %swap3A_355] {strides = array<i32>} : memref<32x768xf32, #tpu.memory_space<vmem>>, vector<1x16xf32>,
          %swap3A_357 = vector.shape_cast %swap3A_356 : vector<1x16xf32> to vector<16xf32>
          %swap3A_358 = vector.shape_cast %get3A_353 : vector<16xf32> to vector<1x16xf32>
          tpu.vector_store %arg8[%swap3A_354, %swap3A_355], %swap3A_358 {add = true, strides = array<i32>} : memref<32x768xf32, #tpu.memory_space<vmem>>, vector<1x16xf32>,
          %get3A_359 = arith.index_cast %scan3A_80 : i32 to index
          %get3A_360 = arith.constant 496 : index
          %get3A_361 = tpu.vector_load %arg7[%get3A_359, %get3A_360] {strides = array<i32>} : memref<32x768xf32, #tpu.memory_space<vmem>>, vector<1x16xf32>,
          %get3A_362 = vector.shape_cast %get3A_361 : vector<1x16xf32> to vector<16xf32>
          %swap3A_363 = arith.index_cast %scan3A_80 : i32 to index
          %swap3A_364 = arith.constant 496 : index
          %swap3A_365 = tpu.vector_load %arg8[%swap3A_363, %swap3A_364] {strides = array<i32>} : memref<32x768xf32, #tpu.memory_space<vmem>>, vector<1x16xf32>,
          %swap3A_366 = vector.shape_cast %swap3A_365 : vector<1x16xf32> to vector<16xf32>
          %swap3A_367 = vector.shape_cast %get3A_362 : vector<16xf32> to vector<1x16xf32>
          tpu.vector_store %arg8[%swap3A_363, %swap3A_364], %swap3A_367 {add = true, strides = array<i32>} : memref<32x768xf32, #tpu.memory_space<vmem>>, vector<1x16xf32>,
          %get3A_368 = arith.index_cast %scan3A_80 : i32 to index
          %get3A_369 = arith.constant 512 : index
          %get3A_370 = tpu.vector_load %arg7[%get3A_368, %get3A_369] {strides = array<i32>} : memref<32x768xf32, #tpu.memory_space<vmem>>, vector<1x16xf32>,
          %get3A_371 = vector.shape_cast %get3A_370 : vector<1x16xf32> to vector<16xf32>
          %swap3A_372 = arith.index_cast %scan3A_80 : i32 to index
          %swap3A_373 = arith.constant 512 : index
          %swap3A_374 = tpu.vector_load %arg8[%swap3A_372, %swap3A_373] {strides = array<i32>} : memref<32x768xf32, #tpu.memory_space<vmem>>, vector<1x16xf32>,
          %swap3A_375 = vector.shape_cast %swap3A_374 : vector<1x16xf32> to vector<16xf32>
          %swap3A_376 = vector.shape_cast %get3A_371 : vector<16xf32> to vector<1x16xf32>
          tpu.vector_store %arg8[%swap3A_372, %swap3A_373], %swap3A_376 {add = true, strides = array<i32>} : memref<32x768xf32, #tpu.memory_space<vmem>>, vector<1x16xf32>,
          %get3A_377 = arith.index_cast %scan3A_80 : i32 to index
          %get3A_378 = arith.constant 528 : index
          %get3A_379 = tpu.vector_load %arg7[%get3A_377, %get3A_378] {strides = array<i32>} : memref<32x768xf32, #tpu.memory_space<vmem>>, vector<1x16xf32>,
          %get3A_380 = vector.shape_cast %get3A_379 : vector<1x16xf32> to vector<16xf32>
          %swap3A_381 = arith.index_cast %scan3A_80 : i32 to index
          %swap3A_382 = arith.constant 528 : index
          %swap3A_383 = tpu.vector_load %arg8[%swap3A_381, %swap3A_382] {strides = array<i32>} : memref<32x768xf32, #tpu.memory_space<vmem>>, vector<1x16xf32>,
          %swap3A_384 = vector.shape_cast %swap3A_383 : vector<1x16xf32> to vector<16xf32>
          %swap3A_385 = vector.shape_cast %get3A_380 : vector<16xf32> to vector<1x16xf32>
          tpu.vector_store %arg8[%swap3A_381, %swap3A_382], %swap3A_385 {add = true, strides = array<i32>} : memref<32x768xf32, #tpu.memory_space<vmem>>, vector<1x16xf32>,
          %get3A_386 = arith.index_cast %scan3A_80 : i32 to index
          %get3A_387 = arith.constant 544 : index
          %get3A_388 = tpu.vector_load %arg7[%get3A_386, %get3A_387] {strides = array<i32>} : memref<32x768xf32, #tpu.memory_space<vmem>>, vector<1x16xf32>,
          %get3A_389 = vector.shape_cast %get3A_388 : vector<1x16xf32> to vector<16xf32>
          %swap3A_390 = arith.index_cast %scan3A_80 : i32 to index
          %swap3A_391 = arith.constant 544 : index
          %swap3A_392 = tpu.vector_load %arg8[%swap3A_390, %swap3A_391] {strides = array<i32>} : memref<32x768xf32, #tpu.memory_space<vmem>>, vector<1x16xf32>,
          %swap3A_393 = vector.shape_cast %swap3A_392 : vector<1x16xf32> to vector<16xf32>
          %swap3A_394 = vector.shape_cast %get3A_389 : vector<16xf32> to vector<1x16xf32>
          tpu.vector_store %arg8[%swap3A_390, %swap3A_391], %swap3A_394 {add = true, strides = array<i32>} : memref<32x768xf32, #tpu.memory_space<vmem>>, vector<1x16xf32>,
          %get3A_395 = arith.index_cast %scan3A_80 : i32 to index
          %get3A_396 = arith.constant 560 : index
          %get3A_397 = tpu.vector_load %arg7[%get3A_395, %get3A_396] {strides = array<i32>} : memref<32x768xf32, #tpu.memory_space<vmem>>, vector<1x16xf32>,
          %get3A_398 = vector.shape_cast %get3A_397 : vector<1x16xf32> to vector<16xf32>
          %swap3A_399 = arith.index_cast %scan3A_80 : i32 to index
          %swap3A_400 = arith.constant 560 : index
          %swap3A_401 = tpu.vector_load %arg8[%swap3A_399, %swap3A_400] {strides = array<i32>} : memref<32x768xf32, #tpu.memory_space<vmem>>, vector<1x16xf32>,
          %swap3A_402 = vector.shape_cast %swap3A_401 : vector<1x16xf32> to vector<16xf32>
          %swap3A_403 = vector.shape_cast %get3A_398 : vector<16xf32> to vector<1x16xf32>
          tpu.vector_store %arg8[%swap3A_399, %swap3A_400], %swap3A_403 {add = true, strides = array<i32>} : memref<32x768xf32, #tpu.memory_space<vmem>>, vector<1x16xf32>,
          %get3A_404 = arith.index_cast %scan3A_80 : i32 to index
          %get3A_405 = arith.constant 576 : index
          %get3A_406 = tpu.vector_load %arg7[%get3A_404, %get3A_405] {strides = array<i32>} : memref<32x768xf32, #tpu.memory_space<vmem>>, vector<1x16xf32>,
          %get3A_407 = vector.shape_cast %get3A_406 : vector<1x16xf32> to vector<16xf32>
          %swap3A_408 = arith.index_cast %scan3A_80 : i32 to index
          %swap3A_409 = arith.constant 576 : index
          %swap3A_410 = tpu.vector_load %arg8[%swap3A_408, %swap3A_409] {strides = array<i32>} : memref<32x768xf32, #tpu.memory_space<vmem>>, vector<1x16xf32>,
          %swap3A_411 = vector.shape_cast %swap3A_410 : vector<1x16xf32> to vector<16xf32>
          %swap3A_412 = vector.shape_cast %get3A_407 : vector<16xf32> to vector<1x16xf32>
          tpu.vector_store %arg8[%swap3A_408, %swap3A_409], %swap3A_412 {add = true, strides = array<i32>} : memref<32x768xf32, #tpu.memory_space<vmem>>, vector<1x16xf32>,
          %get3A_413 = arith.index_cast %scan3A_80 : i32 to index
          %get3A_414 = arith.constant 592 : index
          %get3A_415 = tpu.vector_load %arg7[%get3A_413, %get3A_414] {strides = array<i32>} : memref<32x768xf32, #tpu.memory_space<vmem>>, vector<1x16xf32>,
          %get3A_416 = vector.shape_cast %get3A_415 : vector<1x16xf32> to vector<16xf32>
          %swap3A_417 = arith.index_cast %scan3A_80 : i32 to index
          %swap3A_418 = arith.constant 592 : index
          %swap3A_419 = tpu.vector_load %arg8[%swap3A_417, %swap3A_418] {strides = array<i32>} : memref<32x768xf32, #tpu.memory_space<vmem>>, vector<1x16xf32>,
          %swap3A_420 = vector.shape_cast %swap3A_419 : vector<1x16xf32> to vector<16xf32>
          %swap3A_421 = vector.shape_cast %get3A_416 : vector<16xf32> to vector<1x16xf32>
          tpu.vector_store %arg8[%swap3A_417, %swap3A_418], %swap3A_421 {add = true, strides = array<i32>} : memref<32x768xf32, #tpu.memory_space<vmem>>, vector<1x16xf32>,
          %get3A_422 = arith.index_cast %scan3A_80 : i32 to index
          %get3A_423 = arith.constant 608 : index
          %get3A_424 = tpu.vector_load %arg7[%get3A_422, %get3A_423] {strides = array<i32>} : memref<32x768xf32, #tpu.memory_space<vmem>>, vector<1x16xf32>,
          %get3A_425 = vector.shape_cast %get3A_424 : vector<1x16xf32> to vector<16xf32>
          %swap3A_426 = arith.index_cast %scan3A_80 : i32 to index
          %swap3A_427 = arith.constant 608 : index
          %swap3A_428 = tpu.vector_load %arg8[%swap3A_426, %swap3A_427] {strides = array<i32>} : memref<32x768xf32, #tpu.memory_space<vmem>>, vector<1x16xf32>,
          %swap3A_429 = vector.shape_cast %swap3A_428 : vector<1x16xf32> to vector<16xf32>
          %swap3A_430 = vector.shape_cast %get3A_425 : vector<16xf32> to vector<1x16xf32>
          tpu.vector_store %arg8[%swap3A_426, %swap3A_427], %swap3A_430 {add = true, strides = array<i32>} : memref<32x768xf32, #tpu.memory_space<vmem>>, vector<1x16xf32>,
          %get3A_431 = arith.index_cast %scan3A_80 : i32 to index
          %get3A_432 = arith.constant 624 : index
          %get3A_433 = tpu.vector_load %arg7[%get3A_431, %get3A_432] {strides = array<i32>} : memref<32x768xf32, #tpu.memory_space<vmem>>, vector<1x16xf32>,
          %get3A_434 = vector.shape_cast %get3A_433 : vector<1x16xf32> to vector<16xf32>
          %swap3A_435 = arith.index_cast %scan3A_80 : i32 to index
          %swap3A_436 = arith.constant 624 : index
          %swap3A_437 = tpu.vector_load %arg8[%swap3A_435, %swap3A_436] {strides = array<i32>} : memref<32x768xf32, #tpu.memory_space<vmem>>, vector<1x16xf32>,
          %swap3A_438 = vector.shape_cast %swap3A_437 : vector<1x16xf32> to vector<16xf32>
          %swap3A_439 = vector.shape_cast %get3A_434 : vector<16xf32> to vector<1x16xf32>
          tpu.vector_store %arg8[%swap3A_435, %swap3A_436], %swap3A_439 {add = true, strides = array<i32>} : memref<32x768xf32, #tpu.memory_space<vmem>>, vector<1x16xf32>,
          %get3A_440 = arith.index_cast %scan3A_80 : i32 to index
          %get3A_441 = arith.constant 640 : index
          %get3A_442 = tpu.vector_load %arg7[%get3A_440, %get3A_441] {strides = array<i32>} : memref<32x768xf32, #tpu.memory_space<vmem>>, vector<1x16xf32>,
          %get3A_443 = vector.shape_cast %get3A_442 : vector<1x16xf32> to vector<16xf32>
          %swap3A_444 = arith.index_cast %scan3A_80 : i32 to index
          %swap3A_445 = arith.constant 640 : index
          %swap3A_446 = tpu.vector_load %arg8[%swap3A_444, %swap3A_445] {strides = array<i32>} : memref<32x768xf32, #tpu.memory_space<vmem>>, vector<1x16xf32>,
          %swap3A_447 = vector.shape_cast %swap3A_446 : vector<1x16xf32> to vector<16xf32>
          %swap3A_448 = vector.shape_cast %get3A_443 : vector<16xf32> to vector<1x16xf32>
          tpu.vector_store %arg8[%swap3A_444, %swap3A_445], %swap3A_448 {add = true, strides = array<i32>} : memref<32x768xf32, #tpu.memory_space<vmem>>, vector<1x16xf32>,
          %get3A_449 = arith.index_cast %scan3A_80 : i32 to index
          %get3A_450 = arith.constant 656 : index
          %get3A_451 = tpu.vector_load %arg7[%get3A_449, %get3A_450] {strides = array<i32>} : memref<32x768xf32, #tpu.memory_space<vmem>>, vector<1x16xf32>,
          %get3A_452 = vector.shape_cast %get3A_451 : vector<1x16xf32> to vector<16xf32>
          %swap3A_453 = arith.index_cast %scan3A_80 : i32 to index
          %swap3A_454 = arith.constant 656 : index
          %swap3A_455 = tpu.vector_load %arg8[%swap3A_453, %swap3A_454] {strides = array<i32>} : memref<32x768xf32, #tpu.memory_space<vmem>>, vector<1x16xf32>,
          %swap3A_456 = vector.shape_cast %swap3A_455 : vector<1x16xf32> to vector<16xf32>
          %swap3A_457 = vector.shape_cast %get3A_452 : vector<16xf32> to vector<1x16xf32>
          tpu.vector_store %arg8[%swap3A_453, %swap3A_454], %swap3A_457 {add = true, strides = array<i32>} : memref<32x768xf32, #tpu.memory_space<vmem>>, vector<1x16xf32>,
          %get3A_458 = arith.index_cast %scan3A_80 : i32 to index
          %get3A_459 = arith.constant 672 : index
          %get3A_460 = tpu.vector_load %arg7[%get3A_458, %get3A_459] {strides = array<i32>} : memref<32x768xf32, #tpu.memory_space<vmem>>, vector<1x16xf32>,
          %get3A_461 = vector.shape_cast %get3A_460 : vector<1x16xf32> to vector<16xf32>
          %swap3A_462 = arith.index_cast %scan3A_80 : i32 to index
          %swap3A_463 = arith.constant 672 : index
          %swap3A_464 = tpu.vector_load %arg8[%swap3A_462, %swap3A_463] {strides = array<i32>} : memref<32x768xf32, #tpu.memory_space<vmem>>, vector<1x16xf32>,
          %swap3A_465 = vector.shape_cast %swap3A_464 : vector<1x16xf32> to vector<16xf32>
          %swap3A_466 = vector.shape_cast %get3A_461 : vector<16xf32> to vector<1x16xf32>
          tpu.vector_store %arg8[%swap3A_462, %swap3A_463], %swap3A_466 {add = true, strides = array<i32>} : memref<32x768xf32, #tpu.memory_space<vmem>>, vector<1x16xf32>,
          %get3A_467 = arith.index_cast %scan3A_80 : i32 to index
          %get3A_468 = arith.constant 688 : index
          %get3A_469 = tpu.vector_load %arg7[%get3A_467, %get3A_468] {strides = array<i32>} : memref<32x768xf32, #tpu.memory_space<vmem>>, vector<1x16xf32>,
          %get3A_470 = vector.shape_cast %get3A_469 : vector<1x16xf32> to vector<16xf32>
          %swap3A_471 = arith.index_cast %scan3A_80 : i32 to index
          %swap3A_472 = arith.constant 688 : index
          %swap3A_473 = tpu.vector_load %arg8[%swap3A_471, %swap3A_472] {strides = array<i32>} : memref<32x768xf32, #tpu.memory_space<vmem>>, vector<1x16xf32>,
          %swap3A_474 = vector.shape_cast %swap3A_473 : vector<1x16xf32> to vector<16xf32>
          %swap3A_475 = vector.shape_cast %get3A_470 : vector<16xf32> to vector<1x16xf32>
          tpu.vector_store %arg8[%swap3A_471, %swap3A_472], %swap3A_475 {add = true, strides = array<i32>} : memref<32x768xf32, #tpu.memory_space<vmem>>, vector<1x16xf32>,
          %get3A_476 = arith.index_cast %scan3A_80 : i32 to index
          %get3A_477 = arith.constant 704 : index
          %get3A_478 = tpu.vector_load %arg7[%get3A_476, %get3A_477] {strides = array<i32>} : memref<32x768xf32, #tpu.memory_space<vmem>>, vector<1x16xf32>,
          %get3A_479 = vector.shape_cast %get3A_478 : vector<1x16xf32> to vector<16xf32>
          %swap3A_480 = arith.index_cast %scan3A_80 : i32 to index
          %swap3A_481 = arith.constant 704 : index
          %swap3A_482 = tpu.vector_load %arg8[%swap3A_480, %swap3A_481] {strides = array<i32>} : memref<32x768xf32, #tpu.memory_space<vmem>>, vector<1x16xf32>,
          %swap3A_483 = vector.shape_cast %swap3A_482 : vector<1x16xf32> to vector<16xf32>
          %swap3A_484 = vector.shape_cast %get3A_479 : vector<16xf32> to vector<1x16xf32>
          tpu.vector_store %arg8[%swap3A_480, %swap3A_481], %swap3A_484 {add = true, strides = array<i32>} : memref<32x768xf32, #tpu.memory_space<vmem>>, vector<1x16xf32>,
          %get3A_485 = arith.index_cast %scan3A_80 : i32 to index
          %get3A_486 = arith.constant 720 : index
          %get3A_487 = tpu.vector_load %arg7[%get3A_485, %get3A_486] {strides = array<i32>} : memref<32x768xf32, #tpu.memory_space<vmem>>, vector<1x16xf32>,
          %get3A_488 = vector.shape_cast %get3A_487 : vector<1x16xf32> to vector<16xf32>
          %swap3A_489 = arith.index_cast %scan3A_80 : i32 to index
          %swap3A_490 = arith.constant 720 : index
          %swap3A_491 = tpu.vector_load %arg8[%swap3A_489, %swap3A_490] {strides = array<i32>} : memref<32x768xf32, #tpu.memory_space<vmem>>, vector<1x16xf32>,
          %swap3A_492 = vector.shape_cast %swap3A_491 : vector<1x16xf32> to vector<16xf32>
          %swap3A_493 = vector.shape_cast %get3A_488 : vector<16xf32> to vector<1x16xf32>
          tpu.vector_store %arg8[%swap3A_489, %swap3A_490], %swap3A_493 {add = true, strides = array<i32>} : memref<32x768xf32, #tpu.memory_space<vmem>>, vector<1x16xf32>,
          %get3A_494 = arith.index_cast %scan3A_80 : i32 to index
          %get3A_495 = arith.constant 736 : index
          %get3A_496 = tpu.vector_load %arg7[%get3A_494, %get3A_495] {strides = array<i32>} : memref<32x768xf32, #tpu.memory_space<vmem>>, vector<1x16xf32>,
          %get3A_497 = vector.shape_cast %get3A_496 : vector<1x16xf32> to vector<16xf32>
          %swap3A_498 = arith.index_cast %scan3A_80 : i32 to index
          %swap3A_499 = arith.constant 736 : index
          %swap3A_500 = tpu.vector_load %arg8[%swap3A_498, %swap3A_499] {strides = array<i32>} : memref<32x768xf32, #tpu.memory_space<vmem>>, vector<1x16xf32>,
          %swap3A_501 = vector.shape_cast %swap3A_500 : vector<1x16xf32> to vector<16xf32>
          %swap3A_502 = vector.shape_cast %get3A_497 : vector<16xf32> to vector<1x16xf32>
          tpu.vector_store %arg8[%swap3A_498, %swap3A_499], %swap3A_502 {add = true, strides = array<i32>} : memref<32x768xf32, #tpu.memory_space<vmem>>, vector<1x16xf32>,
          %get3A_503 = arith.index_cast %scan3A_80 : i32 to index
          %get3A_504 = arith.constant 752 : index
          %get3A_505 = tpu.vector_load %arg7[%get3A_503, %get3A_504] {strides = array<i32>} : memref<32x768xf32, #tpu.memory_space<vmem>>, vector<1x16xf32>,
          %get3A_506 = vector.shape_cast %get3A_505 : vector<1x16xf32> to vector<16xf32>
          %swap3A_507 = arith.index_cast %scan3A_80 : i32 to index
          %swap3A_508 = arith.constant 752 : index
          %swap3A_509 = tpu.vector_load %arg8[%swap3A_507, %swap3A_508] {strides = array<i32>} : memref<32x768xf32, #tpu.memory_space<vmem>>, vector<1x16xf32>,
          %swap3A_510 = vector.shape_cast %swap3A_509 : vector<1x16xf32> to vector<16xf32>
          %swap3A_511 = vector.shape_cast %get3A_506 : vector<16xf32> to vector<1x16xf32>
          tpu.vector_store %arg8[%swap3A_507, %swap3A_508], %swap3A_511 {add = true, strides = array<i32>} : memref<32x768xf32, #tpu.memory_space<vmem>>, vector<1x16xf32>,
          %scan3A_512 = arith.constant 0 : i32
          scf.yield %scan3A_512 : i32
        }
        %scan3A_79 = arith.constant 32 : i32
      } else {
      }
      %scan3A_66 = arith.constant 0 : i32
      scf.yield %scan3A_66 : i32
    }
    %scan3A_23 = arith.constant 200 : i32
    "tpu.region"() ({
      %run_scoped3A = tpu.sem_alloc : memref<!tpu.dma_semaphore, #tpu.memory_space<semaphore_mem>>
      %dma_start3A_24 = arith.constant 0 : i32
      %dma_start3A_25 = tpu.memref_slice %arg4[%mul3A_2, %dma_start3A_24] : memref<1024x768xf32, #tpu.memory_space<hbm>> -> memref<32x768xf32, #tpu.memory_space<hbm>>
      %dma_start3A_26 = arith.constant 0 : i32
      %dma_start3A_27 = tpu.memref_slice %arg4[%mul3A_2, %dma_start3A_26] : memref<1024x768xf32, #tpu.memory_space<hbm>> -> memref<32x768xf32, #tpu.memory_space<hbm>>
      tpu.enqueue_dma source(%arg8 : memref<32x768xf32, #tpu.memory_space<vmem>>) target(%dma_start3A_27 : memref<32x768xf32, #tpu.memory_space<hbm>>) target_semaphore(%run_scoped3A : memref<!tpu.dma_semaphore, #tpu.memory_space<semaphore_mem>>)
      %dma_wait3A = arith.constant 0 : i32
      %dma_wait3A_28 = tpu.memref_slice %arg4[%mul3A_2, %dma_wait3A] : memref<1024x768xf32, #tpu.memory_space<hbm>> -> memref<32x768xf32, #tpu.memory_space<hbm>>
      %dma_wait3A_29 = arith.constant 0 : i32
      %dma_wait3A_30 = tpu.memref_slice %arg4[%mul3A_2, %dma_wait3A_29] : memref<1024x768xf32, #tpu.memory_space<hbm>> -> memref<32x768xf32, #tpu.memory_space<hbm>>
      tpu.wait_dma2 semaphore(%run_scoped3A : memref<!tpu.dma_semaphore, #tpu.memory_space<semaphore_mem>>) src(%arg8 : memref<32x768xf32, #tpu.memory_space<vmem>>) dst(%dma_wait3A_30 : memref<32x768xf32, #tpu.memory_space<hbm>>)
      tpu.yield
    }) : () -> ()
    return
  }
}

</mosaic_0001>

<sc_bundles>
// kernel: _pool.3.cloned.1.call-start
scs
__scs_entry_jumppad:
0x0: {  	(pc) =	sbr.rel $0x88, $3  }
0x1: {  	(tag) =	ssettag $0x0;
	lr =	simm.s32 $0x1  }
0x2: {  	[smem:$0x3F9F] =	sst lr;
	_ =	strace $0xD0000000  }
0x3: {  	_ = 	snop  }
0x4: {  	_ = 	snop  }
0x5: {  	_ = 	snop  }
0x6: {  	_ = 	snop  }
0x7: {  	_ = 	snop  }
__scs_overlays_trampoline_lowered:
0x8: {  	[smem:$0x3FAE] =	sst s0  }
0x9: {  	[smem:$0x3FAF] =	sst s1  }
0xa: {  	[smem:$0x3FB0] =	sst s2  }
0xb: {  	[smem:$0x3FB1] =	sst s3  }
0xc: {  	[smem:$0x3FB2] =	sst s4  }
0xd: {  	[smem:$0x3FB3] =	sst s5  }
0xe: {  	[smem:$0x3FB4] =	sst s6  }
0xf: {  	[smem:$0x3FB5] =	sst s7  }
0x10: {  	[smem:$0x3FB6] =	sst s8  }
0x11: {  	[smem:$0x3FB7] =	sst s9;
	s0 =	simm.s32 @!p0 $0x0  }
0x12: {  	s1 =	sld [smem:$0x3F9D];
	s0 =	simm.s32 @p0 $0x1  }
0x13: {  	[smem:$0x3FB8] =	sst s0;
	s0 =	simm.s32 @!p1 $0x0  }
0x14: {  	s2 =	sld [smem:$0x3F9C];
	s0 =	simm.s32 @p1 $0x1  }
0x15: {  	[smem:$0x3FB9] =	sst s0;
	s0 =	simm.s32 @!p2 $0x0  }
0x16: {  	s3 =	sld [smem:$0x3FDB];
	s0 =	simm.s32 @p2 $0x1  }
0x17: {  	s4 =	simm.s32 $0x1BF5;
	[smem:$0x3FBB] =	sst s0  }
0x18: {  	s0 =	sld [smem:$0x3F9E];
	_ =	swait.ge [sflag:s4], $0x0  }
0x19: {  	s7 =	sld [smem:$0x3F9F]  }
0x1a: {  	s8 =	sadd.s32 $0xFFFFE003, lr  }
0x1b: {  	s9 =	sadd.s32 $0xFFFFFEF7, lr;
	s5 =	simm.s32 $0xFFFFFFFF;
	p2 =	slt.u32 s8, $0xFFFFF086  }
0x1c: {  	p1 =	slt.u32 s9, $0xF7A;
	s5 =	simm.s32 @!p2 $0x0  }
0x1d: {  	s5 =	simm.s32 @p1 $0x1;
	p0 =	seq.s32 s7, s2  }
0x1e: {  	s7 =	smul.u32 @!p0 $0xF7A, s2;
	p2 =	seq.s32 @!p0 s5, $0x0  }
0x1f: {  	s9 =	smul.u32 $0xF7A, s1;
	s8 =	simm.s32 @!p0 $0x1BF5;
	p2 =	por !p2, p0  }
0x20: {  	[sflag:s8] =	ssyncset.s32 @!p0 $0xFFFFF086;
	s6 =	sadd.s32 @!p0 s3, s7;
	s7 =	simm.s32 @!p0 $0x108  }
0x21: {  	s3 =	sadd.s32 s3, s9;
	s6 =	sadd.s32 @!p0 $0x88, s6;
	s7 =	simm.s32 @p2 $0x1082  }
0x22: {  	[simem:s7], [sflag:s8] =	dma.local @!p0 [hbm:s6], $0xF7A  }
0x23: {  	s9 =	sor.u32 $0xD0000000, s2;
	s6 =	simm.s32 $0x108;
	_ =	swait.ge @!p0 [sflag:s8], $0x0  }
0x24: {  	s3 =	sadd.s32 $0x88, s3;
	s6 =	simm.s32 @!p1 $0x1082;
	[sflag:s4] =	ssyncset.s32 $0xFFFFF086  }
0x25: {  	[simem:s6], [sflag:s4] =	dma.local [hbm:s3], $0xF7A  }
0x26: {  	[smem:$0x3F9F] =	sst s1;
	(tag) =	ssettag s2;
	_ =	strace s9  }
0x27: {  	s1 =	sld [smem:$0x3FAF]  }
0x28: {  	s2 =	sld [smem:$0x3FB0]  }
0x29: {  	s4 =	sld [smem:$0x3FB2]  }
0x2a: {  	p0 =	seq.s32 s5, $0x0;
	s5 =	sld [smem:$0x3FB3]  }
0x2b: {  	s6 =	sld [smem:$0x3FB4]  }
0x2c: {  	s7 =	sld [smem:$0x3FB5]  }
0x2d: {  	s3 =	simm.s32 $0x108;
	s8 =	sld [smem:$0x3FB6]  }
0x2e: {  	s3 =	simm.s32 @!p0 $0x1082;
	s9 =	sld [smem:$0x3FB7]  }
0x2f: {  	lr =	sadd.s32 s0, s3;
	s0 =	sld [smem:$0x3FAE]  }
0x30: {  	s3 =	sld [smem:$0x3FB1]  }
0x31: {  	[smem:$0x3FBA] =	sst s10  }
0x32: {  	s10 =	sld [smem:$0x3FB8];
	_ =	sdelay $0x3  }
0x33: {  	p0 =	seq.s32 s10, $0x1;
	s10 =	sld [smem:$0x3FBA];
	_ =	sdelay $0x3  }
0x34: {  	[smem:$0x3FBA] =	sst s10  }
0x35: {  	s10 =	sld [smem:$0x3FB9];
	_ =	sdelay $0x3  }
0x36: {  	p1 =	seq.s32 s10, $0x1;
	s10 =	sld [smem:$0x3FBA];
	_ =	sdelay $0x3  }
0x37: {  	[smem:$0x3FBA] =	sst s10  }
0x38: {  	s10 =	sld [smem:$0x3FBB]  }
0x39: {  	_ = 	snop;
	(pc) =	sbr.ind lr, $3  }
0x3a: {  	_ = 	snop  }
0x3b: {  	_ = 	snop  }
0x3c: {  	p2 =	seq.s32 s10, $0x1;
	s10 =	sld [smem:$0x3FBA]  }
0x3d: {  	_ =	shalt  }
0x3e: {  	_ =	shalt  }
0x3f: {  	_ =	shalt  }
0x40: {  	_ =	shalt  }
0x41: {  	_ =	shalt  }
0x42: {  	_ =	shalt  }
0x43: {  	_ =	shalt  }
0x44: {  	_ =	shalt  }
0x45: {  	_ =	shalt  }
0x46: {  	_ =	shalt  }
0x47: {  	_ =	shalt  }
0x48: {  	_ =	shalt  }
0x49: {  	_ =	shalt  }
0x4a: {  	_ =	shalt  }
0x4b: {  	_ =	shalt  }
0x4c: {  	_ =	shalt  }
0x4d: {  	_ =	shalt  }
0x4e: {  	_ =	shalt  }
0x4f: {  	_ =	shalt  }
0x50: {  	_ =	shalt  }
0x51: {  	_ =	shalt  }
0x52: {  	_ =	shalt  }
0x53: {  	_ =	shalt  }
0x54: {  	_ =	shalt  }
0x55: {  	_ =	shalt  }
0x56: {  	_ =	shalt  }
0x57: {  	_ =	shalt  }
0x58: {  	_ =	shalt  }
0x59: {  	_ =	shalt  }
0x5a: {  	_ =	shalt  }
0x5b: {  	_ =	shalt  }
0x5c: {  	_ =	shalt  }
0x5d: {  	_ =	shalt  }
0x5e: {  	_ =	shalt  }
0x5f: {  	_ =	shalt  }
0x60: {  	_ =	shalt  }
0x61: {  	_ =	shalt  }
0x62: {  	_ =	shalt  }
0x63: {  	_ =	shalt  }
0x64: {  	_ =	shalt  }
0x65: {  	_ =	shalt  }
0x66: {  	_ =	shalt  }
0x67: {  	_ =	shalt  }
0x68: {  	_ =	shalt  }
0x69: {  	_ =	shalt  }
0x6a: {  	_ =	shalt  }
0x6b: {  	_ =	shalt  }
0x6c: {  	_ =	shalt  }
0x6d: {  	_ =	shalt  }
0x6e: {  	_ =	shalt  }
0x6f: {  	_ =	shalt  }
0x70: {  	_ =	shalt  }
0x71: {  	_ =	shalt  }
0x72: {  	_ =	shalt  }
0x73: {  	_ =	shalt  }
0x74: {  	_ =	shalt  }
0x75: {  	_ =	shalt  }
0x76: {  	_ =	shalt  }
0x77: {  	_ =	shalt  }
0x78: {  	_ =	shalt  }
0x79: {  	_ =	shalt  }
0x7a: {  	_ =	shalt  }
0x7b: {  	_ =	shalt  }
0x7c: {  	_ =	shalt  }
0x7d: {  	_ =	shalt  }
0x7e: {  	_ =	shalt  }
0x7f: {  	_ =	shalt  }
0x80: {  	_ =	shalt  }
0x81: {  	_ =	shalt  }
0x82: {  	_ =	shalt  }
0x83: {  	_ =	shalt  }
0x84: {  	_ =	shalt  }
0x85: {  	_ =	shalt  }
0x86: {  	_ =	shalt  }
0x87: {  	_ =	shalt  }
.Lfunc_end0:
.L_simem_size_0:
called_computation_lowered:
.L_overlay_start_0:
0x88: {  	s2 =	sld [smem:$0x3FD9]  }
0x89: {  	s3 =	sld [smem:$0x3FFE];
	_ =	sdelay $0x1  }
0x8a: {  	s1 =	srdreg.scid  }
0x8b: {  	s0 =	sand.u32 $0x1, s1  }
0x8c: {  	s18 =	sshll.u32 s0, $0xA;
	s2 =	sadd.s32 s3, s2  }
0x8d: {  	s2 =	sadd.s32 s2, s18  }
0x8e: {  	[smem:$0x3FC6] =	sst s2  }
0x8f: {  	_ = 	snop  }
0x90: {  	s2 =	sld [smem:$0x3FC9]  }
0x91: {  	s19 =	sld [smem:$0x3FC8]  }
0x92: {  	s4 =	sld [smem:$0x3FD0];
	(tm) =	ssettm $0x1  }
0x93: {  	s5 =	sld [smem:$0x3FFB];
	_ =	sdelay $0x3  }
0x94: {  	_ =	strace s5  }
0x95: {  	s5 =	sld [smem:$0x3FFC];
	_ =	sdelay $0x3  }
0x96: {  	_ =	strace s5  }
0x97: {  	s5 =	sld [smem:$0x3FFD];
	_ =	sdelay $0x3  }
0x98: {  	_ =	strace s5  }
0x99: {  	_ =	strace $0x8FFFFFFF  }
0x9a: {  	s20 =	sld [smem:$0x3FDB];
	_ =	sdelay $0x1  }
0x9b: {  	s6 =	simm.s32 $_scs_section_size  }
0x9c: {  	s7 =	simm.s32 $_size__tile_overlayer_lowered;
	s8 =	simm.s32 $_tile_overlayer_lowered  }
0x9d: {  	s23 =	simm.s32 $0x1BFF;
	s22 =	sshll.u32 s8, $0x1;
	s5 =	sadd.s32 s6, s20  }
0x9e: {  	s9 =	simm.s32 $0x0;
	s21 =	sshll.u32 s7, $0x1;
	s7 =	sadd.s32 s22, s5  }
0x9f: {  	[timem:s9], [sflag:s23] =	dma.local [hbm:s7], s21  }
0xa0: {  	_ =	swait.ge [sflag:s23], s21  }
0xa1: {  	s6 =	ssub.s32 $0x0, s21;
	[sflag:s23] =	ssyncset.done $0x0  }
0xa2: {  	[sflag:s23] =	ssyncadd.s32 s6;
	_ =	sdelay $0x1  }
0xa3: {  	s24 =	simm.s32 $0x1B8B  }
0xa4: {  	_ =	swait.ge [sflag:s24], $0x1  }
0xa5: {  	[sflag:s24] =	ssyncset.done $0x0  }
0xa6: {  	s25 =	simm.s32 $0x1B8E;
	[sflag:s24] =	ssyncadd.s32 $0xFFFFFFFF  }
0xa7: {  	s26 =	simm.s32 $execute0_lowered;
	[smem:$0x3FD2] =	sst s25  }
0xa8: {  	s6 =	sshll.u32 s26, $0x1;
	_ =	strace $0x80000046;
	[dreg:$0x1] =	wrdreg $0xFFFFFFFF  }
0xa9: {  	s28 =	simm.s32 $_size_execute0_lowered;
	s5 =	sadd.s32 s5, s6;
	[dreg:$0x0] =	wrdreg $0x0  }
0xaa: {  	s6 =	sshll.u32 s28, $0x1;
	[dreg:$0x2] =	wrdreg s5  }
0xab: {  	[dreg:$0x3] =	wrdreg s6  }
0xac: {  	[dreg:$0x4] =	wrdreg $0xC0  }
0xad: {  	_ =	task [dreg:s9], $0x5FFFF  }
0xae: {  	[dreg:$0x1] =	wrdreg $0xFFFFFFFF  }
0xaf: {  	[dreg:$0x0] =	wrdreg $0x60  }
0xb0: {  	[dreg:$0x2] =	wrdreg s2  }
0xb1: {  	[dreg:$0x3] =	wrdreg s19  }
0xb2: {  	[dreg:$0x4] =	wrdreg s4  }
0xb3: {  	[dreg:$0x5] =	wrdreg $0x9  }
0xb4: {  	_ =	task.clear_ibuf [dreg:s9], $0x6FFFF;
	_ =	strace $0x90000046  }
0xb5: {  	s29 =	simm.s32 $0x9;
	_ =	strace $0x80000048  }
0xb6: {  	_ =	swait.ge [sflag:s29], $0x1  }
0xb7: {  	[sflag:s29] =	ssyncadd.s32 $0xFFFFFFFF  }
0xb8: {  	_ =	strace $0x90000048  }
0xb9: {  	_ =	sfence  }
0xba: {  	s30 =	sld [smem:$0x0];
	_ =	sdelay $0x2  }
0xbb: {  	s31 =	sshll.u32 s1, $0xD;
	s1 =	sshrl.u32 s1, $0x2  }
0xbc: {  	s3 =	sand.u32 $0x4000, s31;
	s1 =	sadd.s32 s1, s30  }
0xbd: {  	s0 =	sor.u32 s3, s0;
	s1 =	sshll.u32 s1, $0x11  }
0xbe: {  	s0 =	sor.u32 s1, s0  }
0xbf: {  	s0 =	sadd.s32 $0x8F2B, s0  }
0xc0: {  	[sflag:s0] =	ssyncadd.remote.s32 $0x1  }
0xc1: {  	_ =	sfence.sel $0xFFFF  }
0xc2: {  	[dreg:$0x0] =	wrdreg $0xFFFFFFFF;
	(pc) =	sbr.abs _section_cstart, $3  }
0xc3: {  	[dreg:$0x1] =	wrdreg $0xFFFFFFFF  }
0xc4: {  	_ =	task.clear_ibuf [dreg:s9], $0x2FFFF;
	_ =	strace $0x9FFFFFFF  }
0xc5: {  	(tm) =	ssettm $0x7FFFFFFF  }
tec
execute0_lowered:
.L_overlay_start_1:
0x0: {  	(tag) =	ssettag $0x1  }
0x1: {  	s1 =	rddreg [dreg:$0x0]  }
0x2: {  	s2 =	rddreg [dreg:$0x1];
	s3 =	srdreg.scid  }
0x3: {  	s0 =	stileid.u32;
	s7 =	rddreg [dreg:$0x2];
	s10 =	simm.s32 $0x6400  }
0x4: {  	s11 =	simm.s32 $0x6C00;
	s12 =	simm.s32 $0x7400;
	s13 =	simm.s32 $0x7C00  }
0x5: {  	s14 =	simm.s32 $0x8400;
	s15 =	simm.s32 $0x8C00;
	s16 =	simm.s32 $0x9400  }
0x6: {  	s17 =	simm.s32 $0x9C00;
	s18 =	simm.s32 $0xA400;
	s19 =	simm.s32 $0xAC00  }
0x7: {  	s20 =	simm.s32 $0xB400;
	s21 =	simm.s32 $0xBC00;
	s22 =	simm.s32 $0x2  }
0x8: {  	s23 =	simm.s32 $0x12400;
	s24 =	simm.s32 $0x1;
	s25 =	simm.s32 $0x0  }
0x9: {  	s4 =	sand.u32 $0x1, s3;
	s31 =	sshll.u32 s0, $0x1;
	s3 =	simm.s32 $0x0  }
.Ltmp0:
0xa: {  	s5 =	sor.u32 s4, s31;
	s4 =	ssub.s32 $0x2, s4;
	(pc) =	sbr.rel .LBB2_1-.Ltmp0, $4  }
0xb: {  	[smem:$0x7FF] =	sst s3;
	s6 =	smul.u32 $0xC80, s5;
	s8 =	sshrl.u32 s4, $0x1  }
0xc: {  	v3 =	vlaneseq.u32;
	s9 =	smul.u32 $0xC00, s5;
	_ =	strace $0x80000047;
	s5 =	sadd.s32 $0x100, s2  }
0xd: {  	v0 =	vimm.f32 $0.0e+00;
	vm0 =	vmmov $0xffff;
	v2 =	vshrl.u32 v3, $0x3;
	s8 =	ssub.s32 s4, s8;
	s4 =	sadd.s32 s1, s6;
	s6 =	sadd.s32 $0x200, s2  }
0xe: {  	v1 =	vand.u32 $0x7, v3;
	v3 =	vor.u32 $0x8, v3;
	v2 =	vmul.u32 $0x8, v2;
	s7 =	sadd.s32 s7, s9;
	s8 =	smax.u32 s8, $0x1;
	s9 =	simm.s32 $0x3  }
.LBB2_12:
0xf: {  	s25 =	sadd.s32 $0x1, s25  }
0x10: {  	p0 =	sne.s32 s25, s8  }
.Ltmp1:
0x11: {  	_ = 	snop;
	(pc) =	sbr.rel @!p0 .LBB2_13-.Ltmp1, $4  }
0x12: {  	[hbm4b:s7+s3] =	stream.linear.scatter [tilespmem:s23], [sflag:$0x3], $0x6000, $0x38;
	[tilespmem:$0x18400] =	vst v63  }
0x13: {  	_ =	swait.ge [sflag:s9], $0x6000  }
0x14: {  	[sflag:s9] =	ssyncset.done $0x0  }
0x15: {  	[sflag:s9] =	ssyncadd.s32 $0xFFFFA000  }
.LBB2_1:
0x16: {  	[tilespmem:s3], [sflag:$0x3] =	stream.linear.gather [hbm4b:s4+s3], $0x6400, $0x38;
	[tilespmem:$0x18400] =	vst v63  }
0x17: {  	s1 =	simm.s32 $0x0  }
0x18: {  	s1 =	smul.u32 $0x6000, s1  }
0x19: {  	_ =	swait.ge [sflag:s9], $0x6400  }
0x1a: {  	s26 =	sand.u32 $0x380, s3;
	[sflag:s9] =	ssyncset.done $0x0;
	s1 =	sshra.s32 s1, $0x2  }
0x1b: {  	[sflag:s9] =	ssyncadd.s32 $0xFFFF9C00;
	s26 =	sor.u32 s26, s1  }
0x1c: {  	s1 =	sadd.s32 $0x12400, s26;
	[tilespmem:s26+$0x12400] =	vst v0  }
0x1d: {  	[tilespmem:s1+$0x470] =	vst v0  }
0x1e: {  	[tilespmem:s1+$0x460] =	vst v0  }
0x1f: {  	[tilespmem:s1+$0x450] =	vst v0  }
0x20: {  	[tilespmem:s1+$0x440] =	vst v0  }
0x21: {  	[tilespmem:s1+$0x420] =	vst v0  }
0x22: {  	[tilespmem:s1+$0x430] =	vst v0  }
0x23: {  	[tilespmem:s1+$0x400] =	vst v0  }
0x24: {  	[tilespmem:s1+$0x410] =	vst v0  }
0x25: {  	[tilespmem:s1+$0x60] =	vst v0  }
0x26: {  	[tilespmem:s1+$0x50] =	vst v0  }
0x27: {  	[tilespmem:s1+$0x40] =	vst v0  }
0x28: {  	[tilespmem:s1+$0x30] =	vst v0  }
0x29: {  	[tilespmem:s1+$0x20] =	vst v0  }
0x2a: {  	[tilespmem:s1+$0x70] =	vst v0  }
0x2b: {  	s29 =	sadd.s32 $0x12C00, s26;
	[tilespmem:s1+$0x10] =	vst v0  }
0x2c: {  	[tilespmem:s29+$0x70] =	vst v0  }
0x2d: {  	[tilespmem:s29+$0x60] =	vst v0  }
0x2e: {  	[tilespmem:s26+$0x12C00] =	vst v0  }
0x2f: {  	[tilespmem:s29+$0x50] =	vst v0  }
0x30: {  	[tilespmem:s29+$0x40] =	vst v0  }
0x31: {  	[tilespmem:s29+$0x30] =	vst v0  }
0x32: {  	[tilespmem:s29+$0x20] =	vst v0  }
0x33: {  	s0 =	sadd.s32 $0x13000, s26;
	[tilespmem:s29+$0x10] =	vst v0  }
0x34: {  	[tilespmem:s0+$0x70] =	vst v0  }
0x35: {  	[tilespmem:s0+$0x60] =	vst v0  }
0x36: {  	[tilespmem:s0+$0x50] =	vst v0  }
0x37: {  	[tilespmem:s26+$0x13000] =	vst v0  }
0x38: {  	[tilespmem:s0+$0x40] =	vst v0  }
0x39: {  	[tilespmem:s0+$0x20] =	vst v0  }
0x3a: {  	[tilespmem:s0+$0x30] =	vst v0  }
0x3b: {  	s29 =	sadd.s32 $0x13400, s26;
	[tilespmem:s0+$0x10] =	vst v0  }
0x3c: {  	[tilespmem:s29+$0x70] =	vst v0  }
0x3d: {  	[tilespmem:s29+$0x60] =	vst v0  }
0x3e: {  	[tilespmem:s29+$0x50] =	vst v0  }
0x3f: {  	[tilespmem:s26+$0x13400] =	vst v0  }
0x40: {  	[tilespmem:s29+$0x40] =	vst v0  }
0x41: {  	[tilespmem:s29+$0x30] =	vst v0  }
0x42: {  	[tilespmem:s29+$0x10] =	vst v0  }
0x43: {  	s30 =	sadd.s32 $0x13800, s26;
	[tilespmem:s29+$0x20] =	vst v0  }
0x44: {  	[tilespmem:s30+$0x70] =	vst v0  }
0x45: {  	[tilespmem:s30+$0x40] =	vst v0  }
0x46: {  	s31 =	simm.s32 $0x1;
	s28 =	simm.s32 $0x0;
	[tilespmem:s30+$0x60] =	vst v0  }
.LBB2_2:
0x47: {  	s1 =	sshrl.u32 s31, $0x3  }
0x48: {  	[tilespmem:s26+$0x13800] =	vst v0;
	s28 =	sadd.s32 $0x80, s28;
	s26 =	smov.u32 s31;
	s29 =	sadd.s32 $0x1, s31  }
0x49: {  	p0 =	sne.s32 s31, $0x1F;
	s1 =	smul.u32 $0x6000, s1;
	[tilespmem:s30+$0x20] =	vst v0  }
0x4a: {  	[tilespmem:s30+$0x30] =	vst v0  }
0x4b: {  	s26 =	sand.u32 $0x380, s28;
	s1 =	sshra.s32 s1, $0x2;
	[tilespmem:s30+$0x10] =	vst v0  }
0x4c: {  	s26 =	sor.u32 s26, s1;
	[tilespmem:s30+$0x50] =	vst v0  }
0x4d: {  	s1 =	sadd.s32 $0x12400, s26;
	[tilespmem:s26+$0x12400] =	vst v0  }
0x4e: {  	[tilespmem:s1+$0x470] =	vst v0  }
0x4f: {  	[tilespmem:s1+$0x460] =	vst v0  }
0x50: {  	[tilespmem:s1+$0x450] =	vst v0  }
0x51: {  	[tilespmem:s1+$0x440] =	vst v0  }
0x52: {  	[tilespmem:s1+$0x420] =	vst v0  }
0x53: {  	[tilespmem:s1+$0x430] =	vst v0  }
0x54: {  	[tilespmem:s1+$0x400] =	vst v0  }
0x55: {  	[tilespmem:s1+$0x410] =	vst v0  }
0x56: {  	[tilespmem:s1+$0x60] =	vst v0  }
0x57: {  	[tilespmem:s1+$0x50] =	vst v0  }
0x58: {  	[tilespmem:s1+$0x40] =	vst v0  }
0x59: {  	[tilespmem:s1+$0x30] =	vst v0  }
0x5a: {  	[tilespmem:s1+$0x20] =	vst v0  }
0x5b: {  	[tilespmem:s1+$0x70] =	vst v0  }
0x5c: {  	[tilespmem:s1+$0x10] =	vst v0;
	s1 =	sadd.s32 $0x12C00, s26  }
0x5d: {  	[tilespmem:s1+$0x70] =	vst v0  }
0x5e: {  	[tilespmem:s1+$0x60] =	vst v0  }
0x5f: {  	[tilespmem:s26+$0x12C00] =	vst v0  }
0x60: {  	[tilespmem:s1+$0x30] =	vst v0  }
0x61: {  	[tilespmem:s1+$0x20] =	vst v0  }
0x62: {  	[tilespmem:s1+$0x10] =	vst v0  }
0x63: {  	[tilespmem:s1+$0x50] =	vst v0  }
0x64: {  	[tilespmem:s1+$0x40] =	vst v0;
	s1 =	sadd.s32 $0x13000, s26  }
0x65: {  	[tilespmem:s1+$0x70] =	vst v0  }
0x66: {  	[tilespmem:s1+$0x60] =	vst v0  }
0x67: {  	[tilespmem:s1+$0x50] =	vst v0  }
0x68: {  	[tilespmem:s26+$0x13000] =	vst v0  }
0x69: {  	[tilespmem:s1+$0x20] =	vst v0  }
0x6a: {  	[tilespmem:s1+$0x30] =	vst v0  }
0x6b: {  	[tilespmem:s1+$0x10] =	vst v0  }
0x6c: {  	[tilespmem:s1+$0x40] =	vst v0;
	s1 =	sadd.s32 $0x13400, s26  }
0x6d: {  	[tilespmem:s1+$0x70] =	vst v0  }
0x6e: {  	[tilespmem:s1+$0x60] =	vst v0  }
0x6f: {  	[tilespmem:s1+$0x50] =	vst v0  }
0x70: {  	[tilespmem:s26+$0x13400] =	vst v0  }
0x71: {  	[tilespmem:s1+$0x30] =	vst v0  }
0x72: {  	[tilespmem:s1+$0x10] =	vst v0  }
.Ltmp2:
0x73: {  	[tilespmem:s1+$0x40] =	vst v0;
	(pc) =	sbr.rel @p0 .LBB2_2-.Ltmp2, $4  }
0x74: {  	s30 =	sadd.s32 $0x13800, s26;
	[tilespmem:s1+$0x20] =	vst v0  }
0x75: {  	[tilespmem:s30+$0x70] =	vst v0  }
0x76: {  	[tilespmem:s30+$0x40] =	vst v0  }
0x77: {  	s31 =	smov.u32 s29;
	[tilespmem:s30+$0x60] =	vst v0  }
0x78: {  	[tilespmem:s26+$0x13800] =	vst v0  }
0x79: {  	[tilespmem:s30+$0x50] =	vst v0  }
0x7a: {  	[tilespmem:s30+$0x20] =	vst v0  }
0x7b: {  	[tilespmem:s30+$0x30] =	vst v0  }
0x7c: {  	[tilespmem:s30+$0x10] =	vst v0  }
0x7d: {  	v4 =	vld [tilespmem:$0x0];
	_ =	sdelay $0x4  }
0x7e: {  	v5 =	vshrl.u32 v4, $0x3  }
0x7f: {  	v5 =	vmul.u32 $0x30, v5  }
0x80: {  	v4 =	vand.u32 $0x7, v4  }
0x81: {  	v4 =	vor.u32 v4, v5  }
0x82: {  	v5 =	vperm.xlane v4, v1;
	_ =	sdelay $0x1  }
0x83: {  	v5 =	vadd.s32 v2, v5;
	_ =	sdelay $0x3  }
0x84: {  	s26 =	simm.s32 $0x0;
	v4 =	vperm.xlane v4, v3  }
0x85: {  	[tilespmem:s10], [sflag:$0x1] =	stream.indirect_vreg.gather [hbm4b:s2+s26], $0x80, v5, vm0, $0xb8;
	[tilespmem:$0x18400] =	vst v63  }
0x86: {  	v4 =	vadd.s32 v2, v4  }
0x87: {  	[tilespmem:s11], [sflag:$0x1] =	stream.indirect_vreg.gather [hbm4b:s5+s26], $0x80, v5, vm0, $0xb8;
	[tilespmem:$0x18400] =	vst v63  }
0x88: {  	_ = 	snop  }
0x89: {  	[tilespmem:s12], [sflag:$0x1] =	stream.indirect_vreg.gather [hbm4b:s6+s26], $0x80, v5, vm0, $0xb8;
	[tilespmem:$0x18400] =	vst v63  }
0x8a: {  	_ = 	snop  }
0x8b: {  	[tilespmem:s13], [sflag:$0x1] =	stream.indirect_vreg.gather [hbm4b:s2+s26], $0x80, v4, vm0, $0xb8;
	[tilespmem:$0x18400] =	vst v63  }
0x8c: {  	_ = 	snop  }
0x8d: {  	[tilespmem:s14], [sflag:$0x1] =	stream.indirect_vreg.gather [hbm4b:s5+s26], $0x80, v4, vm0, $0xb8;
	[tilespmem:$0x18400] =	vst v63  }
0x8e: {  	_ = 	snop  }
0x8f: {  	[tilespmem:s15], [sflag:$0x1] =	stream.indirect_vreg.gather [hbm4b:s6+s26], $0x80, v4, vm0, $0xb8;
	[tilespmem:$0x18400] =	vst v63  }
0x90: {  	v4 =	vld [tilespmem:$0x10];
	_ =	sdelay $0x4  }
0x91: {  	v5 =	vshrl.u32 v4, $0x3  }
0x92: {  	v5 =	vmul.u32 $0x30, v5  }
0x93: {  	v4 =	vand.u32 $0x7, v4  }
0x94: {  	v4 =	vor.u32 v4, v5  }
0x95: {  	v5 =	vperm.xlane v4, v1;
	_ =	sdelay $0x1  }
0x96: {  	v5 =	vadd.s32 v2, v5;
	_ =	sdelay $0x3  }
0x97: {  	v4 =	vperm.xlane v4, v3  }
0x98: {  	[tilespmem:s16], [sflag:$0x1] =	stream.indirect_vreg.gather [hbm4b:s2+s26], $0x80, v5, vm0, $0xb8;
	[tilespmem:$0x18400] =	vst v63  }
0x99: {  	v4 =	vadd.s32 v2, v4  }
0x9a: {  	[tilespmem:s17], [sflag:$0x1] =	stream.indirect_vreg.gather [hbm4b:s5+s26], $0x80, v5, vm0, $0xb8;
	[tilespmem:$0x18400] =	vst v63  }
0x9b: {  	_ = 	snop  }
0x9c: {  	[tilespmem:s18], [sflag:$0x1] =	stream.indirect_vreg.gather [hbm4b:s6+s26], $0x80, v5, vm0, $0xb8;
	[tilespmem:$0x18400] =	vst v63  }
0x9d: {  	_ = 	snop  }
0x9e: {  	[tilespmem:s19], [sflag:$0x1] =	stream.indirect_vreg.gather [hbm4b:s2+s26], $0x80, v4, vm0, $0xb8;
	[tilespmem:$0x18400] =	vst v63  }
.Ltmp3:
0x9f: {  	_ = 	snop;
	(pc) =	sbr.rel .LBB2_4-.Ltmp3, $4  }
0xa0: {  	_ = 	snop  }
0xa1: {  	[tilespmem:s20], [sflag:$0x1] =	stream.indirect_vreg.gather [hbm4b:s5+s26], $0x80, v4, vm0, $0xb8;
	[tilespmem:$0x18400] =	vst v63  }
0xa2: {  	_ = 	snop  }
0xa3: {  	[tilespmem:s21], [sflag:$0x1] =	stream.indirect_vreg.gather [hbm4b:s6+s26], $0x80, v4, vm0, $0xb8;
	[tilespmem:$0x18400] =	vst v63  }
.LBB2_11:
0xa4: {  	p0 =	sne.s32 s26, $0xC8  }
.Ltmp4:
0xa5: {  	_ = 	snop;
	(pc) =	sbr.rel @!p0 .LBB2_12-.Ltmp4, $1  }
0xa6: {  	_ =	sdelay $0x3  }
.LBB2_4:
0xa7: {  	s28 =	smov.u32 s26  }
0xa8: {  	s26 =	sadd.s32 $0x1, s26;
	p0 =	seq.s32 s28, $0xC7  }
0xa9: {  	s1 =	sshll.u32 @!p0 s26, $0x7  }
0xaa: {  	s29 =	sand.u32 @!p0 $0x3FFFFF80, s1  }
0xab: {  	v4 =	vld @!p0 [tilespmem:s29+$0x0];
	_ =	sdelay $0x4  }
0xac: {  	v5 =	vshrl.u32 @!p0 v4, $0x3  }
0xad: {  	v5 =	vmul.u32 @!p0 $0x30, v5  }
0xae: {  	v6 =	vlaneseq.u32 @!p0;
	v4 =	vand.u32 @!p0 $0x7, v4  }
0xaf: {  	v4 =	vor.u32 @!p0 v4, v5;
	v5 =	vand.u32 @!p0 $0x7, v6;
	v6 =	vshrl.u32 @!p0 v6, $0x3  }
0xb0: {  	s1 =	sand.u32 @!p0 $0x1, s26;
	v5 =	vperm.xlane @!p0 v4, v5;
	v6 =	vmul.u32 @!p0 $0x8, v6  }
0xb1: {  	p2 =	seq.s32 @!p0 s1, $0x1  }
0xb2: {  	p1 =	por !p2, p0;
	v5 =	vadd.s32 @!p0 v6, v5  }
0xb3: {  	v6 =	vlaneseq.u32 @!p1  }
0xb4: {  	v7 =	vand.u32 @!p1 $0x7, v6  }
0xb5: {  	v6 =	vshrl.u32 @!p1 v6, $0x3;
	v8 =	vor.u32 @!p1 $0x8, v7  }
0xb6: {  	vm1 =	vmmov @!p1 $0xffff;
	s1 =	simm.s32 @!p1 $0x0;
	s30 =	simm.s32 @!p1 $0xC400;
	v6 =	vmul.u32 @!p1 $0x8, v6;
	v9 =	vperm.xlane @!p1 v4, v8  }
0xb7: {  	[tilespmem:s30], [sflag:$0x2] =	stream.indirect_vreg.gather @!p1 [hbm4b:s2+s1], $0x80, v5, vm1, $0xb8;
	[tilespmem:$0x18400] =	vst v63  }
0xb8: {  	s30 =	simm.s32 @!p1 $0xCC00;
	v9 =	vadd.s32 @!p1 v6, v9  }
0xb9: {  	[tilespmem:s30], [sflag:$0x2] =	stream.indirect_vreg.gather @!p1 [hbm4b:s5+s1], $0x80, v5, vm1, $0xb8;
	[tilespmem:$0x18400] =	vst v63  }
0xba: {  	s30 =	simm.s32 @!p1 $0xD400  }
0xbb: {  	[tilespmem:s30], [sflag:$0x2] =	stream.indirect_vreg.gather @!p1 [hbm4b:s6+s1], $0x80, v5, vm1, $0xb8;
	[tilespmem:$0x18400] =	vst v63  }
0xbc: {  	s30 =	simm.s32 @!p1 $0xDC00  }
0xbd: {  	[tilespmem:s30], [sflag:$0x2] =	stream.indirect_vreg.gather @!p1 [hbm4b:s2+s1], $0x80, v9, vm1, $0xb8;
	[tilespmem:$0x18400] =	vst v63  }
0xbe: {  	s30 =	simm.s32 @!p1 $0xE400  }
0xbf: {  	[tilespmem:s30], [sflag:$0x2] =	stream.indirect_vreg.gather @!p1 [hbm4b:s5+s1], $0x80, v9, vm1, $0xb8;
	[tilespmem:$0x18400] =	vst v63  }
0xc0: {  	s30 =	simm.s32 @!p1 $0xEC00  }
0xc1: {  	[tilespmem:s30], [sflag:$0x2] =	stream.indirect_vreg.gather @!p1 [hbm4b:s6+s1], $0x80, v9, vm1, $0xb8;
	[tilespmem:$0x18400] =	vst v63  }
0xc2: {  	v9 =	vld @!p1 [tilespmem:s29+$0x10];
	_ =	sdelay $0x4  }
0xc3: {  	v10 =	vshrl.u32 @!p1 v9, $0x3  }
0xc4: {  	v10 =	vmul.u32 @!p1 $0x30, v10  }
0xc5: {  	v9 =	vand.u32 @!p1 $0x7, v9  }
0xc6: {  	v9 =	vor.u32 @!p1 v9, v10  }
0xc7: {  	v7 =	vperm.xlane @!p1 v9, v7;
	_ =	sdelay $0x1  }
0xc8: {  	v7 =	vadd.s32 @!p1 v6, v7;
	_ =	sdelay $0x3  }
0xc9: {  	s30 =	simm.s32 @!p1 $0xF400;
	v8 =	vperm.xlane @!p1 v9, v8  }
0xca: {  	[tilespmem:s30], [sflag:$0x2] =	stream.indirect_vreg.gather @!p1 [hbm4b:s2+s1], $0x80, v7, vm1, $0xb8;
	[tilespmem:$0x18400] =	vst v63  }
0xcb: {  	v6 =	vadd.s32 @!p1 v6, v8;
	s30 =	simm.s32 @!p1 $0xFC00  }
0xcc: {  	[tilespmem:s30], [sflag:$0x2] =	stream.indirect_vreg.gather @!p1 [hbm4b:s5+s1], $0x80, v7, vm1, $0xb8;
	[tilespmem:$0x18400] =	vst v63  }
0xcd: {  	s30 =	simm.s32 @!p1 $0x10400  }
0xce: {  	[tilespmem:s30], [sflag:$0x2] =	stream.indirect_vreg.gather @!p1 [hbm4b:s6+s1], $0x80, v7, vm1, $0xb8;
	[tilespmem:$0x18400] =	vst v63  }
0xcf: {  	s30 =	simm.s32 @!p1 $0x10C00  }
0xd0: {  	[tilespmem:s30], [sflag:$0x2] =	stream.indirect_vreg.gather @!p1 [hbm4b:s2+s1], $0x80, v6, vm1, $0xb8;
	[tilespmem:$0x18400] =	vst v63  }
0xd1: {  	p2 =	por p2, p0;
	s30 =	simm.s32 @!p1 $0x11400  }
0xd2: {  	v7 =	vlaneseq.u32 @!p2;
	[tilespmem:s30], [sflag:$0x2] =	stream.indirect_vreg.gather @!p1 [hbm4b:s5+s1], $0x80, v6, vm1, $0xb8;
	[tilespmem:$0x18400] =	vst v63  }
0xd3: {  	v8 =	vand.u32 @!p2 $0x7, v7;
	s30 =	simm.s32 @!p1 $0x11C00  }
0xd4: {  	v7 =	vshrl.u32 @!p2 v7, $0x3;
	[tilespmem:s30], [sflag:$0x2] =	stream.indirect_vreg.gather @!p1 [hbm4b:s6+s1], $0x80, v6, vm1, $0xb8;
	v6 =	vor.u32 @!p2 $0x8, v8;
	[tilespmem:$0x18400] =	vst v63  }
0xd5: {  	v7 =	vmul.u32 @!p2 $0x8, v7;
	vm1 =	vmmov @!p2 $0xffff;
	s1 =	simm.s32 @!p2 $0x0;
	s30 =	simm.s32 @!p2 $0x6400;
	v4 =	vperm.xlane @!p2 v4, v6  }
0xd6: {  	[tilespmem:s30], [sflag:$0x1] =	stream.indirect_vreg.gather @!p2 [hbm4b:s2+s1], $0x80, v5, vm1, $0xb8;
	[tilespmem:$0x18400] =	vst v63  }
0xd7: {  	s30 =	simm.s32 @!p2 $0x6C00;
	v4 =	vadd.s32 @!p2 v7, v4  }
0xd8: {  	[tilespmem:s30], [sflag:$0x1] =	stream.indirect_vreg.gather @!p2 [hbm4b:s5+s1], $0x80, v5, vm1, $0xb8;
	[tilespmem:$0x18400] =	vst v63  }
0xd9: {  	s30 =	simm.s32 @!p2 $0x7400  }
0xda: {  	[tilespmem:s30], [sflag:$0x1] =	stream.indirect_vreg.gather @!p2 [hbm4b:s6+s1], $0x80, v5, vm1, $0xb8;
	[tilespmem:$0x18400] =	vst v63  }
0xdb: {  	s30 =	simm.s32 @!p2 $0x7C00  }
0xdc: {  	[tilespmem:s30], [sflag:$0x1] =	stream.indirect_vreg.gather @!p2 [hbm4b:s2+s1], $0x80, v4, vm1, $0xb8;
	[tilespmem:$0x18400] =	vst v63  }
0xdd: {  	s30 =	simm.s32 @!p2 $0x8400  }
0xde: {  	[tilespmem:s30], [sflag:$0x1] =	stream.indirect_vreg.gather @!p2 [hbm4b:s5+s1], $0x80, v4, vm1, $0xb8;
	[tilespmem:$0x18400] =	vst v63  }
0xdf: {  	s30 =	simm.s32 @!p2 $0x8C00  }
0xe0: {  	[tilespmem:s30], [sflag:$0x1] =	stream.indirect_vreg.gather @!p2 [hbm4b:s6+s1], $0x80, v4, vm1, $0xb8;
	[tilespmem:$0x18400] =	vst v63  }
0xe1: {  	v4 =	vld @!p2 [tilespmem:s29+$0x10];
	_ =	sdelay $0x4  }
0xe2: {  	v5 =	vshrl.u32 @!p2 v4, $0x3  }
0xe3: {  	v5 =	vmul.u32 @!p2 $0x30, v5  }
0xe4: {  	v4 =	vand.u32 @!p2 $0x7, v4  }
0xe5: {  	v4 =	vor.u32 @!p2 v4, v5  }
0xe6: {  	v5 =	vperm.xlane @!p2 v4, v8;
	_ =	sdelay $0x1  }
0xe7: {  	v5 =	vadd.s32 @!p2 v7, v5;
	_ =	sdelay $0x3  }
0xe8: {  	s29 =	simm.s32 @!p2 $0x9400;
	v4 =	vperm.xlane @!p2 v4, v6  }
0xe9: {  	[tilespmem:s29], [sflag:$0x1] =	stream.indirect_vreg.gather @!p2 [hbm4b:s2+s1], $0x80, v5, vm1, $0xb8;
	[tilespmem:$0x18400] =	vst v63  }
0xea: {  	s28 =	sand.u32 @!p0 $0x1, s28;
	v4 =	vadd.s32 @!p2 v7, v4;
	s29 =	simm.s32 @!p2 $0x9C00  }
0xeb: {  	[tilespmem:s29], [sflag:$0x1] =	stream.indirect_vreg.gather @!p2 [hbm4b:s5+s1], $0x80, v5, vm1, $0xb8;
	[tilespmem:$0x18400] =	vst v63  }
0xec: {  	p1 =	seq.s32 @!p0 s28, $0x1;
	s29 =	simm.s32 @!p2 $0xA400  }
0xed: {  	[tilespmem:s29], [sflag:$0x1] =	stream.indirect_vreg.gather @!p2 [hbm4b:s6+s1], $0x80, v5, vm1, $0xb8;
	[tilespmem:$0x18400] =	vst v63  }
0xee: {  	p0 =	por p0, p1;
	s29 =	simm.s32 @!p2 $0xAC00  }
0xef: {  	[tilespmem:s29], [sflag:$0x1] =	stream.indirect_vreg.gather @!p2 [hbm4b:s2+s1], $0x80, v4, vm1, $0xb8;
	[tilespmem:$0x18400] =	vst v63  }
.Ltmp5:
0xf0: {  	_ = 	snop;
	(pc) =	sbr.rel @p0 .LBB2_8-.Ltmp5, $4  }
0xf1: {  	s29 =	simm.s32 @!p2 $0xB400  }
0xf2: {  	[tilespmem:s29], [sflag:$0x1] =	stream.indirect_vreg.gather @!p2 [hbm4b:s5+s1], $0x80, v4, vm1, $0xb8;
	[tilespmem:$0x18400] =	vst v63  }
0xf3: {  	s29 =	simm.s32 @!p2 $0xBC00  }
0xf4: {  	[tilespmem:s29], [sflag:$0x1] =	stream.indirect_vreg.gather @!p2 [hbm4b:s6+s1], $0x80, v4, vm1, $0xb8;
	[tilespmem:$0x18400] =	vst v63  }
0xf5: {  	s1 =	simm.s32 $0x0  }
0xf6: {  	_ =	swait.ge [sflag:s24], $0x6000;
	s29 =	simm.s32 $0x0;
	s1 =	smul.u32 $0x1800, s1  }
0xf7: {  	[sflag:s24] =	ssyncset.done $0x0;
	s30 =	sand.u32 $0x380, s29  }
0xf8: {  	[sflag:s24] =	ssyncadd.s32 $0xFFFFA000;
	s30 =	sor.u32 s30, s1  }
0xf9: {  	v4 =	vld [tilespmem:s30+$0x7870]  }
0xfa: {  	v7 =	vld [tilespmem:s30+$0x6400]  }
0xfb: {  	v8 =	vld [tilespmem:s30+$0x6410]  }
0xfc: {  	v9 =	vld [tilespmem:s30+$0x6420]  }
0xfd: {  	v10 =	vld [tilespmem:s30+$0x6430]  }
0xfe: {  	v11 =	vld [tilespmem:s30+$0x6440]  }
0xff: {  	v12 =	vld [tilespmem:s30+$0x6450]  }
0x100: {  	v13 =	vld [tilespmem:s30+$0x6460]  }
0x101: {  	v14 =	vld [tilespmem:s30+$0x6470]  }
0x102: {  	v15 =	vld [tilespmem:s30+$0x6800]  }
0x103: {  	v16 =	vld [tilespmem:s30+$0x6810]  }
0x104: {  	v17 =	vld [tilespmem:s30+$0x6820]  }
0x105: {  	v18 =	vld [tilespmem:s30+$0x6830]  }
0x106: {  	v19 =	vld [tilespmem:s30+$0x6840]  }
0x107: {  	v20 =	vld [tilespmem:s30+$0x6850]  }
0x108: {  	v21 =	vld [tilespmem:s30+$0x6860]  }
0x109: {  	v22 =	vld [tilespmem:s30+$0x6870]  }
0x10a: {  	v23 =	vld [tilespmem:s30+$0x6C00]  }
0x10b: {  	v24 =	vld [tilespmem:s30+$0x6C10]  }
0x10c: {  	v25 =	vld [tilespmem:s30+$0x6C20]  }
0x10d: {  	v26 =	vld [tilespmem:s30+$0x6C30]  }
0x10e: {  	v27 =	vld [tilespmem:s30+$0x6C40]  }
0x10f: {  	v28 =	vld [tilespmem:s30+$0x6C50]  }
0x110: {  	v29 =	vld [tilespmem:s30+$0x6C60]  }
0x111: {  	v30 =	vld [tilespmem:s30+$0x6C70]  }
0x112: {  	v31 =	vld [tilespmem:s30+$0x7000]  }
0x113: {  	v32 =	vld [tilespmem:s30+$0x7010]  }
0x114: {  	v33 =	vld [tilespmem:s30+$0x7020]  }
0x115: {  	v34 =	vld [tilespmem:s30+$0x7030]  }
0x116: {  	v35 =	vld [tilespmem:s30+$0x7040]  }
0x117: {  	v36 =	vld [tilespmem:s30+$0x7050]  }
0x118: {  	v37 =	vld [tilespmem:s30+$0x7060]  }
0x119: {  	v38 =	vld [tilespmem:s30+$0x7070]  }
0x11a: {  	v39 =	vld [tilespmem:s30+$0x7400]  }
0x11b: {  	v40 =	vld [tilespmem:s30+$0x7410]  }
0x11c: {  	v41 =	vld [tilespmem:s30+$0x7420]  }
0x11d: {  	v42 =	vld [tilespmem:s30+$0x7430]  }
0x11e: {  	v43 =	vld [tilespmem:s30+$0x7440]  }
0x11f: {  	v44 =	vld [tilespmem:s30+$0x7450]  }
0x120: {  	v45 =	vld [tilespmem:s30+$0x7460]  }
0x121: {  	v46 =	vld [tilespmem:s30+$0x7470]  }
0x122: {  	v47 =	vld [tilespmem:s30+$0x7800]  }
0x123: {  	v48 =	vld [tilespmem:s30+$0x7810]  }
0x124: {  	v49 =	vld [tilespmem:s30+$0x7820]  }
0x125: {  	v50 =	vld [tilespmem:s30+$0x7830]  }
0x126: {  	v6 =	vld [tilespmem:s30+$0x7840]  }
0x127: {  	v5 =	vld [tilespmem:s30+$0x7850]  }
0x128: {  	[tilespmem:s30+$0x13870] =	vst.add.f32.msk $0xffff, v4  }
0x129: {  	v4 =	vld [tilespmem:s30+$0x7860]  }
0x12a: {  	[tilespmem:s30+$0x12400] =	vst.add.f32.msk $0xffff, v7  }
0x12b: {  	[tilespmem:s30+$0x12410] =	vst.add.f32.msk $0xffff, v8  }
0x12c: {  	[tilespmem:s30+$0x12420] =	vst.add.f32.msk $0xffff, v9  }
0x12d: {  	[tilespmem:s30+$0x12430] =	vst.add.f32.msk $0xffff, v10  }
0x12e: {  	[tilespmem:s30+$0x12440] =	vst.add.f32.msk $0xffff, v11  }
0x12f: {  	[tilespmem:s30+$0x12450] =	vst.add.f32.msk $0xffff, v12  }
0x130: {  	[tilespmem:s30+$0x12460] =	vst.add.f32.msk $0xffff, v13  }
0x131: {  	[tilespmem:s30+$0x12470] =	vst.add.f32.msk $0xffff, v14  }
0x132: {  	[tilespmem:s30+$0x12800] =	vst.add.f32.msk $0xffff, v15  }
0x133: {  	[tilespmem:s30+$0x12810] =	vst.add.f32.msk $0xffff, v16  }
0x134: {  	[tilespmem:s30+$0x12820] =	vst.add.f32.msk $0xffff, v17  }
0x135: {  	[tilespmem:s30+$0x12830] =	vst.add.f32.msk $0xffff, v18  }
0x136: {  	[tilespmem:s30+$0x12840] =	vst.add.f32.msk $0xffff, v19  }
0x137: {  	[tilespmem:s30+$0x12850] =	vst.add.f32.msk $0xffff, v20  }
0x138: {  	[tilespmem:s30+$0x12860] =	vst.add.f32.msk $0xffff, v21  }
0x139: {  	[tilespmem:s30+$0x12870] =	vst.add.f32.msk $0xffff, v22  }
0x13a: {  	[tilespmem:s30+$0x12C00] =	vst.add.f32.msk $0xffff, v23  }
0x13b: {  	[tilespmem:s30+$0x12C10] =	vst.add.f32.msk $0xffff, v24  }
0x13c: {  	[tilespmem:s30+$0x12C20] =	vst.add.f32.msk $0xffff, v25  }
0x13d: {  	[tilespmem:s30+$0x12C30] =	vst.add.f32.msk $0xffff, v26  }
0x13e: {  	[tilespmem:s30+$0x12C40] =	vst.add.f32.msk $0xffff, v27  }
0x13f: {  	[tilespmem:s30+$0x12C50] =	vst.add.f32.msk $0xffff, v28  }
0x140: {  	[tilespmem:s30+$0x12C60] =	vst.add.f32.msk $0xffff, v29  }
0x141: {  	[tilespmem:s30+$0x12C70] =	vst.add.f32.msk $0xffff, v30  }
0x142: {  	[tilespmem:s30+$0x13000] =	vst.add.f32.msk $0xffff, v31  }
0x143: {  	[tilespmem:s30+$0x13010] =	vst.add.f32.msk $0xffff, v32  }
0x144: {  	[tilespmem:s30+$0x13020] =	vst.add.f32.msk $0xffff, v33  }
0x145: {  	[tilespmem:s30+$0x13030] =	vst.add.f32.msk $0xffff, v34  }
0x146: {  	[tilespmem:s30+$0x13040] =	vst.add.f32.msk $0xffff, v35  }
0x147: {  	[tilespmem:s30+$0x13050] =	vst.add.f32.msk $0xffff, v36  }
0x148: {  	[tilespmem:s30+$0x13060] =	vst.add.f32.msk $0xffff, v37  }
0x149: {  	[tilespmem:s30+$0x13070] =	vst.add.f32.msk $0xffff, v38  }
0x14a: {  	[tilespmem:s30+$0x13400] =	vst.add.f32.msk $0xffff, v39  }
0x14b: {  	[tilespmem:s30+$0x13410] =	vst.add.f32.msk $0xffff, v40  }
0x14c: {  	[tilespmem:s30+$0x13420] =	vst.add.f32.msk $0xffff, v41  }
0x14d: {  	[tilespmem:s30+$0x13430] =	vst.add.f32.msk $0xffff, v42  }
0x14e: {  	[tilespmem:s30+$0x13440] =	vst.add.f32.msk $0xffff, v43  }
0x14f: {  	[tilespmem:s30+$0x13450] =	vst.add.f32.msk $0xffff, v44  }
0x150: {  	[tilespmem:s30+$0x13460] =	vst.add.f32.msk $0xffff, v45  }
0x151: {  	[tilespmem:s30+$0x13470] =	vst.add.f32.msk $0xffff, v46  }
0x152: {  	[tilespmem:s30+$0x13800] =	vst.add.f32.msk $0xffff, v47  }
0x153: {  	[tilespmem:s30+$0x13810] =	vst.add.f32.msk $0xffff, v48  }
0x154: {  	[tilespmem:s30+$0x13820] =	vst.add.f32.msk $0xffff, v49  }
0x155: {  	s31 =	simm.s32 $0x2;
	s1 =	simm.s32 $0x0;
	[tilespmem:s30+$0x13830] =	vst.add.f32.msk $0xffff, v50  }
.LBB2_6:
0x156: {  	p0 =	sne.s32 s31, $0x1F;
	s1 =	smul.u32 $0x1800, s1;
	[tilespmem:s30+$0x13840] =	vst.add.f32.msk $0xffff, v6;
	s29 =	sadd.s32 $0x80, s29  }
0x157: {  	s0 =	sand.u32 $0x380, s29;
	[tilespmem:s30+$0x13850] =	vst.add.f32.msk $0xffff, v5  }
0x158: {  	[tilespmem:s30+$0x13860] =	vst.add.f32.msk $0xffff, v4;
	s30 =	sor.u32 s0, s1  }
0x159: {  	v4 =	vld [tilespmem:s30+$0x7870]  }
0x15a: {  	v7 =	vld [tilespmem:s30+$0x6400]  }
0x15b: {  	v8 =	vld [tilespmem:s30+$0x6410]  }
0x15c: {  	v9 =	vld [tilespmem:s30+$0x6420]  }
0x15d: {  	v10 =	vld [tilespmem:s30+$0x6430]  }
0x15e: {  	[tilespmem:s30+$0x13870] =	vst.add.f32.msk $0xffff, v4  }
0x15f: {  	v11 =	vld [tilespmem:s30+$0x6440]  }
0x160: {  	v12 =	vld [tilespmem:s30+$0x6450]  }
0x161: {  	v13 =	vld [tilespmem:s30+$0x6460]  }
0x162: {  	v14 =	vld [tilespmem:s30+$0x6470]  }
0x163: {  	v15 =	vld [tilespmem:s30+$0x6800]  }
0x164: {  	v16 =	vld [tilespmem:s30+$0x6810]  }
0x165: {  	v17 =	vld [tilespmem:s30+$0x6820]  }
0x166: {  	v18 =	vld [tilespmem:s30+$0x6830]  }
0x167: {  	v19 =	vld [tilespmem:s30+$0x6840]  }
0x168: {  	v20 =	vld [tilespmem:s30+$0x6850]  }
0x169: {  	v21 =	vld [tilespmem:s30+$0x6860]  }
0x16a: {  	v22 =	vld [tilespmem:s30+$0x6870]  }
0x16b: {  	v23 =	vld [tilespmem:s30+$0x6C00]  }
0x16c: {  	v24 =	vld [tilespmem:s30+$0x6C10]  }
0x16d: {  	v25 =	vld [tilespmem:s30+$0x6C20]  }
0x16e: {  	v26 =	vld [tilespmem:s30+$0x6C30]  }
0x16f: {  	v27 =	vld [tilespmem:s30+$0x6C40]  }
0x170: {  	v28 =	vld [tilespmem:s30+$0x6C50]  }
0x171: {  	v29 =	vld [tilespmem:s30+$0x6C60]  }
0x172: {  	v30 =	vld [tilespmem:s30+$0x6C70]  }
0x173: {  	v31 =	vld [tilespmem:s30+$0x7000]  }
0x174: {  	v32 =	vld [tilespmem:s30+$0x7010]  }
0x175: {  	v33 =	vld [tilespmem:s30+$0x7020]  }
0x176: {  	v34 =	vld [tilespmem:s30+$0x7030]  }
0x177: {  	v35 =	vld [tilespmem:s30+$0x7040]  }
0x178: {  	v36 =	vld [tilespmem:s30+$0x7050]  }
0x179: {  	v37 =	vld [tilespmem:s30+$0x7060]  }
0x17a: {  	v38 =	vld [tilespmem:s30+$0x7070]  }
0x17b: {  	v39 =	vld [tilespmem:s30+$0x7400]  }
0x17c: {  	v40 =	vld [tilespmem:s30+$0x7410]  }
0x17d: {  	v41 =	vld [tilespmem:s30+$0x7420]  }
0x17e: {  	v42 =	vld [tilespmem:s30+$0x7430]  }
0x17f: {  	v43 =	vld [tilespmem:s30+$0x7440]  }
0x180: {  	v44 =	vld [tilespmem:s30+$0x7450]  }
0x181: {  	v45 =	vld [tilespmem:s30+$0x7460]  }
0x182: {  	v46 =	vld [tilespmem:s30+$0x7470]  }
0x183: {  	v47 =	vld [tilespmem:s30+$0x7800]  }
0x184: {  	v48 =	vld [tilespmem:s30+$0x7810]  }
0x185: {  	v49 =	vld [tilespmem:s30+$0x7820]  }
0x186: {  	v50 =	vld [tilespmem:s30+$0x7830]  }
0x187: {  	v6 =	vld [tilespmem:s30+$0x7840]  }
0x188: {  	v5 =	vld [tilespmem:s30+$0x7850]  }
0x189: {  	v4 =	vld [tilespmem:s30+$0x7860]  }
0x18a: {  	[tilespmem:s30+$0x12400] =	vst.add.f32.msk $0xffff, v7  }
0x18b: {  	[tilespmem:s30+$0x12410] =	vst.add.f32.msk $0xffff, v8  }
0x18c: {  	[tilespmem:s30+$0x12420] =	vst.add.f32.msk $0xffff, v9  }
0x18d: {  	[tilespmem:s30+$0x12430] =	vst.add.f32.msk $0xffff, v10  }
0x18e: {  	[tilespmem:s30+$0x12440] =	vst.add.f32.msk $0xffff, v11  }
0x18f: {  	[tilespmem:s30+$0x12450] =	vst.add.f32.msk $0xffff, v12  }
0x190: {  	[tilespmem:s30+$0x12460] =	vst.add.f32.msk $0xffff, v13  }
0x191: {  	[tilespmem:s30+$0x12470] =	vst.add.f32.msk $0xffff, v14  }
0x192: {  	[tilespmem:s30+$0x12800] =	vst.add.f32.msk $0xffff, v15  }
0x193: {  	[tilespmem:s30+$0x12810] =	vst.add.f32.msk $0xffff, v16  }
0x194: {  	[tilespmem:s30+$0x12820] =	vst.add.f32.msk $0xffff, v17  }
0x195: {  	[tilespmem:s30+$0x12830] =	vst.add.f32.msk $0xffff, v18  }
0x196: {  	[tilespmem:s30+$0x12840] =	vst.add.f32.msk $0xffff, v19  }
0x197: {  	[tilespmem:s30+$0x12850] =	vst.add.f32.msk $0xffff, v20  }
0x198: {  	[tilespmem:s30+$0x12860] =	vst.add.f32.msk $0xffff, v21  }
0x199: {  	[tilespmem:s30+$0x12870] =	vst.add.f32.msk $0xffff, v22  }
0x19a: {  	[tilespmem:s30+$0x12C00] =	vst.add.f32.msk $0xffff, v23  }
0x19b: {  	[tilespmem:s30+$0x12C10] =	vst.add.f32.msk $0xffff, v24  }
0x19c: {  	[tilespmem:s30+$0x12C20] =	vst.add.f32.msk $0xffff, v25  }
0x19d: {  	[tilespmem:s30+$0x12C30] =	vst.add.f32.msk $0xffff, v26  }
0x19e: {  	[tilespmem:s30+$0x12C40] =	vst.add.f32.msk $0xffff, v27  }
0x19f: {  	[tilespmem:s30+$0x12C50] =	vst.add.f32.msk $0xffff, v28  }
0x1a0: {  	[tilespmem:s30+$0x12C60] =	vst.add.f32.msk $0xffff, v29  }
0x1a1: {  	[tilespmem:s30+$0x12C70] =	vst.add.f32.msk $0xffff, v30  }
0x1a2: {  	[tilespmem:s30+$0x13000] =	vst.add.f32.msk $0xffff, v31  }
0x1a3: {  	[tilespmem:s30+$0x13010] =	vst.add.f32.msk $0xffff, v32  }
0x1a4: {  	[tilespmem:s30+$0x13020] =	vst.add.f32.msk $0xffff, v33  }
0x1a5: {  	[tilespmem:s30+$0x13030] =	vst.add.f32.msk $0xffff, v34  }
0x1a6: {  	[tilespmem:s30+$0x13040] =	vst.add.f32.msk $0xffff, v35  }
0x1a7: {  	[tilespmem:s30+$0x13050] =	vst.add.f32.msk $0xffff, v36  }
0x1a8: {  	[tilespmem:s30+$0x13060] =	vst.add.f32.msk $0xffff, v37  }
0x1a9: {  	[tilespmem:s30+$0x13070] =	vst.add.f32.msk $0xffff, v38  }
0x1aa: {  	[tilespmem:s30+$0x13400] =	vst.add.f32.msk $0xffff, v39  }
0x1ab: {  	[tilespmem:s30+$0x13410] =	vst.add.f32.msk $0xffff, v40  }
0x1ac: {  	[tilespmem:s30+$0x13420] =	vst.add.f32.msk $0xffff, v41  }
0x1ad: {  	[tilespmem:s30+$0x13430] =	vst.add.f32.msk $0xffff, v42  }
0x1ae: {  	[tilespmem:s30+$0x13440] =	vst.add.f32.msk $0xffff, v43  }
0x1af: {  	[tilespmem:s30+$0x13450] =	vst.add.f32.msk $0xffff, v44  }
0x1b0: {  	[tilespmem:s30+$0x13460] =	vst.add.f32.msk $0xffff, v45  }
.Ltmp6:
0x1b1: {  	[tilespmem:s30+$0x13470] =	vst.add.f32.msk $0xffff, v46;
	(pc) =	sbr.rel @p0 .LBB2_6-.Ltmp6, $4  }
0x1b2: {  	[tilespmem:s30+$0x13800] =	vst.add.f32.msk $0xffff, v47  }
0x1b3: {  	[tilespmem:s30+$0x13810] =	vst.add.f32.msk $0xffff, v48  }
0x1b4: {  	[tilespmem:s30+$0x13820] =	vst.add.f32.msk $0xffff, v49  }
0x1b5: {  	s1 =	sshrl.u32 s31, $0x3;
	s31 =	sadd.s32 $0x1, s31;
	[tilespmem:s30+$0x13830] =	vst.add.f32.msk $0xffff, v50  }
0x1b6: {  	s0 =	smul.u32 $0x1800, s1;
	[tilespmem:s30+$0x13840] =	vst.add.f32.msk $0xffff, v6;
	s29 =	sadd.s32 $0x80, s29  }
0x1b7: {  	[tilespmem:s30+$0x13850] =	vst.add.f32.msk $0xffff, v5;
	s1 =	sand.u32 $0x380, s29  }
0x1b8: {  	[tilespmem:s30+$0x13860] =	vst.add.f32.msk $0xffff, v4;
	s31 =	sor.u32 s1, s0  }
0x1b9: {  	v4 =	vld [tilespmem:s31+$0x7870]  }
0x1ba: {  	v5 =	vld [tilespmem:s31+$0x6400]  }
0x1bb: {  	v6 =	vld [tilespmem:s31+$0x6410]  }
0x1bc: {  	v7 =	vld [tilespmem:s31+$0x6420]  }
0x1bd: {  	v8 =	vld [tilespmem:s31+$0x6430]  }
0x1be: {  	v9 =	vld [tilespmem:s31+$0x6450]  }
0x1bf: {  	v10 =	vld [tilespmem:s31+$0x6460]  }
0x1c0: {  	v11 =	vld [tilespmem:s31+$0x6470]  }
0x1c1: {  	v12 =	vld [tilespmem:s31+$0x6800]  }
0x1c2: {  	v13 =	vld [tilespmem:s31+$0x6810]  }
0x1c3: {  	v14 =	vld [tilespmem:s31+$0x6820]  }
0x1c4: {  	v15 =	vld [tilespmem:s31+$0x6830]  }
0x1c5: {  	v16 =	vld [tilespmem:s31+$0x6840]  }
0x1c6: {  	v17 =	vld [tilespmem:s31+$0x6850]  }
0x1c7: {  	v18 =	vld [tilespmem:s31+$0x6860]  }
0x1c8: {  	v19 =	vld [tilespmem:s31+$0x6870]  }
0x1c9: {  	v20 =	vld [tilespmem:s31+$0x6C00]  }
0x1ca: {  	v21 =	vld [tilespmem:s31+$0x6C10]  }
0x1cb: {  	v22 =	vld [tilespmem:s31+$0x6C20]  }
0x1cc: {  	v23 =	vld [tilespmem:s31+$0x6C30]  }
0x1cd: {  	v24 =	vld [tilespmem:s31+$0x6C40]  }
0x1ce: {  	v25 =	vld [tilespmem:s31+$0x6C50]  }
0x1cf: {  	v26 =	vld [tilespmem:s31+$0x6C60]  }
0x1d0: {  	v27 =	vld [tilespmem:s31+$0x6C70]  }
0x1d1: {  	v28 =	vld [tilespmem:s31+$0x7000]  }
0x1d2: {  	v29 =	vld [tilespmem:s31+$0x7010]  }
0x1d3: {  	v30 =	vld [tilespmem:s31+$0x7020]  }
0x1d4: {  	v31 =	vld [tilespmem:s31+$0x7030]  }
0x1d5: {  	v32 =	vld [tilespmem:s31+$0x7040]  }
0x1d6: {  	v33 =	vld [tilespmem:s31+$0x7050]  }
0x1d7: {  	v34 =	vld [tilespmem:s31+$0x7060]  }
0x1d8: {  	v35 =	vld [tilespmem:s31+$0x7070]  }
0x1d9: {  	v36 =	vld [tilespmem:s31+$0x7400]  }
0x1da: {  	v37 =	vld [tilespmem:s31+$0x7410]  }
0x1db: {  	v38 =	vld [tilespmem:s31+$0x7420]  }
0x1dc: {  	v39 =	vld [tilespmem:s31+$0x7430]  }
0x1dd: {  	v40 =	vld [tilespmem:s31+$0x7440]  }
0x1de: {  	v41 =	vld [tilespmem:s31+$0x7450]  }
0x1df: {  	v42 =	vld [tilespmem:s31+$0x7460]  }
0x1e0: {  	v43 =	vld [tilespmem:s31+$0x7470]  }
0x1e1: {  	v44 =	vld [tilespmem:s31+$0x7800]  }
0x1e2: {  	v45 =	vld [tilespmem:s31+$0x7810]  }
0x1e3: {  	v46 =	vld [tilespmem:s31+$0x7820]  }
0x1e4: {  	v47 =	vld [tilespmem:s31+$0x7830]  }
0x1e5: {  	v48 =	vld [tilespmem:s31+$0x7840]  }
0x1e6: {  	v49 =	vld [tilespmem:s31+$0x7850]  }
0x1e7: {  	v50 =	vld [tilespmem:s31+$0x7860]  }
0x1e8: {  	[tilespmem:s31+$0x13870] =	vst.add.f32.msk $0xffff, v4  }
0x1e9: {  	v4 =	vld [tilespmem:s31+$0x6440]  }
0x1ea: {  	[tilespmem:s31+$0x12400] =	vst.add.f32.msk $0xffff, v5  }
0x1eb: {  	[tilespmem:s31+$0x12410] =	vst.add.f32.msk $0xffff, v6  }
0x1ec: {  	[tilespmem:s31+$0x12420] =	vst.add.f32.msk $0xffff, v7  }
0x1ed: {  	[tilespmem:s31+$0x12430] =	vst.add.f32.msk $0xffff, v8  }
0x1ee: {  	[tilespmem:s31+$0x12450] =	vst.add.f32.msk $0xffff, v9  }
0x1ef: {  	[tilespmem:s31+$0x12460] =	vst.add.f32.msk $0xffff, v10  }
0x1f0: {  	[tilespmem:s31+$0x12470] =	vst.add.f32.msk $0xffff, v11  }
0x1f1: {  	[tilespmem:s31+$0x12800] =	vst.add.f32.msk $0xffff, v12  }
0x1f2: {  	[tilespmem:s31+$0x12810] =	vst.add.f32.msk $0xffff, v13  }
0x1f3: {  	[tilespmem:s31+$0x12820] =	vst.add.f32.msk $0xffff, v14  }
0x1f4: {  	[tilespmem:s31+$0x12830] =	vst.add.f32.msk $0xffff, v15  }
0x1f5: {  	[tilespmem:s31+$0x12840] =	vst.add.f32.msk $0xffff, v16  }
0x1f6: {  	[tilespmem:s31+$0x12850] =	vst.add.f32.msk $0xffff, v17  }
0x1f7: {  	[tilespmem:s31+$0x12860] =	vst.add.f32.msk $0xffff, v18  }
0x1f8: {  	[tilespmem:s31+$0x12870] =	vst.add.f32.msk $0xffff, v19  }
0x1f9: {  	[tilespmem:s31+$0x12C00] =	vst.add.f32.msk $0xffff, v20  }
0x1fa: {  	[tilespmem:s31+$0x12C10] =	vst.add.f32.msk $0xffff, v21  }
0x1fb: {  	[tilespmem:s31+$0x12C20] =	vst.add.f32.msk $0xffff, v22  }
0x1fc: {  	[tilespmem:s31+$0x12C30] =	vst.add.f32.msk $0xffff, v23  }
0x1fd: {  	[tilespmem:s31+$0x12C40] =	vst.add.f32.msk $0xffff, v24  }
0x1fe: {  	[tilespmem:s31+$0x12C50] =	vst.add.f32.msk $0xffff, v25  }
0x1ff: {  	[tilespmem:s31+$0x12C60] =	vst.add.f32.msk $0xffff, v26  }
0x200: {  	[tilespmem:s31+$0x12C70] =	vst.add.f32.msk $0xffff, v27  }
0x201: {  	[tilespmem:s31+$0x13000] =	vst.add.f32.msk $0xffff, v28  }
0x202: {  	[tilespmem:s31+$0x13010] =	vst.add.f32.msk $0xffff, v29  }
0x203: {  	[tilespmem:s31+$0x13020] =	vst.add.f32.msk $0xffff, v30  }
0x204: {  	[tilespmem:s31+$0x13030] =	vst.add.f32.msk $0xffff, v31  }
0x205: {  	[tilespmem:s31+$0x13040] =	vst.add.f32.msk $0xffff, v32  }
0x206: {  	[tilespmem:s31+$0x13050] =	vst.add.f32.msk $0xffff, v33  }
0x207: {  	[tilespmem:s31+$0x13060] =	vst.add.f32.msk $0xffff, v34  }
0x208: {  	[tilespmem:s31+$0x13070] =	vst.add.f32.msk $0xffff, v35  }
0x209: {  	[tilespmem:s31+$0x13400] =	vst.add.f32.msk $0xffff, v36  }
0x20a: {  	[tilespmem:s31+$0x13410] =	vst.add.f32.msk $0xffff, v37  }
0x20b: {  	[tilespmem:s31+$0x13420] =	vst.add.f32.msk $0xffff, v38  }
0x20c: {  	[tilespmem:s31+$0x13430] =	vst.add.f32.msk $0xffff, v39  }
0x20d: {  	[tilespmem:s31+$0x13440] =	vst.add.f32.msk $0xffff, v40  }
0x20e: {  	[tilespmem:s31+$0x13450] =	vst.add.f32.msk $0xffff, v41  }
0x20f: {  	[tilespmem:s31+$0x13460] =	vst.add.f32.msk $0xffff, v42  }
0x210: {  	[tilespmem:s31+$0x13470] =	vst.add.f32.msk $0xffff, v43  }
0x211: {  	[tilespmem:s31+$0x13800] =	vst.add.f32.msk $0xffff, v44  }
0x212: {  	[tilespmem:s31+$0x13810] =	vst.add.f32.msk $0xffff, v45  }
0x213: {  	p0 =	seq.s32 s28, $0x0;
	[tilespmem:s31+$0x13820] =	vst.add.f32.msk $0xffff, v46  }
.Ltmp7:
0x214: {  	[tilespmem:s31+$0x13830] =	vst.add.f32.msk $0xffff, v47;
	(pc) =	sbr.rel @p0 .LBB2_11-.Ltmp7, $4  }
0x215: {  	[tilespmem:s31+$0x13840] =	vst.add.f32.msk $0xffff, v48  }
0x216: {  	[tilespmem:s31+$0x13850] =	vst.add.f32.msk $0xffff, v49  }
0x217: {  	[tilespmem:s31+$0x13860] =	vst.add.f32.msk $0xffff, v50  }
0x218: {  	[tilespmem:s31+$0x12440] =	vst.add.f32.msk $0xffff, v4  }
.LBB2_8:
0x219: {  	s0 =	simm.s32 $0x0  }
0x21a: {  	_ =	swait.ge [sflag:s22], $0x6000;
	s28 =	simm.s32 $0x0;
	s0 =	smul.u32 $0x1800, s0  }
0x21b: {  	[sflag:s22] =	ssyncset.done $0x0;
	s1 =	sand.u32 $0x380, s28  }
0x21c: {  	[sflag:s22] =	ssyncadd.s32 $0xFFFFA000;
	s29 =	sor.u32 s1, s0  }
0x21d: {  	v4 =	vld [tilespmem:s29+$0xD870]  }
0x21e: {  	v7 =	vld [tilespmem:s29+$0xC400]  }
0x21f: {  	v8 =	vld [tilespmem:s29+$0xC410]  }
0x220: {  	v9 =	vld [tilespmem:s29+$0xC420]  }
0x221: {  	v10 =	vld [tilespmem:s29+$0xC430]  }
0x222: {  	v11 =	vld [tilespmem:s29+$0xC440]  }
0x223: {  	v12 =	vld [tilespmem:s29+$0xC450]  }
0x224: {  	v13 =	vld [tilespmem:s29+$0xC460]  }
0x225: {  	v14 =	vld [tilespmem:s29+$0xC470]  }
0x226: {  	v15 =	vld [tilespmem:s29+$0xC800]  }
0x227: {  	v16 =	vld [tilespmem:s29+$0xC810]  }
0x228: {  	v17 =	vld [tilespmem:s29+$0xC820]  }
0x229: {  	v18 =	vld [tilespmem:s29+$0xC830]  }
0x22a: {  	v19 =	vld [tilespmem:s29+$0xC840]  }
0x22b: {  	v20 =	vld [tilespmem:s29+$0xC850]  }
0x22c: {  	v21 =	vld [tilespmem:s29+$0xC860]  }
0x22d: {  	v22 =	vld [tilespmem:s29+$0xC870]  }
0x22e: {  	v23 =	vld [tilespmem:s29+$0xCC00]  }
0x22f: {  	v24 =	vld [tilespmem:s29+$0xCC10]  }
0x230: {  	v25 =	vld [tilespmem:s29+$0xCC20]  }
0x231: {  	v26 =	vld [tilespmem:s29+$0xCC30]  }
0x232: {  	v27 =	vld [tilespmem:s29+$0xCC40]  }
0x233: {  	v28 =	vld [tilespmem:s29+$0xCC50]  }
0x234: {  	v29 =	vld [tilespmem:s29+$0xCC60]  }
0x235: {  	v30 =	vld [tilespmem:s29+$0xCC70]  }
0x236: {  	v31 =	vld [tilespmem:s29+$0xD000]  }
0x237: {  	v32 =	vld [tilespmem:s29+$0xD010]  }
0x238: {  	v33 =	vld [tilespmem:s29+$0xD020]  }
0x239: {  	v34 =	vld [tilespmem:s29+$0xD030]  }
0x23a: {  	v35 =	vld [tilespmem:s29+$0xD040]  }
0x23b: {  	v36 =	vld [tilespmem:s29+$0xD050]  }
0x23c: {  	v37 =	vld [tilespmem:s29+$0xD060]  }
0x23d: {  	v38 =	vld [tilespmem:s29+$0xD070]  }
0x23e: {  	v39 =	vld [tilespmem:s29+$0xD400]  }
0x23f: {  	v40 =	vld [tilespmem:s29+$0xD410]  }
0x240: {  	v41 =	vld [tilespmem:s29+$0xD420]  }
0x241: {  	v42 =	vld [tilespmem:s29+$0xD430]  }
0x242: {  	v43 =	vld [tilespmem:s29+$0xD440]  }
0x243: {  	v44 =	vld [tilespmem:s29+$0xD450]  }
0x244: {  	v45 =	vld [tilespmem:s29+$0xD460]  }
0x245: {  	v46 =	vld [tilespmem:s29+$0xD470]  }
0x246: {  	v47 =	vld [tilespmem:s29+$0xD800]  }
0x247: {  	v48 =	vld [tilespmem:s29+$0xD810]  }
0x248: {  	v49 =	vld [tilespmem:s29+$0xD820]  }
0x249: {  	v50 =	vld [tilespmem:s29+$0xD830]  }
0x24a: {  	v6 =	vld [tilespmem:s29+$0xD840]  }
0x24b: {  	v5 =	vld [tilespmem:s29+$0xD850]  }
0x24c: {  	[tilespmem:s29+$0x13870] =	vst.add.f32.msk $0xffff, v4  }
0x24d: {  	v4 =	vld [tilespmem:s29+$0xD860]  }
0x24e: {  	[tilespmem:s29+$0x12400] =	vst.add.f32.msk $0xffff, v7  }
0x24f: {  	[tilespmem:s29+$0x12410] =	vst.add.f32.msk $0xffff, v8  }
0x250: {  	[tilespmem:s29+$0x12420] =	vst.add.f32.msk $0xffff, v9  }
0x251: {  	[tilespmem:s29+$0x12430] =	vst.add.f32.msk $0xffff, v10  }
0x252: {  	[tilespmem:s29+$0x12440] =	vst.add.f32.msk $0xffff, v11  }
0x253: {  	[tilespmem:s29+$0x12450] =	vst.add.f32.msk $0xffff, v12  }
0x254: {  	[tilespmem:s29+$0x12460] =	vst.add.f32.msk $0xffff, v13  }
0x255: {  	[tilespmem:s29+$0x12470] =	vst.add.f32.msk $0xffff, v14  }
0x256: {  	[tilespmem:s29+$0x12800] =	vst.add.f32.msk $0xffff, v15  }
0x257: {  	[tilespmem:s29+$0x12810] =	vst.add.f32.msk $0xffff, v16  }
0x258: {  	[tilespmem:s29+$0x12820] =	vst.add.f32.msk $0xffff, v17  }
0x259: {  	[tilespmem:s29+$0x12830] =	vst.add.f32.msk $0xffff, v18  }
0x25a: {  	[tilespmem:s29+$0x12840] =	vst.add.f32.msk $0xffff, v19  }
0x25b: {  	[tilespmem:s29+$0x12850] =	vst.add.f32.msk $0xffff, v20  }
0x25c: {  	[tilespmem:s29+$0x12860] =	vst.add.f32.msk $0xffff, v21  }
0x25d: {  	[tilespmem:s29+$0x12870] =	vst.add.f32.msk $0xffff, v22  }
0x25e: {  	[tilespmem:s29+$0x12C00] =	vst.add.f32.msk $0xffff, v23  }
0x25f: {  	[tilespmem:s29+$0x12C10] =	vst.add.f32.msk $0xffff, v24  }
0x260: {  	[tilespmem:s29+$0x12C20] =	vst.add.f32.msk $0xffff, v25  }
0x261: {  	[tilespmem:s29+$0x12C30] =	vst.add.f32.msk $0xffff, v26  }
0x262: {  	[tilespmem:s29+$0x12C40] =	vst.add.f32.msk $0xffff, v27  }
0x263: {  	[tilespmem:s29+$0x12C50] =	vst.add.f32.msk $0xffff, v28  }
0x264: {  	[tilespmem:s29+$0x12C60] =	vst.add.f32.msk $0xffff, v29  }
0x265: {  	[tilespmem:s29+$0x12C70] =	vst.add.f32.msk $0xffff, v30  }
0x266: {  	[tilespmem:s29+$0x13000] =	vst.add.f32.msk $0xffff, v31  }
0x267: {  	[tilespmem:s29+$0x13010] =	vst.add.f32.msk $0xffff, v32  }
0x268: {  	[tilespmem:s29+$0x13020] =	vst.add.f32.msk $0xffff, v33  }
0x269: {  	[tilespmem:s29+$0x13030] =	vst.add.f32.msk $0xffff, v34  }
0x26a: {  	[tilespmem:s29+$0x13040] =	vst.add.f32.msk $0xffff, v35  }
0x26b: {  	[tilespmem:s29+$0x13050] =	vst.add.f32.msk $0xffff, v36  }
0x26c: {  	[tilespmem:s29+$0x13060] =	vst.add.f32.msk $0xffff, v37  }
0x26d: {  	[tilespmem:s29+$0x13070] =	vst.add.f32.msk $0xffff, v38  }
0x26e: {  	[tilespmem:s29+$0x13400] =	vst.add.f32.msk $0xffff, v39  }
0x26f: {  	[tilespmem:s29+$0x13410] =	vst.add.f32.msk $0xffff, v40  }
0x270: {  	[tilespmem:s29+$0x13420] =	vst.add.f32.msk $0xffff, v41  }
0x271: {  	[tilespmem:s29+$0x13430] =	vst.add.f32.msk $0xffff, v42  }
0x272: {  	[tilespmem:s29+$0x13440] =	vst.add.f32.msk $0xffff, v43  }
0x273: {  	[tilespmem:s29+$0x13450] =	vst.add.f32.msk $0xffff, v44  }
0x274: {  	[tilespmem:s29+$0x13460] =	vst.add.f32.msk $0xffff, v45  }
0x275: {  	[tilespmem:s29+$0x13470] =	vst.add.f32.msk $0xffff, v46  }
0x276: {  	[tilespmem:s29+$0x13800] =	vst.add.f32.msk $0xffff, v47  }
0x277: {  	[tilespmem:s29+$0x13810] =	vst.add.f32.msk $0xffff, v48  }
0x278: {  	[tilespmem:s29+$0x13820] =	vst.add.f32.msk $0xffff, v49  }
0x279: {  	s30 =	simm.s32 $0x2;
	s1 =	simm.s32 $0x0;
	[tilespmem:s29+$0x13830] =	vst.add.f32.msk $0xffff, v50  }
.LBB2_9:
0x27a: {  	p0 =	sne.s32 s30, $0x1F;
	s0 =	smul.u32 $0x1800, s1;
	[tilespmem:s29+$0x13840] =	vst.add.f32.msk $0xffff, v6;
	s28 =	sadd.s32 $0x80, s28  }
0x27b: {  	s1 =	sand.u32 $0x380, s28;
	[tilespmem:s29+$0x13850] =	vst.add.f32.msk $0xffff, v5  }
0x27c: {  	[tilespmem:s29+$0x13860] =	vst.add.f32.msk $0xffff, v4;
	s29 =	sor.u32 s1, s0  }
0x27d: {  	v4 =	vld [tilespmem:s29+$0xD870]  }
0x27e: {  	v7 =	vld [tilespmem:s29+$0xC400]  }
0x27f: {  	v8 =	vld [tilespmem:s29+$0xC410]  }
0x280: {  	v9 =	vld [tilespmem:s29+$0xC420]  }
0x281: {  	v10 =	vld [tilespmem:s29+$0xC430]  }
0x282: {  	[tilespmem:s29+$0x13870] =	vst.add.f32.msk $0xffff, v4  }
0x283: {  	v11 =	vld [tilespmem:s29+$0xC440]  }
0x284: {  	v12 =	vld [tilespmem:s29+$0xC450]  }
0x285: {  	v13 =	vld [tilespmem:s29+$0xC460]  }
0x286: {  	v14 =	vld [tilespmem:s29+$0xC470]  }
0x287: {  	v15 =	vld [tilespmem:s29+$0xC800]  }
0x288: {  	v16 =	vld [tilespmem:s29+$0xC810]  }
0x289: {  	v17 =	vld [tilespmem:s29+$0xC820]  }
0x28a: {  	v18 =	vld [tilespmem:s29+$0xC830]  }
0x28b: {  	v19 =	vld [tilespmem:s29+$0xC840]  }
0x28c: {  	v20 =	vld [tilespmem:s29+$0xC850]  }
0x28d: {  	v21 =	vld [tilespmem:s29+$0xC860]  }
0x28e: {  	v22 =	vld [tilespmem:s29+$0xC870]  }
0x28f: {  	v23 =	vld [tilespmem:s29+$0xCC00]  }
0x290: {  	v24 =	vld [tilespmem:s29+$0xCC10]  }
0x291: {  	v25 =	vld [tilespmem:s29+$0xCC20]  }
0x292: {  	v26 =	vld [tilespmem:s29+$0xCC30]  }
0x293: {  	v27 =	vld [tilespmem:s29+$0xCC40]  }
0x294: {  	v28 =	vld [tilespmem:s29+$0xCC50]  }
0x295: {  	v29 =	vld [tilespmem:s29+$0xCC60]  }
0x296: {  	v30 =	vld [tilespmem:s29+$0xCC70]  }
0x297: {  	v31 =	vld [tilespmem:s29+$0xD000]  }
0x298: {  	v32 =	vld [tilespmem:s29+$0xD010]  }
0x299: {  	v33 =	vld [tilespmem:s29+$0xD020]  }
0x29a: {  	v34 =	vld [tilespmem:s29+$0xD030]  }
0x29b: {  	v35 =	vld [tilespmem:s29+$0xD040]  }
0x29c: {  	v36 =	vld [tilespmem:s29+$0xD050]  }
0x29d: {  	v37 =	vld [tilespmem:s29+$0xD060]  }
0x29e: {  	v38 =	vld [tilespmem:s29+$0xD070]  }
0x29f: {  	v39 =	vld [tilespmem:s29+$0xD400]  }
0x2a0: {  	v40 =	vld [tilespmem:s29+$0xD410]  }
0x2a1: {  	v41 =	vld [tilespmem:s29+$0xD420]  }
0x2a2: {  	v42 =	vld [tilespmem:s29+$0xD430]  }
0x2a3: {  	v43 =	vld [tilespmem:s29+$0xD440]  }
0x2a4: {  	v44 =	vld [tilespmem:s29+$0xD450]  }
0x2a5: {  	v45 =	vld [tilespmem:s29+$0xD460]  }
0x2a6: {  	v46 =	vld [tilespmem:s29+$0xD470]  }
0x2a7: {  	v47 =	vld [tilespmem:s29+$0xD800]  }
0x2a8: {  	v48 =	vld [tilespmem:s29+$0xD810]  }
0x2a9: {  	v49 =	vld [tilespmem:s29+$0xD820]  }
0x2aa: {  	v50 =	vld [tilespmem:s29+$0xD830]  }
0x2ab: {  	v6 =	vld [tilespmem:s29+$0xD840]  }
0x2ac: {  	v5 =	vld [tilespmem:s29+$0xD850]  }
0x2ad: {  	v4 =	vld [tilespmem:s29+$0xD860]  }
0x2ae: {  	[tilespmem:s29+$0x12400] =	vst.add.f32.msk $0xffff, v7  }
0x2af: {  	[tilespmem:s29+$0x12410] =	vst.add.f32.msk $0xffff, v8  }
0x2b0: {  	[tilespmem:s29+$0x12420] =	vst.add.f32.msk $0xffff, v9  }
0x2b1: {  	[tilespmem:s29+$0x12430] =	vst.add.f32.msk $0xffff, v10  }
0x2b2: {  	[tilespmem:s29+$0x12440] =	vst.add.f32.msk $0xffff, v11  }
0x2b3: {  	[tilespmem:s29+$0x12450] =	vst.add.f32.msk $0xffff, v12  }
0x2b4: {  	[tilespmem:s29+$0x12460] =	vst.add.f32.msk $0xffff, v13  }
0x2b5: {  	[tilespmem:s29+$0x12470] =	vst.add.f32.msk $0xffff, v14  }
0x2b6: {  	[tilespmem:s29+$0x12800] =	vst.add.f32.msk $0xffff, v15  }
0x2b7: {  	[tilespmem:s29+$0x12810] =	vst.add.f32.msk $0xffff, v16  }
0x2b8: {  	[tilespmem:s29+$0x12820] =	vst.add.f32.msk $0xffff, v17  }
0x2b9: {  	[tilespmem:s29+$0x12830] =	vst.add.f32.msk $0xffff, v18  }
0x2ba: {  	[tilespmem:s29+$0x12840] =	vst.add.f32.msk $0xffff, v19  }
0x2bb: {  	[tilespmem:s29+$0x12850] =	vst.add.f32.msk $0xffff, v20  }
0x2bc: {  	[tilespmem:s29+$0x12860] =	vst.add.f32.msk $0xffff, v21  }
0x2bd: {  	[tilespmem:s29+$0x12870] =	vst.add.f32.msk $0xffff, v22  }
0x2be: {  	[tilespmem:s29+$0x12C00] =	vst.add.f32.msk $0xffff, v23  }
0x2bf: {  	[tilespmem:s29+$0x12C10] =	vst.add.f32.msk $0xffff, v24  }
0x2c0: {  	[tilespmem:s29+$0x12C20] =	vst.add.f32.msk $0xffff, v25  }
0x2c1: {  	[tilespmem:s29+$0x12C30] =	vst.add.f32.msk $0xffff, v26  }
0x2c2: {  	[tilespmem:s29+$0x12C40] =	vst.add.f32.msk $0xffff, v27  }
0x2c3: {  	[tilespmem:s29+$0x12C50] =	vst.add.f32.msk $0xffff, v28  }
0x2c4: {  	[tilespmem:s29+$0x12C60] =	vst.add.f32.msk $0xffff, v29  }
0x2c5: {  	[tilespmem:s29+$0x12C70] =	vst.add.f32.msk $0xffff, v30  }
0x2c6: {  	[tilespmem:s29+$0x13000] =	vst.add.f32.msk $0xffff, v31  }
0x2c7: {  	[tilespmem:s29+$0x13010] =	vst.add.f32.msk $0xffff, v32  }
0x2c8: {  	[tilespmem:s29+$0x13020] =	vst.add.f32.msk $0xffff, v33  }
0x2c9: {  	[tilespmem:s29+$0x13030] =	vst.add.f32.msk $0xffff, v34  }
0x2ca: {  	[tilespmem:s29+$0x13040] =	vst.add.f32.msk $0xffff, v35  }
0x2cb: {  	[tilespmem:s29+$0x13050] =	vst.add.f32.msk $0xffff, v36  }
0x2cc: {  	[tilespmem:s29+$0x13060] =	vst.add.f32.msk $0xffff, v37  }
0x2cd: {  	[tilespmem:s29+$0x13070] =	vst.add.f32.msk $0xffff, v38  }
0x2ce: {  	[tilespmem:s29+$0x13400] =	vst.add.f32.msk $0xffff, v39  }
0x2cf: {  	[tilespmem:s29+$0x13410] =	vst.add.f32.msk $0xffff, v40  }
0x2d0: {  	[tilespmem:s29+$0x13420] =	vst.add.f32.msk $0xffff, v41  }
0x2d1: {  	[tilespmem:s29+$0x13430] =	vst.add.f32.msk $0xffff, v42  }
0x2d2: {  	[tilespmem:s29+$0x13440] =	vst.add.f32.msk $0xffff, v43  }
0x2d3: {  	[tilespmem:s29+$0x13450] =	vst.add.f32.msk $0xffff, v44  }
0x2d4: {  	[tilespmem:s29+$0x13460] =	vst.add.f32.msk $0xffff, v45  }
.Ltmp8:
0x2d5: {  	[tilespmem:s29+$0x13470] =	vst.add.f32.msk $0xffff, v46;
	(pc) =	sbr.rel @p0 .LBB2_9-.Ltmp8, $4  }
0x2d6: {  	[tilespmem:s29+$0x13800] =	vst.add.f32.msk $0xffff, v47  }
0x2d7: {  	[tilespmem:s29+$0x13810] =	vst.add.f32.msk $0xffff, v48  }
0x2d8: {  	[tilespmem:s29+$0x13820] =	vst.add.f32.msk $0xffff, v49  }
0x2d9: {  	s1 =	sshrl.u32 s30, $0x3;
	s30 =	sadd.s32 $0x1, s30;
	[tilespmem:s29+$0x13830] =	vst.add.f32.msk $0xffff, v50  }
0x2da: {  	s0 =	smul.u32 $0x1800, s1;
	[tilespmem:s29+$0x13840] =	vst.add.f32.msk $0xffff, v6;
	s30 =	sadd.s32 $0x80, s28  }
0x2db: {  	[tilespmem:s29+$0x13850] =	vst.add.f32.msk $0xffff, v5;
	s1 =	sand.u32 $0x380, s30  }
0x2dc: {  	[tilespmem:s29+$0x13860] =	vst.add.f32.msk $0xffff, v4;
	s31 =	sor.u32 s1, s0  }
0x2dd: {  	v4 =	vld [tilespmem:s31+$0xD870]  }
0x2de: {  	v5 =	vld [tilespmem:s31+$0xC400]  }
0x2df: {  	v6 =	vld [tilespmem:s31+$0xC410]  }
0x2e0: {  	v7 =	vld [tilespmem:s31+$0xC420]  }
0x2e1: {  	v8 =	vld [tilespmem:s31+$0xC430]  }
0x2e2: {  	v9 =	vld [tilespmem:s31+$0xC450]  }
0x2e3: {  	v10 =	vld [tilespmem:s31+$0xC460]  }
0x2e4: {  	v11 =	vld [tilespmem:s31+$0xC470]  }
0x2e5: {  	v12 =	vld [tilespmem:s31+$0xC800]  }
0x2e6: {  	v13 =	vld [tilespmem:s31+$0xC810]  }
0x2e7: {  	v14 =	vld [tilespmem:s31+$0xC820]  }
0x2e8: {  	v15 =	vld [tilespmem:s31+$0xC830]  }
0x2e9: {  	v16 =	vld [tilespmem:s31+$0xC840]  }
0x2ea: {  	v17 =	vld [tilespmem:s31+$0xC850]  }
0x2eb: {  	v18 =	vld [tilespmem:s31+$0xC860]  }
0x2ec: {  	v19 =	vld [tilespmem:s31+$0xC870]  }
0x2ed: {  	v20 =	vld [tilespmem:s31+$0xCC00]  }
0x2ee: {  	v21 =	vld [tilespmem:s31+$0xCC10]  }
0x2ef: {  	v22 =	vld [tilespmem:s31+$0xCC20]  }
0x2f0: {  	v23 =	vld [tilespmem:s31+$0xCC30]  }
0x2f1: {  	v24 =	vld [tilespmem:s31+$0xCC40]  }
0x2f2: {  	v25 =	vld [tilespmem:s31+$0xCC50]  }
0x2f3: {  	v26 =	vld [tilespmem:s31+$0xCC60]  }
0x2f4: {  	v27 =	vld [tilespmem:s31+$0xCC70]  }
0x2f5: {  	v28 =	vld [tilespmem:s31+$0xD000]  }
0x2f6: {  	v29 =	vld [tilespmem:s31+$0xD010]  }
0x2f7: {  	v30 =	vld [tilespmem:s31+$0xD020]  }
0x2f8: {  	v31 =	vld [tilespmem:s31+$0xD030]  }
0x2f9: {  	v32 =	vld [tilespmem:s31+$0xD040]  }
0x2fa: {  	v33 =	vld [tilespmem:s31+$0xD050]  }
0x2fb: {  	v34 =	vld [tilespmem:s31+$0xD060]  }
0x2fc: {  	v35 =	vld [tilespmem:s31+$0xD070]  }
0x2fd: {  	v36 =	vld [tilespmem:s31+$0xD400]  }
0x2fe: {  	v37 =	vld [tilespmem:s31+$0xD410]  }
0x2ff: {  	v38 =	vld [tilespmem:s31+$0xD420]  }
0x300: {  	v39 =	vld [tilespmem:s31+$0xD430]  }
0x301: {  	v40 =	vld [tilespmem:s31+$0xD440]  }
0x302: {  	v41 =	vld [tilespmem:s31+$0xD450]  }
0x303: {  	v42 =	vld [tilespmem:s31+$0xD460]  }
0x304: {  	v43 =	vld [tilespmem:s31+$0xD470]  }
0x305: {  	v44 =	vld [tilespmem:s31+$0xD800]  }
0x306: {  	v45 =	vld [tilespmem:s31+$0xD810]  }
0x307: {  	v46 =	vld [tilespmem:s31+$0xD820]  }
0x308: {  	v47 =	vld [tilespmem:s31+$0xD830]  }
0x309: {  	v48 =	vld [tilespmem:s31+$0xD840]  }
0x30a: {  	v49 =	vld [tilespmem:s31+$0xD850]  }
0x30b: {  	v50 =	vld [tilespmem:s31+$0xD860]  }
0x30c: {  	[tilespmem:s31+$0x13870] =	vst.add.f32.msk $0xffff, v4  }
0x30d: {  	v4 =	vld [tilespmem:s31+$0xC440]  }
0x30e: {  	[tilespmem:s31+$0x12400] =	vst.add.f32.msk $0xffff, v5  }
0x30f: {  	[tilespmem:s31+$0x12410] =	vst.add.f32.msk $0xffff, v6  }
0x310: {  	[tilespmem:s31+$0x12420] =	vst.add.f32.msk $0xffff, v7  }
0x311: {  	[tilespmem:s31+$0x12430] =	vst.add.f32.msk $0xffff, v8  }
0x312: {  	[tilespmem:s31+$0x12450] =	vst.add.f32.msk $0xffff, v9  }
0x313: {  	[tilespmem:s31+$0x12460] =	vst.add.f32.msk $0xffff, v10  }
0x314: {  	[tilespmem:s31+$0x12470] =	vst.add.f32.msk $0xffff, v11  }
0x315: {  	[tilespmem:s31+$0x12800] =	vst.add.f32.msk $0xffff, v12  }
0x316: {  	[tilespmem:s31+$0x12810] =	vst.add.f32.msk $0xffff, v13  }
0x317: {  	[tilespmem:s31+$0x12820] =	vst.add.f32.msk $0xffff, v14  }
0x318: {  	[tilespmem:s31+$0x12830] =	vst.add.f32.msk $0xffff, v15  }
0x319: {  	[tilespmem:s31+$0x12840] =	vst.add.f32.msk $0xffff, v16  }
0x31a: {  	[tilespmem:s31+$0x12850] =	vst.add.f32.msk $0xffff, v17  }
0x31b: {  	[tilespmem:s31+$0x12860] =	vst.add.f32.msk $0xffff, v18  }
0x31c: {  	[tilespmem:s31+$0x12870] =	vst.add.f32.msk $0xffff, v19  }
0x31d: {  	[tilespmem:s31+$0x12C00] =	vst.add.f32.msk $0xffff, v20  }
0x31e: {  	[tilespmem:s31+$0x12C10] =	vst.add.f32.msk $0xffff, v21  }
0x31f: {  	[tilespmem:s31+$0x12C20] =	vst.add.f32.msk $0xffff, v22  }
0x320: {  	[tilespmem:s31+$0x12C30] =	vst.add.f32.msk $0xffff, v23  }
0x321: {  	[tilespmem:s31+$0x12C40] =	vst.add.f32.msk $0xffff, v24  }
0x322: {  	[tilespmem:s31+$0x12C50] =	vst.add.f32.msk $0xffff, v25  }
0x323: {  	[tilespmem:s31+$0x12C60] =	vst.add.f32.msk $0xffff, v26  }
0x324: {  	[tilespmem:s31+$0x12C70] =	vst.add.f32.msk $0xffff, v27  }
0x325: {  	[tilespmem:s31+$0x13000] =	vst.add.f32.msk $0xffff, v28  }
0x326: {  	[tilespmem:s31+$0x13010] =	vst.add.f32.msk $0xffff, v29  }
0x327: {  	[tilespmem:s31+$0x13020] =	vst.add.f32.msk $0xffff, v30  }
0x328: {  	[tilespmem:s31+$0x13030] =	vst.add.f32.msk $0xffff, v31  }
0x329: {  	[tilespmem:s31+$0x13040] =	vst.add.f32.msk $0xffff, v32  }
0x32a: {  	[tilespmem:s31+$0x13050] =	vst.add.f32.msk $0xffff, v33  }
0x32b: {  	[tilespmem:s31+$0x13060] =	vst.add.f32.msk $0xffff, v34  }
0x32c: {  	[tilespmem:s31+$0x13070] =	vst.add.f32.msk $0xffff, v35  }
0x32d: {  	[tilespmem:s31+$0x13400] =	vst.add.f32.msk $0xffff, v36  }
0x32e: {  	[tilespmem:s31+$0x13410] =	vst.add.f32.msk $0xffff, v37  }
0x32f: {  	[tilespmem:s31+$0x13420] =	vst.add.f32.msk $0xffff, v38  }
0x330: {  	[tilespmem:s31+$0x13430] =	vst.add.f32.msk $0xffff, v39  }
0x331: {  	[tilespmem:s31+$0x13440] =	vst.add.f32.msk $0xffff, v40  }
0x332: {  	[tilespmem:s31+$0x13450] =	vst.add.f32.msk $0xffff, v41  }
0x333: {  	[tilespmem:s31+$0x13460] =	vst.add.f32.msk $0xffff, v42  }
0x334: {  	[tilespmem:s31+$0x13470] =	vst.add.f32.msk $0xffff, v43  }
0x335: {  	[tilespmem:s31+$0x13800] =	vst.add.f32.msk $0xffff, v44  }
0x336: {  	[tilespmem:s31+$0x13810] =	vst.add.f32.msk $0xffff, v45  }
0x337: {  	[tilespmem:s31+$0x13820] =	vst.add.f32.msk $0xffff, v46  }
.Ltmp9:
0x338: {  	[tilespmem:s31+$0x13830] =	vst.add.f32.msk $0xffff, v47;
	(pc) =	sbr.rel .LBB2_11-.Ltmp9, $4  }
0x339: {  	[tilespmem:s31+$0x13840] =	vst.add.f32.msk $0xffff, v48  }
0x33a: {  	[tilespmem:s31+$0x13850] =	vst.add.f32.msk $0xffff, v49  }
0x33b: {  	[tilespmem:s31+$0x13860] =	vst.add.f32.msk $0xffff, v50  }
0x33c: {  	[tilespmem:s31+$0x12440] =	vst.add.f32.msk $0xffff, v4  }
.LBB2_13:
0x33d: {  	_ =	sfence.sel $0x180000  }
0x33e: {  	[bflag:$0x0] =	sbarrier.arrive $0xFFFF  }
0x33f: {  	_ =	strace $0x90000047  }
0x340: {  	s0 =	stileid.u32;
	[bflag:$0x2] =	sbarrier.arrive $0xFFFF  }
0x341: {  	p0 =	sne.s32 s0, $0x0;
	s0 =	rddreg [dreg:$0x3]  }
0x342: {  	s0 =	sadd.s32 @!p0 $0x100000, s0  }
0x343: {  	[sflag:s0] =	ssyncadd.tile.s32 @!p0 $0x1;
	_ =	shalt  }
.Lfunc_end2:
_tile_overlayer_lowered:
.L_overlay_start_2:
0x344: {  	(tag) =	ssettag $0x2  }
0x345: {  	s0 =	rddreg [dreg:$0x0];
	s2 =	stileid.u32  }
0x346: {  	s1 =	rddreg [dreg:$0x1];
	p0 =	sne.s32 s2, $0x0  }
0x347: {  	s3 =	rddreg [dreg:$0x2];
	[bflag:$0x3] =	sbarrier.arrive $0xFFFF;
	s2 =	simm.s32 @!p0 $0x1C03  }
0x348: {  	[timem:s3], [sflag:s2] =	dma.local @!p0 [hbm:s0], s1  }
0x349: {  	s0 =	simm.s32 @!p0 $0x3  }
0x34a: {  	_ =	swait.ge @!p0 [sflag:s0], s1  }
0x34b: {  	s1 =	ssub.s32 @!p0 $0x0, s1;
	[sflag:s0] =	ssyncset.done @!p0 $0x0  }
0x34c: {  	[sflag:s0] =	ssyncadd.s32 @!p0 s1  }
0x34d: {  	[bflag:$0x3] =	sbarrier.arrive $0xFFFF  }
0x34e: {  	_ =	shalt  }

</sc_bundles>
